<compile_context>
chip_gen: v7x
topology: tpu7x:2x2x1
jax: 0.10.2.dev20260603
libtpu: 0.0.44.dev20260713+nightly
codegen_flags: <defaults>
</compile_context>

<pallas_src>
import functools

import jax
import jax.numpy as jnp
from jax import lax
from jax.experimental import pallas as pl
from jax.experimental.pallas import tpu as pltpu
from jax.experimental.pallas import tpu_sc as plsc

_NC = 2
_NS = 16
_NW = _NC * _NS
_C = 128


def _make_seg_kernel(n_pad, nb, blk, bsz):
    mesh = plsc.VectorSubcoreMesh(core_axis_name="c", subcore_axis_name="s")

    @functools.partial(
        pl.kernel,
        mesh=mesh,
        out_type=(
            jax.ShapeDtypeStruct((n_pad, 128), jnp.float32),
            jax.ShapeDtypeStruct((n_pad, 16), jnp.float32),
        ),
        scratch_types=[
            pltpu.VMEM((bsz,), jnp.int32),
            pltpu.VMEM((_C,), jnp.int32),
            pltpu.VMEM((_C + 16,), jnp.int32),
            pltpu.VMEM((_C, 128), jnp.float32),
            pltpu.VMEM((blk + 1, 128), jnp.float32),
            pltpu.VMEM((blk + 1, 16), jnp.float32),
            pltpu.SemaphoreType.DMA,
        ],
    )
    def seg(h_hbm, src_hbm, dst_hbm, bounds_hbm, sum_hbm, cnt_hbm,
            bounds_v, sidx_v, dval_v, rows_v, acc_v, cnt_v, sem):
        cid = lax.axis_index("c")
        sid = lax.axis_index("s")
        wid = sid * _NC + cid
        pltpu.sync_copy(bounds_hbm, bounds_v)

        zero16 = jnp.zeros((16,), jnp.float32)
        ones16 = jnp.ones((16,), jnp.float32)

        def block(b, carry0):
            g = wid * nb + b
            dst_lo = g * blk
            bvec = bounds_v[pl.ds(g, 16)]
            e_lo = bvec[0]
            e_hi = bvec[1]
            base = (e_lo // 8) * 8
            nchunks = (e_hi - base + (_C - 1)) // _C

            def zrow(i, carry):
                for l in range(8):
                    acc_v[i, pl.ds(16 * l, 16)] = zero16
                cnt_v[i, :] = zero16
                return carry

            lax.fori_loop(0, blk + 1, zrow, 0)

            def chunk(k, carry):
                e0 = base + k * _C
                pltpu.sync_copy(src_hbm.at[pl.ds(e0, _C)], sidx_v)
                pltpu.sync_copy(dst_hbm.at[pl.ds(e0, _C)],
                                dval_v.at[pl.ds(0, _C)])
                pltpu.async_copy(h_hbm.at[sidx_v], rows_v, sem).wait()

                def edge(j, cc):
                    dl = dval_v[pl.ds(j, 16)][0] - dst_lo
                    valid = (dl >= 0) & (dl < blk)
                    dl = jnp.where(valid, dl, blk)
                    for l in range(8):
                        sl = pl.ds(16 * l, 16)
                        acc_v[dl, sl] = acc_v[dl, sl] + rows_v[j, sl]
                    cnt_v[dl, :] = cnt_v[dl, :] + ones16
                    return cc

                lax.fori_loop(0, _C, edge, 0)
                return carry

            lax.fori_loop(0, nchunks, chunk, 0)

            pltpu.sync_copy(acc_v.at[pl.ds(0, blk)],
                            sum_hbm.at[pl.ds(dst_lo, blk)])
            pltpu.sync_copy(cnt_v.at[pl.ds(0, blk)],
                            cnt_hbm.at[pl.ds(dst_lo, blk)])
            return carry0

        lax.fori_loop(0, nb, block, 0)

    return seg


def _tc_block(sum_ref, cnt_ref, xt_ref, wl_ref, wr_ref, b_ref, out_ref, *, relu):
    cnt = cnt_ref[:, 0:1]
    mean = sum_ref[:] / jnp.maximum(cnt, 1.0)
    acc = jnp.dot(mean, wl_ref[:], preferred_element_type=jnp.float32)
    acc = acc + jnp.dot(xt_ref[:], wr_ref[:], preferred_element_type=jnp.float32)
    acc = acc + b_ref[:]
    out_ref[:] = jnp.maximum(acc, 0.0) if relu else acc


def _sage_dense(summed, cnt16, x_tgt, Wl, Wr, b, relu, blk):
    n = summed.shape[0]
    return pl.pallas_call(
        functools.partial(_tc_block, relu=relu),
        grid=(n // blk,),
        in_specs=[
            pl.BlockSpec((blk, 128), lambda i: (i, 0)),
            pl.BlockSpec((blk, 16), lambda i: (i, 0)),
            pl.BlockSpec((blk, 128), lambda i: (i, 0)),
            pl.BlockSpec((128, 128), lambda i: (0, 0)),
            pl.BlockSpec((128, 128), lambda i: (0, 0)),
            pl.BlockSpec((1, 128), lambda i: (0, 0)),
        ],
        out_specs=pl.BlockSpec((blk, 128), lambda i: (i, 0)),
        out_shape=jax.ShapeDtypeStruct((n, 128), jnp.float32),
    )(summed, cnt16, x_tgt, Wl, Wr, b)


_CFG = {20000: (4, 1000), 8000: (2, 1000), 4096: (1, 512)}


def _layer(h, src, dst, n_tgt, Wl, Wr, b, relu):
    e = src.shape[0]
    nb, tc_blk = _CFG[n_tgt]
    blk = -(-n_tgt // (_NW * nb * 8)) * 8
    n_pad = blk * _NW * nb
    ng = _NW * nb
    bsz = ((ng + 16 + 7) // 8) * 8
    boundaries = jnp.arange(ng + 1, dtype=jnp.int32) * blk
    ebounds = jnp.searchsorted(dst.astype(jnp.int32), boundaries, side="left")
    ebounds = jnp.pad(ebounds.astype(jnp.int32), (0, bsz - (ng + 1)),
                      constant_values=e)
    src_p = jnp.pad(src.astype(jnp.int32), (0, _C))
    dst_p = jnp.pad(dst.astype(jnp.int32), (0, _C), constant_values=n_pad)
    summed, cnt16 = _make_seg_kernel(n_pad, nb, blk, bsz)(h, src_p, dst_p, ebounds)
    return _sage_dense(summed[:n_tgt], cnt16[:n_tgt], h[:n_tgt], Wl, Wr,
                       b.reshape(1, 128), relu, tc_blk)


def kernel(x, src0, dst0, src1, dst1, src2, dst2,
           Wl0, Wr0, b0, Wl1, Wr1, b1, Wl2, Wr2, b2):
    h = _layer(x, src0, dst0, 20000, Wl0, Wr0, b0, True)
    h = _layer(h, src1, dst1, 8000, Wl1, Wr1, b1, False)
    h = _layer(h, src2, dst2, 4096, Wl2, Wr2, b2, True)
    return h

# --- scband reference (transcript-rebuilt; emitter-appended) ---
"""Pipeline reference for scband-gnn-64510408786469 (READ-ONLY COPY).

The authoritative reference and input builder live on the scoring server;
editing this copy changes nothing except your own understanding.
"""

import jax, jax.numpy as jnp
import numpy as np

N0, N1, N2, N3 = 50000, 20000, 8000, 4096
E0, E1, E2 = 320000, 128000, 65536
D_IN, D_HID, D_OUT = 128, 128, 128
NUM_LAYERS = 2  # as in the torch module; builds 3 convs, loop runs over 3 adjs


def setup_inputs(seed: int = 0) -> dict:
    key = jax.random.key(seed)
    ks = jax.random.split(key, 20)
    inp = {}
    inp["x"] = jax.random.normal(ks[0], (N0, D_IN), dtype=jnp.float32)
    inp["src0"] = jax.random.randint(ks[1], (E0,), 0, N0)
    inp["dst0"] = jnp.sort(jax.random.randint(ks[2], (E0,), 0, N1))
    inp["src1"] = jax.random.randint(ks[3], (E1,), 0, N1)
    inp["dst1"] = jnp.sort(jax.random.randint(ks[4], (E1,), 0, N2))
    inp["src2"] = jax.random.randint(ks[5], (E2,), 0, N2)
    inp["dst2"] = jnp.sort(jax.random.randint(ks[6], (E2,), 0, N3))
    # SAGEConv params: lin_l (on aggregated neighbors, with bias), lin_r (root, no bias)
    dims = [(D_IN, D_HID), (D_HID, D_HID), (D_HID, D_OUT)]
    for i, (di, do) in enumerate(dims):
        inp[f"Wl{i}"] = jax.random.normal(ks[7 + 3 * i], (di, do), dtype=jnp.float32) * 0.05
        inp[f"Wr{i}"] = jax.random.normal(ks[8 + 3 * i], (di, do), dtype=jnp.float32) * 0.05
        inp[f"b{i}"] = jnp.zeros((do,), dtype=jnp.float32)
    return inp


def _sage_conv(x_src, x_tgt, src, dst, n_tgt, Wl, Wr, b):
    # PyG SAGEConv, mean aggregation, bipartite (x_src, x_tgt):
    # out = lin_l(mean_{j->i} x_src[j]) + lin_r(x_tgt[i])
    msgs = x_src[src]
    summed = jax.ops.segment_sum(msgs, dst, num_segments=n_tgt)
    cnt = jax.ops.segment_sum(jnp.ones((src.shape[0], 1), x_src.dtype), dst, num_segments=n_tgt)
    mean = summed / jnp.maximum(cnt, 1.0)
    return mean @ Wl + b + x_tgt @ Wr


def reference(x, src0, dst0, src1, dst1, src2, dst2,
              Wl0, Wr0, b0, Wl1, Wr1, b1, Wl2, Wr2, b2):
    adjs = [(src0, dst0, N1), (src1, dst1, N2), (src2, dst2, N3)]
    params = [(Wl0, Wr0, b0), (Wl1, Wr1, b1), (Wl2, Wr2, b2)]
    h = x
    for i, ((s, d, n_tgt), (Wl, Wr, b)) in enumerate(zip(adjs, params)):
        x_tgt = h[:n_tgt]
        h = _sage_conv(h, x_tgt, s, d, n_tgt, Wl, Wr, b)
        if i != NUM_LAYERS - 1:  # faithful to torch code: relu at i=0 and i=2
            h = jax.nn.relu(h)
            # dropout(p=0.5, training=self.training) -> identity in eval mode
    return h

if __name__ == "__main__":
    import jax
    _d = setup_inputs()
    print(jax.jit(kernel)(*tuple(_d.values())))

</pallas_src>

<mosaic_0001>
#map = affine_map<(d0, d1) -> (0, 0)>
#map1 = affine_map<(d0, d1) -> (0)>
module attributes {stable_mosaic.version = 14 : i64} {
  func.func @seg(%arg0: i32, %arg1: i32, %arg2: memref<50000x128xf32, #tpu.memory_space<hbm>>, %arg3: memref<320128xi32, #tpu.memory_space<hbm>>, %arg4: memref<320128xi32, #tpu.memory_space<hbm>>, %arg5: memref<144xi32, #tpu.memory_space<hbm>>, %arg6: memref<20480x128xf32, #tpu.memory_space<hbm>>, %arg7: memref<20480x16xf32, #tpu.memory_space<hbm>>, %arg8: memref<144xi32, #tpu.memory_space<vmem>>, %arg9: memref<128xi32, #tpu.memory_space<vmem>>, %arg10: memref<144xi32, #tpu.memory_space<vmem>>, %arg11: memref<128x128xf32, #tpu.memory_space<vmem>>, %arg12: memref<161x128xf32, #tpu.memory_space<vmem>>, %arg13: memref<161x16xf32, #tpu.memory_space<vmem>>, %arg14: memref<!tpu.dma_semaphore, #tpu.memory_space<semaphore_mem>>) attributes {dimension_semantics = [#tpu.dimension_semantics<core_parallel>, #tpu.dimension_semantics<subcore_parallel>], iteration_bounds = array<i64: 2, 16>, scalar_prefetch = 0 : i64, scratch_operands = 7 : i64, tpu.core_type = #tpu.core_type<sc_vector_subcore>, window_params = [{transform_indices = #map}, {transform_indices = #map1}, {transform_indices = #map1}, {transform_indices = #map1}, {transform_indices = #map}, {transform_indices = #map}]} {
    %mul3A = arith.constant 2 : i32
    %mul3A_0 = arith.muli %arg1, %mul3A : i32
    %add3A = arith.addi %mul3A_0, %arg0 : i32
    "tpu.region"() ({
      %run_scoped3A = tpu.sem_alloc : memref<!tpu.dma_semaphore, #tpu.memory_space<semaphore_mem>>
      tpu.enqueue_dma source(%arg5 : memref<144xi32, #tpu.memory_space<hbm>>) target(%arg8 : memref<144xi32, #tpu.memory_space<vmem>>) target_semaphore(%run_scoped3A : memref<!tpu.dma_semaphore, #tpu.memory_space<semaphore_mem>>)
      tpu.wait_dma2 semaphore(%run_scoped3A : memref<!tpu.dma_semaphore, #tpu.memory_space<semaphore_mem>>) src(%arg5 : memref<144xi32, #tpu.memory_space<hbm>>) dst(%arg8 : memref<144xi32, #tpu.memory_space<vmem>>)
      tpu.yield
    }) : () -> ()
    %broadcast_in_dim3A = arith.constant 0.000000e+00 : f32
    %broadcast_in_dim3A_1 = vector.broadcast %broadcast_in_dim3A : f32 to vector<16xf32>
    %broadcast_in_dim3A_2 = arith.constant 1.000000e+00 : f32
    %broadcast_in_dim3A_3 = vector.broadcast %broadcast_in_dim3A_2 : f32 to vector<16xf32>
    %scan3A = arith.constant 0 : i32
    %scan3A_4 = arith.constant 0 : i32
    %scan3A_5 = arith.constant 4 : i32
    %scan3A_6 = arith.addi %scan3A_4, %scan3A_5 : i32
    %scan3A_7 = arith.constant 1 : i32
    scf.for %scan3A_9 = %scan3A_4 to %scan3A_6 step %scan3A_7  : i32 {
      %mul3A_10 = arith.constant 4 : i32
      %mul3A_11 = arith.muli %add3A, %mul3A_10 : i32
      %add3A_12 = arith.addi %mul3A_11, %scan3A_9 : i32
      %mul3A_13 = arith.constant 160 : i32
      %mul3A_14 = arith.muli %add3A_12, %mul3A_13 : i32
      %get3A = arith.index_cast %add3A_12 : i32 to index
      %get3A_15 = tpu.vector_load %arg8[%get3A] {strides = array<i32>} : memref<144xi32, #tpu.memory_space<vmem>>, vector<16xi32>,
      %get3A_16 = vector.shape_cast %get3A_15 : vector<16xi32> to vector<16xi32>
      %slice3A = vector.extract_strided_slice %get3A_16 {offsets = [0], sizes = [1], strides = [1]} : vector<16xi32> to vector<1xi32>
      %squeeze3A = vector.extract %slice3A[0] : i32 from vector<1xi32>
      %slice3A_17 = vector.extract_strided_slice %get3A_16 {offsets = [1], sizes = [1], strides = [1]} : vector<16xi32> to vector<1xi32>
      %squeeze3A_18 = vector.extract %slice3A_17[0] : i32 from vector<1xi32>
      %jit3A = arith.constant 8 : i32
      %div3A = arith.divsi %squeeze3A, %jit3A : i32
      %sign3A = arith.constant 0 : i32
      %sign3A_19 = arith.cmpi sgt, %squeeze3A, %sign3A : i32
      %sign3A_20 = arith.extui %sign3A_19 : i1 to i32
      %sign3A_21 = arith.constant 0 : i32
      %sign3A_22 = arith.cmpi slt, %squeeze3A, %sign3A_21 : i32
      %sign3A_23 = arith.extui %sign3A_22 : i1 to i32
      %sign3A_24 = arith.subi %sign3A_20, %sign3A_23 : i32
      %sign3A_25 = arith.constant 0 : i32
      %sign3A_26 = arith.cmpi sgt, %jit3A, %sign3A_25 : i32
      %sign3A_27 = arith.extui %sign3A_26 : i1 to i32
      %sign3A_28 = arith.constant 0 : i32
      %sign3A_29 = arith.cmpi slt, %jit3A, %sign3A_28 : i32
      %sign3A_30 = arith.extui %sign3A_29 : i1 to i32
      %sign3A_31 = arith.subi %sign3A_27, %sign3A_30 : i32
      %ne3A = arith.cmpi ne, %sign3A_24, %sign3A_31 : i32
      %rem3A = arith.remsi %squeeze3A, %jit3A : i32
      %ne3A_32 = arith.constant 0 : i32
      %ne3A_33 = arith.cmpi ne, %rem3A, %ne3A_32 : i32
      %and3A = arith.andi %ne3A, %ne3A_33 : i1
      %sub3A = arith.constant 1 : i32
      %sub3A_34 = arith.subi %div3A, %sub3A : i32
      %select_n3A = arith.select %and3A, %sub3A_34, %div3A : i32
      %mul3A_35 = arith.constant 8 : i32
      %mul3A_36 = arith.muli %select_n3A, %mul3A_35 : i32
      %sub3A_37 = arith.subi %squeeze3A_18, %mul3A_36 : i32
      %add3A_38 = arith.constant 127 : i32
      %add3A_39 = arith.addi %sub3A_37, %add3A_38 : i32
      %jit3A_40 = arith.constant 128 : i32
      %div3A_41 = arith.divsi %add3A_39, %jit3A_40 : i32
      %sign3A_42 = arith.constant 0 : i32
      %sign3A_43 = arith.cmpi sgt, %add3A_39, %sign3A_42 : i32
      %sign3A_44 = arith.extui %sign3A_43 : i1 to i32
      %sign3A_45 = arith.constant 0 : i32
      %sign3A_46 = arith.cmpi slt, %add3A_39, %sign3A_45 : i32
      %sign3A_47 = arith.extui %sign3A_46 : i1 to i32
      %sign3A_48 = arith.subi %sign3A_44, %sign3A_47 : i32
      %sign3A_49 = arith.constant 0 : i32
      %sign3A_50 = arith.cmpi sgt, %jit3A_40, %sign3A_49 : i32
      %sign3A_51 = arith.extui %sign3A_50 : i1 to i32
      %sign3A_52 = arith.constant 0 : i32
      %sign3A_53 = arith.cmpi slt, %jit3A_40, %sign3A_52 : i32
      %sign3A_54 = arith.extui %sign3A_53 : i1 to i32
      %sign3A_55 = arith.subi %sign3A_51, %sign3A_54 : i32
      %ne3A_56 = arith.cmpi ne, %sign3A_48, %sign3A_55 : i32
      %rem3A_57 = arith.remsi %add3A_39, %jit3A_40 : i32
      %ne3A_58 = arith.constant 0 : i32
      %ne3A_59 = arith.cmpi ne, %rem3A_57, %ne3A_58 : i32
      %and3A_60 = arith.andi %ne3A_56, %ne3A_59 : i1
      %sub3A_61 = arith.constant 1 : i32
      %sub3A_62 = arith.subi %div3A_41, %sub3A_61 : i32
      %select_n3A_63 = arith.select %and3A_60, %sub3A_62, %div3A_41 : i32
      %scan3A_64 = arith.constant 0 : i32
      %scan3A_65 = arith.constant 0 : i32
      %scan3A_66 = arith.constant 161 : i32
      %scan3A_67 = arith.addi %scan3A_65, %scan3A_66 : i32
      %scan3A_68 = arith.constant 1 : i32
      scf.for %scan3A_79 = %scan3A_65 to %scan3A_67 step %scan3A_68  : i32 {
        %swap3A = arith.index_cast %scan3A_79 : i32 to index
        %swap3A_80 = arith.constant 0 : index
        %swap3A_81 = tpu.vector_load %arg12[%swap3A, %swap3A_80] {strides = array<i32>} : memref<161x128xf32, #tpu.memory_space<vmem>>, vector<1x16xf32>,
        %swap3A_82 = vector.shape_cast %swap3A_81 : vector<1x16xf32> to vector<16xf32>
        %swap3A_83 = vector.shape_cast %broadcast_in_dim3A_1 : vector<16xf32> to vector<1x16xf32>
        tpu.vector_store %arg12[%swap3A, %swap3A_80], %swap3A_83 {strides = array<i32>} : memref<161x128xf32, #tpu.memory_space<vmem>>, vector<1x16xf32>,
        %swap3A_84 = arith.index_cast %scan3A_79 : i32 to index
        %swap3A_85 = arith.constant 16 : index
        %swap3A_86 = tpu.vector_load %arg12[%swap3A_84, %swap3A_85] {strides = array<i32>} : memref<161x128xf32, #tpu.memory_space<vmem>>, vector<1x16xf32>,
        %swap3A_87 = vector.shape_cast %swap3A_86 : vector<1x16xf32> to vector<16xf32>
        %swap3A_88 = vector.shape_cast %broadcast_in_dim3A_1 : vector<16xf32> to vector<1x16xf32>
        tpu.vector_store %arg12[%swap3A_84, %swap3A_85], %swap3A_88 {strides = array<i32>} : memref<161x128xf32, #tpu.memory_space<vmem>>, vector<1x16xf32>,
        %swap3A_89 = arith.index_cast %scan3A_79 : i32 to index
        %swap3A_90 = arith.constant 32 : index
        %swap3A_91 = tpu.vector_load %arg12[%swap3A_89, %swap3A_90] {strides = array<i32>} : memref<161x128xf32, #tpu.memory_space<vmem>>, vector<1x16xf32>,
        %swap3A_92 = vector.shape_cast %swap3A_91 : vector<1x16xf32> to vector<16xf32>
        %swap3A_93 = vector.shape_cast %broadcast_in_dim3A_1 : vector<16xf32> to vector<1x16xf32>
        tpu.vector_store %arg12[%swap3A_89, %swap3A_90], %swap3A_93 {strides = array<i32>} : memref<161x128xf32, #tpu.memory_space<vmem>>, vector<1x16xf32>,
        %swap3A_94 = arith.index_cast %scan3A_79 : i32 to index
        %swap3A_95 = arith.constant 48 : index
        %swap3A_96 = tpu.vector_load %arg12[%swap3A_94, %swap3A_95] {strides = array<i32>} : memref<161x128xf32, #tpu.memory_space<vmem>>, vector<1x16xf32>,
        %swap3A_97 = vector.shape_cast %swap3A_96 : vector<1x16xf32> to vector<16xf32>
        %swap3A_98 = vector.shape_cast %broadcast_in_dim3A_1 : vector<16xf32> to vector<1x16xf32>
        tpu.vector_store %arg12[%swap3A_94, %swap3A_95], %swap3A_98 {strides = array<i32>} : memref<161x128xf32, #tpu.memory_space<vmem>>, vector<1x16xf32>,
        %swap3A_99 = arith.index_cast %scan3A_79 : i32 to index
        %swap3A_100 = arith.constant 64 : index
        %swap3A_101 = tpu.vector_load %arg12[%swap3A_99, %swap3A_100] {strides = array<i32>} : memref<161x128xf32, #tpu.memory_space<vmem>>, vector<1x16xf32>,
        %swap3A_102 = vector.shape_cast %swap3A_101 : vector<1x16xf32> to vector<16xf32>
        %swap3A_103 = vector.shape_cast %broadcast_in_dim3A_1 : vector<16xf32> to vector<1x16xf32>
        tpu.vector_store %arg12[%swap3A_99, %swap3A_100], %swap3A_103 {strides = array<i32>} : memref<161x128xf32, #tpu.memory_space<vmem>>, vector<1x16xf32>,
        %swap3A_104 = arith.index_cast %scan3A_79 : i32 to index
        %swap3A_105 = arith.constant 80 : index
        %swap3A_106 = tpu.vector_load %arg12[%swap3A_104, %swap3A_105] {strides = array<i32>} : memref<161x128xf32, #tpu.memory_space<vmem>>, vector<1x16xf32>,
        %swap3A_107 = vector.shape_cast %swap3A_106 : vector<1x16xf32> to vector<16xf32>
        %swap3A_108 = vector.shape_cast %broadcast_in_dim3A_1 : vector<16xf32> to vector<1x16xf32>
        tpu.vector_store %arg12[%swap3A_104, %swap3A_105], %swap3A_108 {strides = array<i32>} : memref<161x128xf32, #tpu.memory_space<vmem>>, vector<1x16xf32>,
        %swap3A_109 = arith.index_cast %scan3A_79 : i32 to index
        %swap3A_110 = arith.constant 96 : index
        %swap3A_111 = tpu.vector_load %arg12[%swap3A_109, %swap3A_110] {strides = array<i32>} : memref<161x128xf32, #tpu.memory_space<vmem>>, vector<1x16xf32>,
        %swap3A_112 = vector.shape_cast %swap3A_111 : vector<1x16xf32> to vector<16xf32>
        %swap3A_113 = vector.shape_cast %broadcast_in_dim3A_1 : vector<16xf32> to vector<1x16xf32>
        tpu.vector_store %arg12[%swap3A_109, %swap3A_110], %swap3A_113 {strides = array<i32>} : memref<161x128xf32, #tpu.memory_space<vmem>>, vector<1x16xf32>,
        %swap3A_114 = arith.index_cast %scan3A_79 : i32 to index
        %swap3A_115 = arith.constant 112 : index
        %swap3A_116 = tpu.vector_load %arg12[%swap3A_114, %swap3A_115] {strides = array<i32>} : memref<161x128xf32, #tpu.memory_space<vmem>>, vector<1x16xf32>,
        %swap3A_117 = vector.shape_cast %swap3A_116 : vector<1x16xf32> to vector<16xf32>
        %swap3A_118 = vector.shape_cast %broadcast_in_dim3A_1 : vector<16xf32> to vector<1x16xf32>
        tpu.vector_store %arg12[%swap3A_114, %swap3A_115], %swap3A_118 {strides = array<i32>} : memref<161x128xf32, #tpu.memory_space<vmem>>, vector<1x16xf32>,
        %swap3A_119 = arith.index_cast %scan3A_79 : i32 to index
        %swap3A_120 = arith.constant 0 : index
        %swap3A_121 = tpu.vector_load %arg13[%swap3A_119, %swap3A_120] {strides = array<i32>} : memref<161x16xf32, #tpu.memory_space<vmem>>, vector<1x16xf32>,
        %swap3A_122 = vector.shape_cast %swap3A_121 : vector<1x16xf32> to vector<16xf32>
        %swap3A_123 = vector.shape_cast %broadcast_in_dim3A_1 : vector<16xf32> to vector<1x16xf32>
        tpu.vector_store %arg13[%swap3A_119, %swap3A_120], %swap3A_123 {strides = array<i32>} : memref<161x16xf32, #tpu.memory_space<vmem>>, vector<1x16xf32>,
      }
      %scan3A_69 = arith.constant 161 : i32
      %while3A = arith.constant 0 : i32
      %while3A_70 = arith.constant 0 : i32
      %while3A_71 = arith.subi %select_n3A_63, %while3A_70 : i32
      %while3A_72 = arith.addi %while3A_70, %while3A_71 : i32
      %while3A_73 = arith.constant 1 : i32
      %while3A_74 = arith.divsi %while3A_71, %while3A_73 : i32
      %while3A_75 = arith.muli %while3A_74, %while3A_73 : i32
      %while3A_76 = arith.addi %while3A_70, %while3A_75 : i32
      %while3A_77 = arith.constant 1 : i32
      scf.for %while3A_79 = %while3A_70 to %while3A_76 step %while3A_77  : i32 {
        %mul3A_80 = arith.constant 128 : i32
        %mul3A_81 = arith.muli %while3A_79, %mul3A_80 : i32
        %add3A_82 = arith.addi %mul3A_36, %mul3A_81 : i32
        "tpu.region"() ({
          %run_scoped3A = tpu.sem_alloc : memref<!tpu.dma_semaphore, #tpu.memory_space<semaphore_mem>>
          %dma_start3A_93 = tpu.memref_slice %arg3[%add3A_82] : memref<320128xi32, #tpu.memory_space<hbm>> -> memref<128xi32, #tpu.memory_space<hbm>>
          %dma_start3A_94 = tpu.memref_slice %arg3[%add3A_82] : memref<320128xi32, #tpu.memory_space<hbm>> -> memref<128xi32, #tpu.memory_space<hbm>>
          tpu.enqueue_dma source(%dma_start3A_94 : memref<128xi32, #tpu.memory_space<hbm>>) target(%arg9 : memref<128xi32, #tpu.memory_space<vmem>>) target_semaphore(%run_scoped3A : memref<!tpu.dma_semaphore, #tpu.memory_space<semaphore_mem>>)
          %dma_wait3A_95 = tpu.memref_slice %arg3[%add3A_82] : memref<320128xi32, #tpu.memory_space<hbm>> -> memref<128xi32, #tpu.memory_space<hbm>>
          %dma_wait3A_96 = tpu.memref_slice %arg3[%add3A_82] : memref<320128xi32, #tpu.memory_space<hbm>> -> memref<128xi32, #tpu.memory_space<hbm>>
          tpu.wait_dma2 semaphore(%run_scoped3A : memref<!tpu.dma_semaphore, #tpu.memory_space<semaphore_mem>>) src(%dma_wait3A_96 : memref<128xi32, #tpu.memory_space<hbm>>) dst(%arg9 : memref<128xi32, #tpu.memory_space<vmem>>)
          tpu.yield
        }) : () -> ()
        "tpu.region"() ({
          %run_scoped3A = tpu.sem_alloc : memref<!tpu.dma_semaphore, #tpu.memory_space<semaphore_mem>>
          %dma_start3A_93 = arith.constant 0 : i32
          %dma_start3A_94 = tpu.memref_slice %arg10[%dma_start3A_93] : memref<144xi32, #tpu.memory_space<vmem>> -> memref<128xi32, #tpu.memory_space<vmem>>
          %dma_start3A_95 = tpu.memref_slice %arg4[%add3A_82] : memref<320128xi32, #tpu.memory_space<hbm>> -> memref<128xi32, #tpu.memory_space<hbm>>
          %dma_start3A_96 = arith.constant 0 : i32
          %dma_start3A_97 = tpu.memref_slice %arg10[%dma_start3A_96] : memref<144xi32, #tpu.memory_space<vmem>> -> memref<128xi32, #tpu.memory_space<vmem>>
          %dma_start3A_98 = tpu.memref_slice %arg4[%add3A_82] : memref<320128xi32, #tpu.memory_space<hbm>> -> memref<128xi32, #tpu.memory_space<hbm>>
          tpu.enqueue_dma source(%dma_start3A_98 : memref<128xi32, #tpu.memory_space<hbm>>) target(%dma_start3A_97 : memref<128xi32, #tpu.memory_space<vmem>>) target_semaphore(%run_scoped3A : memref<!tpu.dma_semaphore, #tpu.memory_space<semaphore_mem>>)
          %dma_wait3A_99 = arith.constant 0 : i32
          %dma_wait3A_100 = tpu.memref_slice %arg10[%dma_wait3A_99] : memref<144xi32, #tpu.memory_space<vmem>> -> memref<128xi32, #tpu.memory_space<vmem>>
          %dma_wait3A_101 = tpu.memref_slice %arg4[%add3A_82] : memref<320128xi32, #tpu.memory_space<hbm>> -> memref<128xi32, #tpu.memory_space<hbm>>
          %dma_wait3A_102 = arith.constant 0 : i32
          %dma_wait3A_103 = tpu.memref_slice %arg10[%dma_wait3A_102] : memref<144xi32, #tpu.memory_space<vmem>> -> memref<128xi32, #tpu.memory_space<vmem>>
          %dma_wait3A_104 = tpu.memref_slice %arg4[%add3A_82] : memref<320128xi32, #tpu.memory_space<hbm>> -> memref<128xi32, #tpu.memory_space<hbm>>
          tpu.wait_dma2 semaphore(%run_scoped3A : memref<!tpu.dma_semaphore, #tpu.memory_space<semaphore_mem>>) src(%dma_wait3A_104 : memref<128xi32, #tpu.memory_space<hbm>>) dst(%dma_wait3A_103 : memref<128xi32, #tpu.memory_space<vmem>>)
          tpu.yield
        }) : () -> ()
        %dma_start3A = arith.constant 0 : i32
        %dma_start3A_83 = arith.constant 0 : i32
        %dma_start3A_84 = tpu.memref_slice %arg2[%dma_start3A, %dma_start3A_83] : memref<50000x128xf32, #tpu.memory_space<hbm>> -> memref<50000x128xf32, #tpu.memory_space<hbm>>
        tpu.enqueue_indirect_dma source(%dma_start3A_84 : memref<50000x128xf32, #tpu.memory_space<hbm>>) target(%arg11 : memref<128x128xf32, #tpu.memory_space<vmem>>) offsets(%arg9 : memref<128xi32, #tpu.memory_space<vmem>>) semaphore(%arg14 : memref<!tpu.dma_semaphore, #tpu.memory_space<semaphore_mem>>)
        %dma_wait3A = arith.constant 0 : i32
        %dma_wait3A_85 = arith.constant 0 : i32
        %dma_wait3A_86 = tpu.memref_slice %arg2[%dma_wait3A, %dma_wait3A_85] : memref<50000x128xf32, #tpu.memory_space<hbm>> -> memref<50000x128xf32, #tpu.memory_space<hbm>>
        tpu.wait_indirect_dma semaphore(%arg14 : memref<!tpu.dma_semaphore, #tpu.memory_space<semaphore_mem>>) src(%dma_wait3A_86 : memref<50000x128xf32, #tpu.memory_space<hbm>>) dst(%arg11 : memref<128x128xf32, #tpu.memory_space<vmem>>)
        %scan3A_87 = arith.constant 0 : i32
        %scan3A_88 = arith.constant 0 : i32
        %scan3A_89 = arith.constant 128 : i32
        %scan3A_90 = arith.addi %scan3A_88, %scan3A_89 : i32
        %scan3A_91 = arith.constant 1 : i32
        scf.for %scan3A_93 = %scan3A_88 to %scan3A_90 step %scan3A_91  : i32 {
          %get3A_94 = arith.index_cast %scan3A_93 : i32 to index
          %get3A_95 = tpu.vector_load %arg10[%get3A_94] {strides = array<i32>} : memref<144xi32, #tpu.memory_space<vmem>>, vector<16xi32>,
          %get3A_96 = vector.shape_cast %get3A_95 : vector<16xi32> to vector<16xi32>
          %slice3A_97 = vector.extract_strided_slice %get3A_96 {offsets = [0], sizes = [1], strides = [1]} : vector<16xi32> to vector<1xi32>
          %squeeze3A_98 = vector.extract %slice3A_97[0] : i32 from vector<1xi32>
          %sub3A_99 = arith.subi %squeeze3A_98, %mul3A_14 : i32
          %ge3A = arith.constant 0 : i32
          %ge3A_100 = arith.cmpi sge, %sub3A_99, %ge3A : i32
          %lt3A = arith.constant 160 : i32
          %lt3A_101 = arith.cmpi slt, %sub3A_99, %lt3A : i32
          %and3A_102 = arith.andi %ge3A_100, %lt3A_101 : i1
          %jit3A_103 = arith.constant 160 : i32
          %select_n3A_104 = arith.select %and3A_102, %sub3A_99, %jit3A_103 : i32
          %get3A_105 = arith.index_cast %select_n3A_104 : i32 to index
          %get3A_106 = arith.constant 0 : index
          %get3A_107 = tpu.vector_load %arg12[%get3A_105, %get3A_106] {strides = array<i32>} : memref<161x128xf32, #tpu.memory_space<vmem>>, vector<1x16xf32>,
          %get3A_108 = vector.shape_cast %get3A_107 : vector<1x16xf32> to vector<16xf32>
          %get3A_109 = arith.index_cast %scan3A_93 : i32 to index
          %get3A_110 = arith.constant 0 : index
          %get3A_111 = tpu.vector_load %arg11[%get3A_109, %get3A_110] {strides = array<i32>} : memref<128x128xf32, #tpu.memory_space<vmem>>, vector<1x16xf32>,
          %get3A_112 = vector.shape_cast %get3A_111 : vector<1x16xf32> to vector<16xf32>
          %add3A_113 = arith.addf %get3A_108, %get3A_112 : vector<16xf32>
          %swap3A = arith.index_cast %select_n3A_104 : i32 to index
          %swap3A_114 = arith.constant 0 : index
          %swap3A_115 = tpu.vector_load %arg12[%swap3A, %swap3A_114] {strides = array<i32>} : memref<161x128xf32, #tpu.memory_space<vmem>>, vector<1x16xf32>,
          %swap3A_116 = vector.shape_cast %swap3A_115 : vector<1x16xf32> to vector<16xf32>
          %swap3A_117 = vector.shape_cast %add3A_113 : vector<16xf32> to vector<1x16xf32>
          tpu.vector_store %arg12[%swap3A, %swap3A_114], %swap3A_117 {strides = array<i32>} : memref<161x128xf32, #tpu.memory_space<vmem>>, vector<1x16xf32>,
          %get3A_118 = arith.index_cast %select_n3A_104 : i32 to index
          %get3A_119 = arith.constant 16 : index
          %get3A_120 = tpu.vector_load %arg12[%get3A_118, %get3A_119] {strides = array<i32>} : memref<161x128xf32, #tpu.memory_space<vmem>>, vector<1x16xf32>,
          %get3A_121 = vector.shape_cast %get3A_120 : vector<1x16xf32> to vector<16xf32>
          %get3A_122 = arith.index_cast %scan3A_93 : i32 to index
          %get3A_123 = arith.constant 16 : index
          %get3A_124 = tpu.vector_load %arg11[%get3A_122, %get3A_123] {strides = array<i32>} : memref<128x128xf32, #tpu.memory_space<vmem>>, vector<1x16xf32>,
          %get3A_125 = vector.shape_cast %get3A_124 : vector<1x16xf32> to vector<16xf32>
          %add3A_126 = arith.addf %get3A_121, %get3A_125 : vector<16xf32>
          %swap3A_127 = arith.index_cast %select_n3A_104 : i32 to index
          %swap3A_128 = arith.constant 16 : index
          %swap3A_129 = tpu.vector_load %arg12[%swap3A_127, %swap3A_128] {strides = array<i32>} : memref<161x128xf32, #tpu.memory_space<vmem>>, vector<1x16xf32>,
          %swap3A_130 = vector.shape_cast %swap3A_129 : vector<1x16xf32> to vector<16xf32>
          %swap3A_131 = vector.shape_cast %add3A_126 : vector<16xf32> to vector<1x16xf32>
          tpu.vector_store %arg12[%swap3A_127, %swap3A_128], %swap3A_131 {strides = array<i32>} : memref<161x128xf32, #tpu.memory_space<vmem>>, vector<1x16xf32>,
          %get3A_132 = arith.index_cast %select_n3A_104 : i32 to index
          %get3A_133 = arith.constant 32 : index
          %get3A_134 = tpu.vector_load %arg12[%get3A_132, %get3A_133] {strides = array<i32>} : memref<161x128xf32, #tpu.memory_space<vmem>>, vector<1x16xf32>,
          %get3A_135 = vector.shape_cast %get3A_134 : vector<1x16xf32> to vector<16xf32>
          %get3A_136 = arith.index_cast %scan3A_93 : i32 to index
          %get3A_137 = arith.constant 32 : index
          %get3A_138 = tpu.vector_load %arg11[%get3A_136, %get3A_137] {strides = array<i32>} : memref<128x128xf32, #tpu.memory_space<vmem>>, vector<1x16xf32>,
          %get3A_139 = vector.shape_cast %get3A_138 : vector<1x16xf32> to vector<16xf32>
          %add3A_140 = arith.addf %get3A_135, %get3A_139 : vector<16xf32>
          %swap3A_141 = arith.index_cast %select_n3A_104 : i32 to index
          %swap3A_142 = arith.constant 32 : index
          %swap3A_143 = tpu.vector_load %arg12[%swap3A_141, %swap3A_142] {strides = array<i32>} : memref<161x128xf32, #tpu.memory_space<vmem>>, vector<1x16xf32>,
          %swap3A_144 = vector.shape_cast %swap3A_143 : vector<1x16xf32> to vector<16xf32>
          %swap3A_145 = vector.shape_cast %add3A_140 : vector<16xf32> to vector<1x16xf32>
          tpu.vector_store %arg12[%swap3A_141, %swap3A_142], %swap3A_145 {strides = array<i32>} : memref<161x128xf32, #tpu.memory_space<vmem>>, vector<1x16xf32>,
          %get3A_146 = arith.index_cast %select_n3A_104 : i32 to index
          %get3A_147 = arith.constant 48 : index
          %get3A_148 = tpu.vector_load %arg12[%get3A_146, %get3A_147] {strides = array<i32>} : memref<161x128xf32, #tpu.memory_space<vmem>>, vector<1x16xf32>,
          %get3A_149 = vector.shape_cast %get3A_148 : vector<1x16xf32> to vector<16xf32>
          %get3A_150 = arith.index_cast %scan3A_93 : i32 to index
          %get3A_151 = arith.constant 48 : index
          %get3A_152 = tpu.vector_load %arg11[%get3A_150, %get3A_151] {strides = array<i32>} : memref<128x128xf32, #tpu.memory_space<vmem>>, vector<1x16xf32>,
          %get3A_153 = vector.shape_cast %get3A_152 : vector<1x16xf32> to vector<16xf32>
          %add3A_154 = arith.addf %get3A_149, %get3A_153 : vector<16xf32>
          %swap3A_155 = arith.index_cast %select_n3A_104 : i32 to index
          %swap3A_156 = arith.constant 48 : index
          %swap3A_157 = tpu.vector_load %arg12[%swap3A_155, %swap3A_156] {strides = array<i32>} : memref<161x128xf32, #tpu.memory_space<vmem>>, vector<1x16xf32>,
          %swap3A_158 = vector.shape_cast %swap3A_157 : vector<1x16xf32> to vector<16xf32>
          %swap3A_159 = vector.shape_cast %add3A_154 : vector<16xf32> to vector<1x16xf32>
          tpu.vector_store %arg12[%swap3A_155, %swap3A_156], %swap3A_159 {strides = array<i32>} : memref<161x128xf32, #tpu.memory_space<vmem>>, vector<1x16xf32>,
          %get3A_160 = arith.index_cast %select_n3A_104 : i32 to index
          %get3A_161 = arith.constant 64 : index
          %get3A_162 = tpu.vector_load %arg12[%get3A_160, %get3A_161] {strides = array<i32>} : memref<161x128xf32, #tpu.memory_space<vmem>>, vector<1x16xf32>,
          %get3A_163 = vector.shape_cast %get3A_162 : vector<1x16xf32> to vector<16xf32>
          %get3A_164 = arith.index_cast %scan3A_93 : i32 to index
          %get3A_165 = arith.constant 64 : index
          %get3A_166 = tpu.vector_load %arg11[%get3A_164, %get3A_165] {strides = array<i32>} : memref<128x128xf32, #tpu.memory_space<vmem>>, vector<1x16xf32>,
          %get3A_167 = vector.shape_cast %get3A_166 : vector<1x16xf32> to vector<16xf32>
          %add3A_168 = arith.addf %get3A_163, %get3A_167 : vector<16xf32>
          %swap3A_169 = arith.index_cast %select_n3A_104 : i32 to index
          %swap3A_170 = arith.constant 64 : index
          %swap3A_171 = tpu.vector_load %arg12[%swap3A_169, %swap3A_170] {strides = array<i32>} : memref<161x128xf32, #tpu.memory_space<vmem>>, vector<1x16xf32>,
          %swap3A_172 = vector.shape_cast %swap3A_171 : vector<1x16xf32> to vector<16xf32>
          %swap3A_173 = vector.shape_cast %add3A_168 : vector<16xf32> to vector<1x16xf32>
          tpu.vector_store %arg12[%swap3A_169, %swap3A_170], %swap3A_173 {strides = array<i32>} : memref<161x128xf32, #tpu.memory_space<vmem>>, vector<1x16xf32>,
          %get3A_174 = arith.index_cast %select_n3A_104 : i32 to index
          %get3A_175 = arith.constant 80 : index
          %get3A_176 = tpu.vector_load %arg12[%get3A_174, %get3A_175] {strides = array<i32>} : memref<161x128xf32, #tpu.memory_space<vmem>>, vector<1x16xf32>,
          %get3A_177 = vector.shape_cast %get3A_176 : vector<1x16xf32> to vector<16xf32>
          %get3A_178 = arith.index_cast %scan3A_93 : i32 to index
          %get3A_179 = arith.constant 80 : index
          %get3A_180 = tpu.vector_load %arg11[%get3A_178, %get3A_179] {strides = array<i32>} : memref<128x128xf32, #tpu.memory_space<vmem>>, vector<1x16xf32>,
          %get3A_181 = vector.shape_cast %get3A_180 : vector<1x16xf32> to vector<16xf32>
          %add3A_182 = arith.addf %get3A_177, %get3A_181 : vector<16xf32>
          %swap3A_183 = arith.index_cast %select_n3A_104 : i32 to index
          %swap3A_184 = arith.constant 80 : index
          %swap3A_185 = tpu.vector_load %arg12[%swap3A_183, %swap3A_184] {strides = array<i32>} : memref<161x128xf32, #tpu.memory_space<vmem>>, vector<1x16xf32>,
          %swap3A_186 = vector.shape_cast %swap3A_185 : vector<1x16xf32> to vector<16xf32>
          %swap3A_187 = vector.shape_cast %add3A_182 : vector<16xf32> to vector<1x16xf32>
          tpu.vector_store %arg12[%swap3A_183, %swap3A_184], %swap3A_187 {strides = array<i32>} : memref<161x128xf32, #tpu.memory_space<vmem>>, vector<1x16xf32>,
          %get3A_188 = arith.index_cast %select_n3A_104 : i32 to index
          %get3A_189 = arith.constant 96 : index
          %get3A_190 = tpu.vector_load %arg12[%get3A_188, %get3A_189] {strides = array<i32>} : memref<161x128xf32, #tpu.memory_space<vmem>>, vector<1x16xf32>,
          %get3A_191 = vector.shape_cast %get3A_190 : vector<1x16xf32> to vector<16xf32>
          %get3A_192 = arith.index_cast %scan3A_93 : i32 to index
          %get3A_193 = arith.constant 96 : index
          %get3A_194 = tpu.vector_load %arg11[%get3A_192, %get3A_193] {strides = array<i32>} : memref<128x128xf32, #tpu.memory_space<vmem>>, vector<1x16xf32>,
          %get3A_195 = vector.shape_cast %get3A_194 : vector<1x16xf32> to vector<16xf32>
          %add3A_196 = arith.addf %get3A_191, %get3A_195 : vector<16xf32>
          %swap3A_197 = arith.index_cast %select_n3A_104 : i32 to index
          %swap3A_198 = arith.constant 96 : index
          %swap3A_199 = tpu.vector_load %arg12[%swap3A_197, %swap3A_198] {strides = array<i32>} : memref<161x128xf32, #tpu.memory_space<vmem>>, vector<1x16xf32>,
          %swap3A_200 = vector.shape_cast %swap3A_199 : vector<1x16xf32> to vector<16xf32>
          %swap3A_201 = vector.shape_cast %add3A_196 : vector<16xf32> to vector<1x16xf32>
          tpu.vector_store %arg12[%swap3A_197, %swap3A_198], %swap3A_201 {strides = array<i32>} : memref<161x128xf32, #tpu.memory_space<vmem>>, vector<1x16xf32>,
          %get3A_202 = arith.index_cast %select_n3A_104 : i32 to index
          %get3A_203 = arith.constant 112 : index
          %get3A_204 = tpu.vector_load %arg12[%get3A_202, %get3A_203] {strides = array<i32>} : memref<161x128xf32, #tpu.memory_space<vmem>>, vector<1x16xf32>,
          %get3A_205 = vector.shape_cast %get3A_204 : vector<1x16xf32> to vector<16xf32>
          %get3A_206 = arith.index_cast %scan3A_93 : i32 to index
          %get3A_207 = arith.constant 112 : index
          %get3A_208 = tpu.vector_load %arg11[%get3A_206, %get3A_207] {strides = array<i32>} : memref<128x128xf32, #tpu.memory_space<vmem>>, vector<1x16xf32>,
          %get3A_209 = vector.shape_cast %get3A_208 : vector<1x16xf32> to vector<16xf32>
          %add3A_210 = arith.addf %get3A_205, %get3A_209 : vector<16xf32>
          %swap3A_211 = arith.index_cast %select_n3A_104 : i32 to index
          %swap3A_212 = arith.constant 112 : index
          %swap3A_213 = tpu.vector_load %arg12[%swap3A_211, %swap3A_212] {strides = array<i32>} : memref<161x128xf32, #tpu.memory_space<vmem>>, vector<1x16xf32>,
          %swap3A_214 = vector.shape_cast %swap3A_213 : vector<1x16xf32> to vector<16xf32>
          %swap3A_215 = vector.shape_cast %add3A_210 : vector<16xf32> to vector<1x16xf32>
          tpu.vector_store %arg12[%swap3A_211, %swap3A_212], %swap3A_215 {strides = array<i32>} : memref<161x128xf32, #tpu.memory_space<vmem>>, vector<1x16xf32>,
          %get3A_216 = arith.index_cast %select_n3A_104 : i32 to index
          %get3A_217 = arith.constant 0 : index
          %get3A_218 = tpu.vector_load %arg13[%get3A_216, %get3A_217] {strides = array<i32>} : memref<161x16xf32, #tpu.memory_space<vmem>>, vector<1x16xf32>,
          %get3A_219 = vector.shape_cast %get3A_218 : vector<1x16xf32> to vector<16xf32>
          %add3A_220 = arith.addf %get3A_219, %broadcast_in_dim3A_3 : vector<16xf32>
          %swap3A_221 = arith.index_cast %select_n3A_104 : i32 to index
          %swap3A_222 = arith.constant 0 : index
          %swap3A_223 = tpu.vector_load %arg13[%swap3A_221, %swap3A_222] {strides = array<i32>} : memref<161x16xf32, #tpu.memory_space<vmem>>, vector<1x16xf32>,
          %swap3A_224 = vector.shape_cast %swap3A_223 : vector<1x16xf32> to vector<16xf32>
          %swap3A_225 = vector.shape_cast %add3A_220 : vector<16xf32> to vector<1x16xf32>
          tpu.vector_store %arg13[%swap3A_221, %swap3A_222], %swap3A_225 {strides = array<i32>} : memref<161x16xf32, #tpu.memory_space<vmem>>, vector<1x16xf32>,
        }
        %scan3A_92 = arith.constant 128 : i32
      }
      %while3A_78 = arith.constant 1 : i32
      scf.for %while3A_79 = %while3A_76 to %while3A_72 step %while3A_78  : i32 {
        %mul3A_80 = arith.constant 128 : i32
        %mul3A_81 = arith.muli %while3A_79, %mul3A_80 : i32
        %add3A_82 = arith.addi %mul3A_36, %mul3A_81 : i32
        "tpu.region"() ({
          %run_scoped3A = tpu.sem_alloc : memref<!tpu.dma_semaphore, #tpu.memory_space<semaphore_mem>>
          %dma_start3A_93 = tpu.memref_slice %arg3[%add3A_82] : memref<320128xi32, #tpu.memory_space<hbm>> -> memref<128xi32, #tpu.memory_space<hbm>>
          %dma_start3A_94 = tpu.memref_slice %arg3[%add3A_82] : memref<320128xi32, #tpu.memory_space<hbm>> -> memref<128xi32, #tpu.memory_space<hbm>>
          tpu.enqueue_dma source(%dma_start3A_94 : memref<128xi32, #tpu.memory_space<hbm>>) target(%arg9 : memref<128xi32, #tpu.memory_space<vmem>>) target_semaphore(%run_scoped3A : memref<!tpu.dma_semaphore, #tpu.memory_space<semaphore_mem>>)
          %dma_wait3A_95 = tpu.memref_slice %arg3[%add3A_82] : memref<320128xi32, #tpu.memory_space<hbm>> -> memref<128xi32, #tpu.memory_space<hbm>>
          %dma_wait3A_96 = tpu.memref_slice %arg3[%add3A_82] : memref<320128xi32, #tpu.memory_space<hbm>> -> memref<128xi32, #tpu.memory_space<hbm>>
          tpu.wait_dma2 semaphore(%run_scoped3A : memref<!tpu.dma_semaphore, #tpu.memory_space<semaphore_mem>>) src(%dma_wait3A_96 : memref<128xi32, #tpu.memory_space<hbm>>) dst(%arg9 : memref<128xi32, #tpu.memory_space<vmem>>)
          tpu.yield
        }) : () -> ()
        "tpu.region"() ({
          %run_scoped3A = tpu.sem_alloc : memref<!tpu.dma_semaphore, #tpu.memory_space<semaphore_mem>>
          %dma_start3A_93 = arith.constant 0 : i32
          %dma_start3A_94 = tpu.memref_slice %arg10[%dma_start3A_93] : memref<144xi32, #tpu.memory_space<vmem>> -> memref<128xi32, #tpu.memory_space<vmem>>
          %dma_start3A_95 = tpu.memref_slice %arg4[%add3A_82] : memref<320128xi32, #tpu.memory_space<hbm>> -> memref<128xi32, #tpu.memory_space<hbm>>
          %dma_start3A_96 = arith.constant 0 : i32
          %dma_start3A_97 = tpu.memref_slice %arg10[%dma_start3A_96] : memref<144xi32, #tpu.memory_space<vmem>> -> memref<128xi32, #tpu.memory_space<vmem>>
          %dma_start3A_98 = tpu.memref_slice %arg4[%add3A_82] : memref<320128xi32, #tpu.memory_space<hbm>> -> memref<128xi32, #tpu.memory_space<hbm>>
          tpu.enqueue_dma source(%dma_start3A_98 : memref<128xi32, #tpu.memory_space<hbm>>) target(%dma_start3A_97 : memref<128xi32, #tpu.memory_space<vmem>>) target_semaphore(%run_scoped3A : memref<!tpu.dma_semaphore, #tpu.memory_space<semaphore_mem>>)
          %dma_wait3A_99 = arith.constant 0 : i32
          %dma_wait3A_100 = tpu.memref_slice %arg10[%dma_wait3A_99] : memref<144xi32, #tpu.memory_space<vmem>> -> memref<128xi32, #tpu.memory_space<vmem>>
          %dma_wait3A_101 = tpu.memref_slice %arg4[%add3A_82] : memref<320128xi32, #tpu.memory_space<hbm>> -> memref<128xi32, #tpu.memory_space<hbm>>
          %dma_wait3A_102 = arith.constant 0 : i32
          %dma_wait3A_103 = tpu.memref_slice %arg10[%dma_wait3A_102] : memref<144xi32, #tpu.memory_space<vmem>> -> memref<128xi32, #tpu.memory_space<vmem>>
          %dma_wait3A_104 = tpu.memref_slice %arg4[%add3A_82] : memref<320128xi32, #tpu.memory_space<hbm>> -> memref<128xi32, #tpu.memory_space<hbm>>
          tpu.wait_dma2 semaphore(%run_scoped3A : memref<!tpu.dma_semaphore, #tpu.memory_space<semaphore_mem>>) src(%dma_wait3A_104 : memref<128xi32, #tpu.memory_space<hbm>>) dst(%dma_wait3A_103 : memref<128xi32, #tpu.memory_space<vmem>>)
          tpu.yield
        }) : () -> ()
        %dma_start3A = arith.constant 0 : i32
        %dma_start3A_83 = arith.constant 0 : i32
        %dma_start3A_84 = tpu.memref_slice %arg2[%dma_start3A, %dma_start3A_83] : memref<50000x128xf32, #tpu.memory_space<hbm>> -> memref<50000x128xf32, #tpu.memory_space<hbm>>
        tpu.enqueue_indirect_dma source(%dma_start3A_84 : memref<50000x128xf32, #tpu.memory_space<hbm>>) target(%arg11 : memref<128x128xf32, #tpu.memory_space<vmem>>) offsets(%arg9 : memref<128xi32, #tpu.memory_space<vmem>>) semaphore(%arg14 : memref<!tpu.dma_semaphore, #tpu.memory_space<semaphore_mem>>)
        %dma_wait3A = arith.constant 0 : i32
        %dma_wait3A_85 = arith.constant 0 : i32
        %dma_wait3A_86 = tpu.memref_slice %arg2[%dma_wait3A, %dma_wait3A_85] : memref<50000x128xf32, #tpu.memory_space<hbm>> -> memref<50000x128xf32, #tpu.memory_space<hbm>>
        tpu.wait_indirect_dma semaphore(%arg14 : memref<!tpu.dma_semaphore, #tpu.memory_space<semaphore_mem>>) src(%dma_wait3A_86 : memref<50000x128xf32, #tpu.memory_space<hbm>>) dst(%arg11 : memref<128x128xf32, #tpu.memory_space<vmem>>)
        %scan3A_87 = arith.constant 0 : i32
        %scan3A_88 = arith.constant 0 : i32
        %scan3A_89 = arith.constant 128 : i32
        %scan3A_90 = arith.addi %scan3A_88, %scan3A_89 : i32
        %scan3A_91 = arith.constant 1 : i32
        scf.for %scan3A_93 = %scan3A_88 to %scan3A_90 step %scan3A_91  : i32 {
          %get3A_94 = arith.index_cast %scan3A_93 : i32 to index
          %get3A_95 = tpu.vector_load %arg10[%get3A_94] {strides = array<i32>} : memref<144xi32, #tpu.memory_space<vmem>>, vector<16xi32>,
          %get3A_96 = vector.shape_cast %get3A_95 : vector<16xi32> to vector<16xi32>
          %slice3A_97 = vector.extract_strided_slice %get3A_96 {offsets = [0], sizes = [1], strides = [1]} : vector<16xi32> to vector<1xi32>
          %squeeze3A_98 = vector.extract %slice3A_97[0] : i32 from vector<1xi32>
          %sub3A_99 = arith.subi %squeeze3A_98, %mul3A_14 : i32
          %ge3A = arith.constant 0 : i32
          %ge3A_100 = arith.cmpi sge, %sub3A_99, %ge3A : i32
          %lt3A = arith.constant 160 : i32
          %lt3A_101 = arith.cmpi slt, %sub3A_99, %lt3A : i32
          %and3A_102 = arith.andi %ge3A_100, %lt3A_101 : i1
          %jit3A_103 = arith.constant 160 : i32
          %select_n3A_104 = arith.select %and3A_102, %sub3A_99, %jit3A_103 : i32
          %get3A_105 = arith.index_cast %select_n3A_104 : i32 to index
          %get3A_106 = arith.constant 0 : index
          %get3A_107 = tpu.vector_load %arg12[%get3A_105, %get3A_106] {strides = array<i32>} : memref<161x128xf32, #tpu.memory_space<vmem>>, vector<1x16xf32>,
          %get3A_108 = vector.shape_cast %get3A_107 : vector<1x16xf32> to vector<16xf32>
          %get3A_109 = arith.index_cast %scan3A_93 : i32 to index
          %get3A_110 = arith.constant 0 : index
          %get3A_111 = tpu.vector_load %arg11[%get3A_109, %get3A_110] {strides = array<i32>} : memref<128x128xf32, #tpu.memory_space<vmem>>, vector<1x16xf32>,
          %get3A_112 = vector.shape_cast %get3A_111 : vector<1x16xf32> to vector<16xf32>
          %add3A_113 = arith.addf %get3A_108, %get3A_112 : vector<16xf32>
          %swap3A = arith.index_cast %select_n3A_104 : i32 to index
          %swap3A_114 = arith.constant 0 : index
          %swap3A_115 = tpu.vector_load %arg12[%swap3A, %swap3A_114] {strides = array<i32>} : memref<161x128xf32, #tpu.memory_space<vmem>>, vector<1x16xf32>,
          %swap3A_116 = vector.shape_cast %swap3A_115 : vector<1x16xf32> to vector<16xf32>
          %swap3A_117 = vector.shape_cast %add3A_113 : vector<16xf32> to vector<1x16xf32>
          tpu.vector_store %arg12[%swap3A, %swap3A_114], %swap3A_117 {strides = array<i32>} : memref<161x128xf32, #tpu.memory_space<vmem>>, vector<1x16xf32>,
          %get3A_118 = arith.index_cast %select_n3A_104 : i32 to index
          %get3A_119 = arith.constant 16 : index
          %get3A_120 = tpu.vector_load %arg12[%get3A_118, %get3A_119] {strides = array<i32>} : memref<161x128xf32, #tpu.memory_space<vmem>>, vector<1x16xf32>,
          %get3A_121 = vector.shape_cast %get3A_120 : vector<1x16xf32> to vector<16xf32>
          %get3A_122 = arith.index_cast %scan3A_93 : i32 to index
          %get3A_123 = arith.constant 16 : index
          %get3A_124 = tpu.vector_load %arg11[%get3A_122, %get3A_123] {strides = array<i32>} : memref<128x128xf32, #tpu.memory_space<vmem>>, vector<1x16xf32>,
          %get3A_125 = vector.shape_cast %get3A_124 : vector<1x16xf32> to vector<16xf32>
          %add3A_126 = arith.addf %get3A_121, %get3A_125 : vector<16xf32>
          %swap3A_127 = arith.index_cast %select_n3A_104 : i32 to index
          %swap3A_128 = arith.constant 16 : index
          %swap3A_129 = tpu.vector_load %arg12[%swap3A_127, %swap3A_128] {strides = array<i32>} : memref<161x128xf32, #tpu.memory_space<vmem>>, vector<1x16xf32>,
          %swap3A_130 = vector.shape_cast %swap3A_129 : vector<1x16xf32> to vector<16xf32>
          %swap3A_131 = vector.shape_cast %add3A_126 : vector<16xf32> to vector<1x16xf32>
          tpu.vector_store %arg12[%swap3A_127, %swap3A_128], %swap3A_131 {strides = array<i32>} : memref<161x128xf32, #tpu.memory_space<vmem>>, vector<1x16xf32>,
          %get3A_132 = arith.index_cast %select_n3A_104 : i32 to index
          %get3A_133 = arith.constant 32 : index
          %get3A_134 = tpu.vector_load %arg12[%get3A_132, %get3A_133] {strides = array<i32>} : memref<161x128xf32, #tpu.memory_space<vmem>>, vector<1x16xf32>,
          %get3A_135 = vector.shape_cast %get3A_134 : vector<1x16xf32> to vector<16xf32>
          %get3A_136 = arith.index_cast %scan3A_93 : i32 to index
          %get3A_137 = arith.constant 32 : index
          %get3A_138 = tpu.vector_load %arg11[%get3A_136, %get3A_137] {strides = array<i32>} : memref<128x128xf32, #tpu.memory_space<vmem>>, vector<1x16xf32>,
          %get3A_139 = vector.shape_cast %get3A_138 : vector<1x16xf32> to vector<16xf32>
          %add3A_140 = arith.addf %get3A_135, %get3A_139 : vector<16xf32>
          %swap3A_141 = arith.index_cast %select_n3A_104 : i32 to index
          %swap3A_142 = arith.constant 32 : index
          %swap3A_143 = tpu.vector_load %arg12[%swap3A_141, %swap3A_142] {strides = array<i32>} : memref<161x128xf32, #tpu.memory_space<vmem>>, vector<1x16xf32>,
          %swap3A_144 = vector.shape_cast %swap3A_143 : vector<1x16xf32> to vector<16xf32>
          %swap3A_145 = vector.shape_cast %add3A_140 : vector<16xf32> to vector<1x16xf32>
          tpu.vector_store %arg12[%swap3A_141, %swap3A_142], %swap3A_145 {strides = array<i32>} : memref<161x128xf32, #tpu.memory_space<vmem>>, vector<1x16xf32>,
          %get3A_146 = arith.index_cast %select_n3A_104 : i32 to index
          %get3A_147 = arith.constant 48 : index
          %get3A_148 = tpu.vector_load %arg12[%get3A_146, %get3A_147] {strides = array<i32>} : memref<161x128xf32, #tpu.memory_space<vmem>>, vector<1x16xf32>,
          %get3A_149 = vector.shape_cast %get3A_148 : vector<1x16xf32> to vector<16xf32>
          %get3A_150 = arith.index_cast %scan3A_93 : i32 to index
          %get3A_151 = arith.constant 48 : index
          %get3A_152 = tpu.vector_load %arg11[%get3A_150, %get3A_151] {strides = array<i32>} : memref<128x128xf32, #tpu.memory_space<vmem>>, vector<1x16xf32>,
          %get3A_153 = vector.shape_cast %get3A_152 : vector<1x16xf32> to vector<16xf32>
          %add3A_154 = arith.addf %get3A_149, %get3A_153 : vector<16xf32>
          %swap3A_155 = arith.index_cast %select_n3A_104 : i32 to index
          %swap3A_156 = arith.constant 48 : index
          %swap3A_157 = tpu.vector_load %arg12[%swap3A_155, %swap3A_156] {strides = array<i32>} : memref<161x128xf32, #tpu.memory_space<vmem>>, vector<1x16xf32>,
          %swap3A_158 = vector.shape_cast %swap3A_157 : vector<1x16xf32> to vector<16xf32>
          %swap3A_159 = vector.shape_cast %add3A_154 : vector<16xf32> to vector<1x16xf32>
          tpu.vector_store %arg12[%swap3A_155, %swap3A_156], %swap3A_159 {strides = array<i32>} : memref<161x128xf32, #tpu.memory_space<vmem>>, vector<1x16xf32>,
          %get3A_160 = arith.index_cast %select_n3A_104 : i32 to index
          %get3A_161 = arith.constant 64 : index
          %get3A_162 = tpu.vector_load %arg12[%get3A_160, %get3A_161] {strides = array<i32>} : memref<161x128xf32, #tpu.memory_space<vmem>>, vector<1x16xf32>,
          %get3A_163 = vector.shape_cast %get3A_162 : vector<1x16xf32> to vector<16xf32>
          %get3A_164 = arith.index_cast %scan3A_93 : i32 to index
          %get3A_165 = arith.constant 64 : index
          %get3A_166 = tpu.vector_load %arg11[%get3A_164, %get3A_165] {strides = array<i32>} : memref<128x128xf32, #tpu.memory_space<vmem>>, vector<1x16xf32>,
          %get3A_167 = vector.shape_cast %get3A_166 : vector<1x16xf32> to vector<16xf32>
          %add3A_168 = arith.addf %get3A_163, %get3A_167 : vector<16xf32>
          %swap3A_169 = arith.index_cast %select_n3A_104 : i32 to index
          %swap3A_170 = arith.constant 64 : index
          %swap3A_171 = tpu.vector_load %arg12[%swap3A_169, %swap3A_170] {strides = array<i32>} : memref<161x128xf32, #tpu.memory_space<vmem>>, vector<1x16xf32>,
          %swap3A_172 = vector.shape_cast %swap3A_171 : vector<1x16xf32> to vector<16xf32>
          %swap3A_173 = vector.shape_cast %add3A_168 : vector<16xf32> to vector<1x16xf32>
          tpu.vector_store %arg12[%swap3A_169, %swap3A_170], %swap3A_173 {strides = array<i32>} : memref<161x128xf32, #tpu.memory_space<vmem>>, vector<1x16xf32>,
          %get3A_174 = arith.index_cast %select_n3A_104 : i32 to index
          %get3A_175 = arith.constant 80 : index
          %get3A_176 = tpu.vector_load %arg12[%get3A_174, %get3A_175] {strides = array<i32>} : memref<161x128xf32, #tpu.memory_space<vmem>>, vector<1x16xf32>,
          %get3A_177 = vector.shape_cast %get3A_176 : vector<1x16xf32> to vector<16xf32>
          %get3A_178 = arith.index_cast %scan3A_93 : i32 to index
          %get3A_179 = arith.constant 80 : index
          %get3A_180 = tpu.vector_load %arg11[%get3A_178, %get3A_179] {strides = array<i32>} : memref<128x128xf32, #tpu.memory_space<vmem>>, vector<1x16xf32>,
          %get3A_181 = vector.shape_cast %get3A_180 : vector<1x16xf32> to vector<16xf32>
          %add3A_182 = arith.addf %get3A_177, %get3A_181 : vector<16xf32>
          %swap3A_183 = arith.index_cast %select_n3A_104 : i32 to index
          %swap3A_184 = arith.constant 80 : index
          %swap3A_185 = tpu.vector_load %arg12[%swap3A_183, %swap3A_184] {strides = array<i32>} : memref<161x128xf32, #tpu.memory_space<vmem>>, vector<1x16xf32>,
          %swap3A_186 = vector.shape_cast %swap3A_185 : vector<1x16xf32> to vector<16xf32>
          %swap3A_187 = vector.shape_cast %add3A_182 : vector<16xf32> to vector<1x16xf32>
          tpu.vector_store %arg12[%swap3A_183, %swap3A_184], %swap3A_187 {strides = array<i32>} : memref<161x128xf32, #tpu.memory_space<vmem>>, vector<1x16xf32>,
          %get3A_188 = arith.index_cast %select_n3A_104 : i32 to index
          %get3A_189 = arith.constant 96 : index
          %get3A_190 = tpu.vector_load %arg12[%get3A_188, %get3A_189] {strides = array<i32>} : memref<161x128xf32, #tpu.memory_space<vmem>>, vector<1x16xf32>,
          %get3A_191 = vector.shape_cast %get3A_190 : vector<1x16xf32> to vector<16xf32>
          %get3A_192 = arith.index_cast %scan3A_93 : i32 to index
          %get3A_193 = arith.constant 96 : index
          %get3A_194 = tpu.vector_load %arg11[%get3A_192, %get3A_193] {strides = array<i32>} : memref<128x128xf32, #tpu.memory_space<vmem>>, vector<1x16xf32>,
          %get3A_195 = vector.shape_cast %get3A_194 : vector<1x16xf32> to vector<16xf32>
          %add3A_196 = arith.addf %get3A_191, %get3A_195 : vector<16xf32>
          %swap3A_197 = arith.index_cast %select_n3A_104 : i32 to index
          %swap3A_198 = arith.constant 96 : index
          %swap3A_199 = tpu.vector_load %arg12[%swap3A_197, %swap3A_198] {strides = array<i32>} : memref<161x128xf32, #tpu.memory_space<vmem>>, vector<1x16xf32>,
          %swap3A_200 = vector.shape_cast %swap3A_199 : vector<1x16xf32> to vector<16xf32>
          %swap3A_201 = vector.shape_cast %add3A_196 : vector<16xf32> to vector<1x16xf32>
          tpu.vector_store %arg12[%swap3A_197, %swap3A_198], %swap3A_201 {strides = array<i32>} : memref<161x128xf32, #tpu.memory_space<vmem>>, vector<1x16xf32>,
          %get3A_202 = arith.index_cast %select_n3A_104 : i32 to index
          %get3A_203 = arith.constant 112 : index
          %get3A_204 = tpu.vector_load %arg12[%get3A_202, %get3A_203] {strides = array<i32>} : memref<161x128xf32, #tpu.memory_space<vmem>>, vector<1x16xf32>,
          %get3A_205 = vector.shape_cast %get3A_204 : vector<1x16xf32> to vector<16xf32>
          %get3A_206 = arith.index_cast %scan3A_93 : i32 to index
          %get3A_207 = arith.constant 112 : index
          %get3A_208 = tpu.vector_load %arg11[%get3A_206, %get3A_207] {strides = array<i32>} : memref<128x128xf32, #tpu.memory_space<vmem>>, vector<1x16xf32>,
          %get3A_209 = vector.shape_cast %get3A_208 : vector<1x16xf32> to vector<16xf32>
          %add3A_210 = arith.addf %get3A_205, %get3A_209 : vector<16xf32>
          %swap3A_211 = arith.index_cast %select_n3A_104 : i32 to index
          %swap3A_212 = arith.constant 112 : index
          %swap3A_213 = tpu.vector_load %arg12[%swap3A_211, %swap3A_212] {strides = array<i32>} : memref<161x128xf32, #tpu.memory_space<vmem>>, vector<1x16xf32>,
          %swap3A_214 = vector.shape_cast %swap3A_213 : vector<1x16xf32> to vector<16xf32>
          %swap3A_215 = vector.shape_cast %add3A_210 : vector<16xf32> to vector<1x16xf32>
          tpu.vector_store %arg12[%swap3A_211, %swap3A_212], %swap3A_215 {strides = array<i32>} : memref<161x128xf32, #tpu.memory_space<vmem>>, vector<1x16xf32>,
          %get3A_216 = arith.index_cast %select_n3A_104 : i32 to index
          %get3A_217 = arith.constant 0 : index
          %get3A_218 = tpu.vector_load %arg13[%get3A_216, %get3A_217] {strides = array<i32>} : memref<161x16xf32, #tpu.memory_space<vmem>>, vector<1x16xf32>,
          %get3A_219 = vector.shape_cast %get3A_218 : vector<1x16xf32> to vector<16xf32>
          %add3A_220 = arith.addf %get3A_219, %broadcast_in_dim3A_3 : vector<16xf32>
          %swap3A_221 = arith.index_cast %select_n3A_104 : i32 to index
          %swap3A_222 = arith.constant 0 : index
          %swap3A_223 = tpu.vector_load %arg13[%swap3A_221, %swap3A_222] {strides = array<i32>} : memref<161x16xf32, #tpu.memory_space<vmem>>, vector<1x16xf32>,
          %swap3A_224 = vector.shape_cast %swap3A_223 : vector<1x16xf32> to vector<16xf32>
          %swap3A_225 = vector.shape_cast %add3A_220 : vector<16xf32> to vector<1x16xf32>
          tpu.vector_store %arg13[%swap3A_221, %swap3A_222], %swap3A_225 {strides = array<i32>} : memref<161x16xf32, #tpu.memory_space<vmem>>, vector<1x16xf32>,
        }
        %scan3A_92 = arith.constant 128 : i32
      }
      "tpu.region"() ({
        %run_scoped3A = tpu.sem_alloc : memref<!tpu.dma_semaphore, #tpu.memory_space<semaphore_mem>>
        %dma_start3A = arith.constant 0 : i32
        %dma_start3A_79 = arith.constant 0 : i32
        %dma_start3A_80 = tpu.memref_slice %arg12[%dma_start3A, %dma_start3A_79] : memref<161x128xf32, #tpu.memory_space<vmem>> -> memref<160x128xf32, #tpu.memory_space<vmem>>
        %dma_start3A_81 = arith.constant 0 : i32
        %dma_start3A_82 = tpu.memref_slice %arg6[%mul3A_14, %dma_start3A_81] : memref<20480x128xf32, #tpu.memory_space<hbm>> -> memref<160x128xf32, #tpu.memory_space<hbm>>
        %dma_start3A_83 = arith.constant 0 : i32
        %dma_start3A_84 = tpu.memref_slice %arg6[%mul3A_14, %dma_start3A_83] : memref<20480x128xf32, #tpu.memory_space<hbm>> -> memref<160x128xf32, #tpu.memory_space<hbm>>
        %dma_start3A_85 = arith.constant 0 : i32
        %dma_start3A_86 = arith.constant 0 : i32
        %dma_start3A_87 = tpu.memref_slice %arg12[%dma_start3A_85, %dma_start3A_86] : memref<161x128xf32, #tpu.memory_space<vmem>> -> memref<160x128xf32, #tpu.memory_space<vmem>>
        tpu.enqueue_dma source(%dma_start3A_87 : memref<160x128xf32, #tpu.memory_space<vmem>>) target(%dma_start3A_84 : memref<160x128xf32, #tpu.memory_space<hbm>>) target_semaphore(%run_scoped3A : memref<!tpu.dma_semaphore, #tpu.memory_space<semaphore_mem>>)
        %dma_wait3A = arith.constant 0 : i32
        %dma_wait3A_88 = arith.constant 0 : i32
        %dma_wait3A_89 = tpu.memref_slice %arg12[%dma_wait3A, %dma_wait3A_88] : memref<161x128xf32, #tpu.memory_space<vmem>> -> memref<160x128xf32, #tpu.memory_space<vmem>>
        %dma_wait3A_90 = arith.constant 0 : i32
        %dma_wait3A_91 = tpu.memref_slice %arg6[%mul3A_14, %dma_wait3A_90] : memref<20480x128xf32, #tpu.memory_space<hbm>> -> memref<160x128xf32, #tpu.memory_space<hbm>>
        %dma_wait3A_92 = arith.constant 0 : i32
        %dma_wait3A_93 = tpu.memref_slice %arg6[%mul3A_14, %dma_wait3A_92] : memref<20480x128xf32, #tpu.memory_space<hbm>> -> memref<160x128xf32, #tpu.memory_space<hbm>>
        %dma_wait3A_94 = arith.constant 0 : i32
        %dma_wait3A_95 = arith.constant 0 : i32
        %dma_wait3A_96 = tpu.memref_slice %arg12[%dma_wait3A_94, %dma_wait3A_95] : memref<161x128xf32, #tpu.memory_space<vmem>> -> memref<160x128xf32, #tpu.memory_space<vmem>>
        tpu.wait_dma2 semaphore(%run_scoped3A : memref<!tpu.dma_semaphore, #tpu.memory_space<semaphore_mem>>) src(%dma_wait3A_96 : memref<160x128xf32, #tpu.memory_space<vmem>>) dst(%dma_wait3A_93 : memref<160x128xf32, #tpu.memory_space<hbm>>)
        tpu.yield
      }) : () -> ()
      "tpu.region"() ({
        %run_scoped3A = tpu.sem_alloc : memref<!tpu.dma_semaphore, #tpu.memory_space<semaphore_mem>>
        %dma_start3A = arith.constant 0 : i32
        %dma_start3A_79 = arith.constant 0 : i32
        %dma_start3A_80 = tpu.memref_slice %arg13[%dma_start3A, %dma_start3A_79] : memref<161x16xf32, #tpu.memory_space<vmem>> -> memref<160x16xf32, #tpu.memory_space<vmem>>
        %dma_start3A_81 = arith.constant 0 : i32
        %dma_start3A_82 = tpu.memref_slice %arg7[%mul3A_14, %dma_start3A_81] : memref<20480x16xf32, #tpu.memory_space<hbm>> -> memref<160x16xf32, #tpu.memory_space<hbm>>
        %dma_start3A_83 = arith.constant 0 : i32
        %dma_start3A_84 = tpu.memref_slice %arg7[%mul3A_14, %dma_start3A_83] : memref<20480x16xf32, #tpu.memory_space<hbm>> -> memref<160x16xf32, #tpu.memory_space<hbm>>
        %dma_start3A_85 = arith.constant 0 : i32
        %dma_start3A_86 = arith.constant 0 : i32
        %dma_start3A_87 = tpu.memref_slice %arg13[%dma_start3A_85, %dma_start3A_86] : memref<161x16xf32, #tpu.memory_space<vmem>> -> memref<160x16xf32, #tpu.memory_space<vmem>>
        tpu.enqueue_dma source(%dma_start3A_87 : memref<160x16xf32, #tpu.memory_space<vmem>>) target(%dma_start3A_84 : memref<160x16xf32, #tpu.memory_space<hbm>>) target_semaphore(%run_scoped3A : memref<!tpu.dma_semaphore, #tpu.memory_space<semaphore_mem>>)
        %dma_wait3A = arith.constant 0 : i32
        %dma_wait3A_88 = arith.constant 0 : i32
        %dma_wait3A_89 = tpu.memref_slice %arg13[%dma_wait3A, %dma_wait3A_88] : memref<161x16xf32, #tpu.memory_space<vmem>> -> memref<160x16xf32, #tpu.memory_space<vmem>>
        %dma_wait3A_90 = arith.constant 0 : i32
        %dma_wait3A_91 = tpu.memref_slice %arg7[%mul3A_14, %dma_wait3A_90] : memref<20480x16xf32, #tpu.memory_space<hbm>> -> memref<160x16xf32, #tpu.memory_space<hbm>>
        %dma_wait3A_92 = arith.constant 0 : i32
        %dma_wait3A_93 = tpu.memref_slice %arg7[%mul3A_14, %dma_wait3A_92] : memref<20480x16xf32, #tpu.memory_space<hbm>> -> memref<160x16xf32, #tpu.memory_space<hbm>>
        %dma_wait3A_94 = arith.constant 0 : i32
        %dma_wait3A_95 = arith.constant 0 : i32
        %dma_wait3A_96 = tpu.memref_slice %arg13[%dma_wait3A_94, %dma_wait3A_95] : memref<161x16xf32, #tpu.memory_space<vmem>> -> memref<160x16xf32, #tpu.memory_space<vmem>>
        tpu.wait_dma2 semaphore(%run_scoped3A : memref<!tpu.dma_semaphore, #tpu.memory_space<semaphore_mem>>) src(%dma_wait3A_96 : memref<160x16xf32, #tpu.memory_space<vmem>>) dst(%dma_wait3A_93 : memref<160x16xf32, #tpu.memory_space<hbm>>)
        tpu.yield
      }) : () -> ()
    }
    %scan3A_8 = arith.constant 4 : i32
    return
  }
}

#map = affine_map<(d0, d1) -> (0, 0)>
#map1 = affine_map<(d0, d1) -> (0)>
module attributes {stable_mosaic.version = 14 : i64} {
  func.func @seg(%arg0: i32, %arg1: i32, %arg2: memref<20000x128xf32, #tpu.memory_space<hbm>>, %arg3: memref<128128xi32, #tpu.memory_space<hbm>>, %arg4: memref<128128xi32, #tpu.memory_space<hbm>>, %arg5: memref<80xi32, #tpu.memory_space<hbm>>, %arg6: memref<8192x128xf32, #tpu.memory_space<hbm>>, %arg7: memref<8192x16xf32, #tpu.memory_space<hbm>>, %arg8: memref<80xi32, #tpu.memory_space<vmem>>, %arg9: memref<128xi32, #tpu.memory_space<vmem>>, %arg10: memref<144xi32, #tpu.memory_space<vmem>>, %arg11: memref<128x128xf32, #tpu.memory_space<vmem>>, %arg12: memref<129x128xf32, #tpu.memory_space<vmem>>, %arg13: memref<129x16xf32, #tpu.memory_space<vmem>>, %arg14: memref<!tpu.dma_semaphore, #tpu.memory_space<semaphore_mem>>) attributes {dimension_semantics = [#tpu.dimension_semantics<core_parallel>, #tpu.dimension_semantics<subcore_parallel>], iteration_bounds = array<i64: 2, 16>, scalar_prefetch = 0 : i64, scratch_operands = 7 : i64, tpu.core_type = #tpu.core_type<sc_vector_subcore>, window_params = [{transform_indices = #map}, {transform_indices = #map1}, {transform_indices = #map1}, {transform_indices = #map1}, {transform_indices = #map}, {transform_indices = #map}]} {
    %mul3A = arith.constant 2 : i32
    %mul3A_0 = arith.muli %arg1, %mul3A : i32
    %add3A = arith.addi %mul3A_0, %arg0 : i32
    "tpu.region"() ({
      %run_scoped3A = tpu.sem_alloc : memref<!tpu.dma_semaphore, #tpu.memory_space<semaphore_mem>>
      tpu.enqueue_dma source(%arg5 : memref<80xi32, #tpu.memory_space<hbm>>) target(%arg8 : memref<80xi32, #tpu.memory_space<vmem>>) target_semaphore(%run_scoped3A : memref<!tpu.dma_semaphore, #tpu.memory_space<semaphore_mem>>)
      tpu.wait_dma2 semaphore(%run_scoped3A : memref<!tpu.dma_semaphore, #tpu.memory_space<semaphore_mem>>) src(%arg5 : memref<80xi32, #tpu.memory_space<hbm>>) dst(%arg8 : memref<80xi32, #tpu.memory_space<vmem>>)
      tpu.yield
    }) : () -> ()
    %broadcast_in_dim3A = arith.constant 0.000000e+00 : f32
    %broadcast_in_dim3A_1 = vector.broadcast %broadcast_in_dim3A : f32 to vector<16xf32>
    %broadcast_in_dim3A_2 = arith.constant 1.000000e+00 : f32
    %broadcast_in_dim3A_3 = vector.broadcast %broadcast_in_dim3A_2 : f32 to vector<16xf32>
    %scan3A = arith.constant 0 : i32
    %scan3A_4 = arith.constant 0 : i32
    %scan3A_5 = arith.constant 2 : i32
    %scan3A_6 = arith.addi %scan3A_4, %scan3A_5 : i32
    %scan3A_7 = arith.constant 1 : i32
    scf.for %scan3A_9 = %scan3A_4 to %scan3A_6 step %scan3A_7  : i32 {
      %mul3A_10 = arith.constant 2 : i32
      %mul3A_11 = arith.muli %add3A, %mul3A_10 : i32
      %add3A_12 = arith.addi %mul3A_11, %scan3A_9 : i32
      %mul3A_13 = arith.constant 128 : i32
      %mul3A_14 = arith.muli %add3A_12, %mul3A_13 : i32
      %get3A = arith.index_cast %add3A_12 : i32 to index
      %get3A_15 = tpu.vector_load %arg8[%get3A] {strides = array<i32>} : memref<80xi32, #tpu.memory_space<vmem>>, vector<16xi32>,
      %get3A_16 = vector.shape_cast %get3A_15 : vector<16xi32> to vector<16xi32>
      %slice3A = vector.extract_strided_slice %get3A_16 {offsets = [0], sizes = [1], strides = [1]} : vector<16xi32> to vector<1xi32>
      %squeeze3A = vector.extract %slice3A[0] : i32 from vector<1xi32>
      %slice3A_17 = vector.extract_strided_slice %get3A_16 {offsets = [1], sizes = [1], strides = [1]} : vector<16xi32> to vector<1xi32>
      %squeeze3A_18 = vector.extract %slice3A_17[0] : i32 from vector<1xi32>
      %jit3A = arith.constant 8 : i32
      %div3A = arith.divsi %squeeze3A, %jit3A : i32
      %sign3A = arith.constant 0 : i32
      %sign3A_19 = arith.cmpi sgt, %squeeze3A, %sign3A : i32
      %sign3A_20 = arith.extui %sign3A_19 : i1 to i32
      %sign3A_21 = arith.constant 0 : i32
      %sign3A_22 = arith.cmpi slt, %squeeze3A, %sign3A_21 : i32
      %sign3A_23 = arith.extui %sign3A_22 : i1 to i32
      %sign3A_24 = arith.subi %sign3A_20, %sign3A_23 : i32
      %sign3A_25 = arith.constant 0 : i32
      %sign3A_26 = arith.cmpi sgt, %jit3A, %sign3A_25 : i32
      %sign3A_27 = arith.extui %sign3A_26 : i1 to i32
      %sign3A_28 = arith.constant 0 : i32
      %sign3A_29 = arith.cmpi slt, %jit3A, %sign3A_28 : i32
      %sign3A_30 = arith.extui %sign3A_29 : i1 to i32
      %sign3A_31 = arith.subi %sign3A_27, %sign3A_30 : i32
      %ne3A = arith.cmpi ne, %sign3A_24, %sign3A_31 : i32
      %rem3A = arith.remsi %squeeze3A, %jit3A : i32
      %ne3A_32 = arith.constant 0 : i32
      %ne3A_33 = arith.cmpi ne, %rem3A, %ne3A_32 : i32
      %and3A = arith.andi %ne3A, %ne3A_33 : i1
      %sub3A = arith.constant 1 : i32
      %sub3A_34 = arith.subi %div3A, %sub3A : i32
      %select_n3A = arith.select %and3A, %sub3A_34, %div3A : i32
      %mul3A_35 = arith.constant 8 : i32
      %mul3A_36 = arith.muli %select_n3A, %mul3A_35 : i32
      %sub3A_37 = arith.subi %squeeze3A_18, %mul3A_36 : i32
      %add3A_38 = arith.constant 127 : i32
      %add3A_39 = arith.addi %sub3A_37, %add3A_38 : i32
      %jit3A_40 = arith.constant 128 : i32
      %div3A_41 = arith.divsi %add3A_39, %jit3A_40 : i32
      %sign3A_42 = arith.constant 0 : i32
      %sign3A_43 = arith.cmpi sgt, %add3A_39, %sign3A_42 : i32
      %sign3A_44 = arith.extui %sign3A_43 : i1 to i32
      %sign3A_45 = arith.constant 0 : i32
      %sign3A_46 = arith.cmpi slt, %add3A_39, %sign3A_45 : i32
      %sign3A_47 = arith.extui %sign3A_46 : i1 to i32
      %sign3A_48 = arith.subi %sign3A_44, %sign3A_47 : i32
      %sign3A_49 = arith.constant 0 : i32
      %sign3A_50 = arith.cmpi sgt, %jit3A_40, %sign3A_49 : i32
      %sign3A_51 = arith.extui %sign3A_50 : i1 to i32
      %sign3A_52 = arith.constant 0 : i32
      %sign3A_53 = arith.cmpi slt, %jit3A_40, %sign3A_52 : i32
      %sign3A_54 = arith.extui %sign3A_53 : i1 to i32
      %sign3A_55 = arith.subi %sign3A_51, %sign3A_54 : i32
      %ne3A_56 = arith.cmpi ne, %sign3A_48, %sign3A_55 : i32
      %rem3A_57 = arith.remsi %add3A_39, %jit3A_40 : i32
      %ne3A_58 = arith.constant 0 : i32
      %ne3A_59 = arith.cmpi ne, %rem3A_57, %ne3A_58 : i32
      %and3A_60 = arith.andi %ne3A_56, %ne3A_59 : i1
      %sub3A_61 = arith.constant 1 : i32
      %sub3A_62 = arith.subi %div3A_41, %sub3A_61 : i32
      %select_n3A_63 = arith.select %and3A_60, %sub3A_62, %div3A_41 : i32
      %scan3A_64 = arith.constant 0 : i32
      %scan3A_65 = arith.constant 0 : i32
      %scan3A_66 = arith.constant 129 : i32
      %scan3A_67 = arith.addi %scan3A_65, %scan3A_66 : i32
      %scan3A_68 = arith.constant 1 : i32
      scf.for %scan3A_79 = %scan3A_65 to %scan3A_67 step %scan3A_68  : i32 {
        %swap3A = arith.index_cast %scan3A_79 : i32 to index
        %swap3A_80 = arith.constant 0 : index
        %swap3A_81 = tpu.vector_load %arg12[%swap3A, %swap3A_80] {strides = array<i32>} : memref<129x128xf32, #tpu.memory_space<vmem>>, vector<1x16xf32>,
        %swap3A_82 = vector.shape_cast %swap3A_81 : vector<1x16xf32> to vector<16xf32>
        %swap3A_83 = vector.shape_cast %broadcast_in_dim3A_1 : vector<16xf32> to vector<1x16xf32>
        tpu.vector_store %arg12[%swap3A, %swap3A_80], %swap3A_83 {strides = array<i32>} : memref<129x128xf32, #tpu.memory_space<vmem>>, vector<1x16xf32>,
        %swap3A_84 = arith.index_cast %scan3A_79 : i32 to index
        %swap3A_85 = arith.constant 16 : index
        %swap3A_86 = tpu.vector_load %arg12[%swap3A_84, %swap3A_85] {strides = array<i32>} : memref<129x128xf32, #tpu.memory_space<vmem>>, vector<1x16xf32>,
        %swap3A_87 = vector.shape_cast %swap3A_86 : vector<1x16xf32> to vector<16xf32>
        %swap3A_88 = vector.shape_cast %broadcast_in_dim3A_1 : vector<16xf32> to vector<1x16xf32>
        tpu.vector_store %arg12[%swap3A_84, %swap3A_85], %swap3A_88 {strides = array<i32>} : memref<129x128xf32, #tpu.memory_space<vmem>>, vector<1x16xf32>,
        %swap3A_89 = arith.index_cast %scan3A_79 : i32 to index
        %swap3A_90 = arith.constant 32 : index
        %swap3A_91 = tpu.vector_load %arg12[%swap3A_89, %swap3A_90] {strides = array<i32>} : memref<129x128xf32, #tpu.memory_space<vmem>>, vector<1x16xf32>,
        %swap3A_92 = vector.shape_cast %swap3A_91 : vector<1x16xf32> to vector<16xf32>
        %swap3A_93 = vector.shape_cast %broadcast_in_dim3A_1 : vector<16xf32> to vector<1x16xf32>
        tpu.vector_store %arg12[%swap3A_89, %swap3A_90], %swap3A_93 {strides = array<i32>} : memref<129x128xf32, #tpu.memory_space<vmem>>, vector<1x16xf32>,
        %swap3A_94 = arith.index_cast %scan3A_79 : i32 to index
        %swap3A_95 = arith.constant 48 : index
        %swap3A_96 = tpu.vector_load %arg12[%swap3A_94, %swap3A_95] {strides = array<i32>} : memref<129x128xf32, #tpu.memory_space<vmem>>, vector<1x16xf32>,
        %swap3A_97 = vector.shape_cast %swap3A_96 : vector<1x16xf32> to vector<16xf32>
        %swap3A_98 = vector.shape_cast %broadcast_in_dim3A_1 : vector<16xf32> to vector<1x16xf32>
        tpu.vector_store %arg12[%swap3A_94, %swap3A_95], %swap3A_98 {strides = array<i32>} : memref<129x128xf32, #tpu.memory_space<vmem>>, vector<1x16xf32>,
        %swap3A_99 = arith.index_cast %scan3A_79 : i32 to index
        %swap3A_100 = arith.constant 64 : index
        %swap3A_101 = tpu.vector_load %arg12[%swap3A_99, %swap3A_100] {strides = array<i32>} : memref<129x128xf32, #tpu.memory_space<vmem>>, vector<1x16xf32>,
        %swap3A_102 = vector.shape_cast %swap3A_101 : vector<1x16xf32> to vector<16xf32>
        %swap3A_103 = vector.shape_cast %broadcast_in_dim3A_1 : vector<16xf32> to vector<1x16xf32>
        tpu.vector_store %arg12[%swap3A_99, %swap3A_100], %swap3A_103 {strides = array<i32>} : memref<129x128xf32, #tpu.memory_space<vmem>>, vector<1x16xf32>,
        %swap3A_104 = arith.index_cast %scan3A_79 : i32 to index
        %swap3A_105 = arith.constant 80 : index
        %swap3A_106 = tpu.vector_load %arg12[%swap3A_104, %swap3A_105] {strides = array<i32>} : memref<129x128xf32, #tpu.memory_space<vmem>>, vector<1x16xf32>,
        %swap3A_107 = vector.shape_cast %swap3A_106 : vector<1x16xf32> to vector<16xf32>
        %swap3A_108 = vector.shape_cast %broadcast_in_dim3A_1 : vector<16xf32> to vector<1x16xf32>
        tpu.vector_store %arg12[%swap3A_104, %swap3A_105], %swap3A_108 {strides = array<i32>} : memref<129x128xf32, #tpu.memory_space<vmem>>, vector<1x16xf32>,
        %swap3A_109 = arith.index_cast %scan3A_79 : i32 to index
        %swap3A_110 = arith.constant 96 : index
        %swap3A_111 = tpu.vector_load %arg12[%swap3A_109, %swap3A_110] {strides = array<i32>} : memref<129x128xf32, #tpu.memory_space<vmem>>, vector<1x16xf32>,
        %swap3A_112 = vector.shape_cast %swap3A_111 : vector<1x16xf32> to vector<16xf32>
        %swap3A_113 = vector.shape_cast %broadcast_in_dim3A_1 : vector<16xf32> to vector<1x16xf32>
        tpu.vector_store %arg12[%swap3A_109, %swap3A_110], %swap3A_113 {strides = array<i32>} : memref<129x128xf32, #tpu.memory_space<vmem>>, vector<1x16xf32>,
        %swap3A_114 = arith.index_cast %scan3A_79 : i32 to index
        %swap3A_115 = arith.constant 112 : index
        %swap3A_116 = tpu.vector_load %arg12[%swap3A_114, %swap3A_115] {strides = array<i32>} : memref<129x128xf32, #tpu.memory_space<vmem>>, vector<1x16xf32>,
        %swap3A_117 = vector.shape_cast %swap3A_116 : vector<1x16xf32> to vector<16xf32>
        %swap3A_118 = vector.shape_cast %broadcast_in_dim3A_1 : vector<16xf32> to vector<1x16xf32>
        tpu.vector_store %arg12[%swap3A_114, %swap3A_115], %swap3A_118 {strides = array<i32>} : memref<129x128xf32, #tpu.memory_space<vmem>>, vector<1x16xf32>,
        %swap3A_119 = arith.index_cast %scan3A_79 : i32 to index
        %swap3A_120 = arith.constant 0 : index
        %swap3A_121 = tpu.vector_load %arg13[%swap3A_119, %swap3A_120] {strides = array<i32>} : memref<129x16xf32, #tpu.memory_space<vmem>>, vector<1x16xf32>,
        %swap3A_122 = vector.shape_cast %swap3A_121 : vector<1x16xf32> to vector<16xf32>
        %swap3A_123 = vector.shape_cast %broadcast_in_dim3A_1 : vector<16xf32> to vector<1x16xf32>
        tpu.vector_store %arg13[%swap3A_119, %swap3A_120], %swap3A_123 {strides = array<i32>} : memref<129x16xf32, #tpu.memory_space<vmem>>, vector<1x16xf32>,
      }
      %scan3A_69 = arith.constant 129 : i32
      %while3A = arith.constant 0 : i32
      %while3A_70 = arith.constant 0 : i32
      %while3A_71 = arith.subi %select_n3A_63, %while3A_70 : i32
      %while3A_72 = arith.addi %while3A_70, %while3A_71 : i32
      %while3A_73 = arith.constant 1 : i32
      %while3A_74 = arith.divsi %while3A_71, %while3A_73 : i32
      %while3A_75 = arith.muli %while3A_74, %while3A_73 : i32
      %while3A_76 = arith.addi %while3A_70, %while3A_75 : i32
      %while3A_77 = arith.constant 1 : i32
      scf.for %while3A_79 = %while3A_70 to %while3A_76 step %while3A_77  : i32 {
        %mul3A_80 = arith.constant 128 : i32
        %mul3A_81 = arith.muli %while3A_79, %mul3A_80 : i32
        %add3A_82 = arith.addi %mul3A_36, %mul3A_81 : i32
        "tpu.region"() ({
          %run_scoped3A = tpu.sem_alloc : memref<!tpu.dma_semaphore, #tpu.memory_space<semaphore_mem>>
          %dma_start3A_93 = tpu.memref_slice %arg3[%add3A_82] : memref<128128xi32, #tpu.memory_space<hbm>> -> memref<128xi32, #tpu.memory_space<hbm>>
          %dma_start3A_94 = tpu.memref_slice %arg3[%add3A_82] : memref<128128xi32, #tpu.memory_space<hbm>> -> memref<128xi32, #tpu.memory_space<hbm>>
          tpu.enqueue_dma source(%dma_start3A_94 : memref<128xi32, #tpu.memory_space<hbm>>) target(%arg9 : memref<128xi32, #tpu.memory_space<vmem>>) target_semaphore(%run_scoped3A : memref<!tpu.dma_semaphore, #tpu.memory_space<semaphore_mem>>)
          %dma_wait3A_95 = tpu.memref_slice %arg3[%add3A_82] : memref<128128xi32, #tpu.memory_space<hbm>> -> memref<128xi32, #tpu.memory_space<hbm>>
          %dma_wait3A_96 = tpu.memref_slice %arg3[%add3A_82] : memref<128128xi32, #tpu.memory_space<hbm>> -> memref<128xi32, #tpu.memory_space<hbm>>
          tpu.wait_dma2 semaphore(%run_scoped3A : memref<!tpu.dma_semaphore, #tpu.memory_space<semaphore_mem>>) src(%dma_wait3A_96 : memref<128xi32, #tpu.memory_space<hbm>>) dst(%arg9 : memref<128xi32, #tpu.memory_space<vmem>>)
          tpu.yield
        }) : () -> ()
        "tpu.region"() ({
          %run_scoped3A = tpu.sem_alloc : memref<!tpu.dma_semaphore, #tpu.memory_space<semaphore_mem>>
          %dma_start3A_93 = arith.constant 0 : i32
          %dma_start3A_94 = tpu.memref_slice %arg10[%dma_start3A_93] : memref<144xi32, #tpu.memory_space<vmem>> -> memref<128xi32, #tpu.memory_space<vmem>>
          %dma_start3A_95 = tpu.memref_slice %arg4[%add3A_82] : memref<128128xi32, #tpu.memory_space<hbm>> -> memref<128xi32, #tpu.memory_space<hbm>>
          %dma_start3A_96 = arith.constant 0 : i32
          %dma_start3A_97 = tpu.memref_slice %arg10[%dma_start3A_96] : memref<144xi32, #tpu.memory_space<vmem>> -> memref<128xi32, #tpu.memory_space<vmem>>
          %dma_start3A_98 = tpu.memref_slice %arg4[%add3A_82] : memref<128128xi32, #tpu.memory_space<hbm>> -> memref<128xi32, #tpu.memory_space<hbm>>
          tpu.enqueue_dma source(%dma_start3A_98 : memref<128xi32, #tpu.memory_space<hbm>>) target(%dma_start3A_97 : memref<128xi32, #tpu.memory_space<vmem>>) target_semaphore(%run_scoped3A : memref<!tpu.dma_semaphore, #tpu.memory_space<semaphore_mem>>)
          %dma_wait3A_99 = arith.constant 0 : i32
          %dma_wait3A_100 = tpu.memref_slice %arg10[%dma_wait3A_99] : memref<144xi32, #tpu.memory_space<vmem>> -> memref<128xi32, #tpu.memory_space<vmem>>
          %dma_wait3A_101 = tpu.memref_slice %arg4[%add3A_82] : memref<128128xi32, #tpu.memory_space<hbm>> -> memref<128xi32, #tpu.memory_space<hbm>>
          %dma_wait3A_102 = arith.constant 0 : i32
          %dma_wait3A_103 = tpu.memref_slice %arg10[%dma_wait3A_102] : memref<144xi32, #tpu.memory_space<vmem>> -> memref<128xi32, #tpu.memory_space<vmem>>
          %dma_wait3A_104 = tpu.memref_slice %arg4[%add3A_82] : memref<128128xi32, #tpu.memory_space<hbm>> -> memref<128xi32, #tpu.memory_space<hbm>>
          tpu.wait_dma2 semaphore(%run_scoped3A : memref<!tpu.dma_semaphore, #tpu.memory_space<semaphore_mem>>) src(%dma_wait3A_104 : memref<128xi32, #tpu.memory_space<hbm>>) dst(%dma_wait3A_103 : memref<128xi32, #tpu.memory_space<vmem>>)
          tpu.yield
        }) : () -> ()
        %dma_start3A = arith.constant 0 : i32
        %dma_start3A_83 = arith.constant 0 : i32
        %dma_start3A_84 = tpu.memref_slice %arg2[%dma_start3A, %dma_start3A_83] : memref<20000x128xf32, #tpu.memory_space<hbm>> -> memref<20000x128xf32, #tpu.memory_space<hbm>>
        tpu.enqueue_indirect_dma source(%dma_start3A_84 : memref<20000x128xf32, #tpu.memory_space<hbm>>) target(%arg11 : memref<128x128xf32, #tpu.memory_space<vmem>>) offsets(%arg9 : memref<128xi32, #tpu.memory_space<vmem>>) semaphore(%arg14 : memref<!tpu.dma_semaphore, #tpu.memory_space<semaphore_mem>>)
        %dma_wait3A = arith.constant 0 : i32
        %dma_wait3A_85 = arith.constant 0 : i32
        %dma_wait3A_86 = tpu.memref_slice %arg2[%dma_wait3A, %dma_wait3A_85] : memref<20000x128xf32, #tpu.memory_space<hbm>> -> memref<20000x128xf32, #tpu.memory_space<hbm>>
        tpu.wait_indirect_dma semaphore(%arg14 : memref<!tpu.dma_semaphore, #tpu.memory_space<semaphore_mem>>) src(%dma_wait3A_86 : memref<20000x128xf32, #tpu.memory_space<hbm>>) dst(%arg11 : memref<128x128xf32, #tpu.memory_space<vmem>>)
        %scan3A_87 = arith.constant 0 : i32
        %scan3A_88 = arith.constant 0 : i32
        %scan3A_89 = arith.constant 128 : i32
        %scan3A_90 = arith.addi %scan3A_88, %scan3A_89 : i32
        %scan3A_91 = arith.constant 1 : i32
        scf.for %scan3A_93 = %scan3A_88 to %scan3A_90 step %scan3A_91  : i32 {
          %get3A_94 = arith.index_cast %scan3A_93 : i32 to index
          %get3A_95 = tpu.vector_load %arg10[%get3A_94] {strides = array<i32>} : memref<144xi32, #tpu.memory_space<vmem>>, vector<16xi32>,
          %get3A_96 = vector.shape_cast %get3A_95 : vector<16xi32> to vector<16xi32>
          %slice3A_97 = vector.extract_strided_slice %get3A_96 {offsets = [0], sizes = [1], strides = [1]} : vector<16xi32> to vector<1xi32>
          %squeeze3A_98 = vector.extract %slice3A_97[0] : i32 from vector<1xi32>
          %sub3A_99 = arith.subi %squeeze3A_98, %mul3A_14 : i32
          %ge3A = arith.constant 0 : i32
          %ge3A_100 = arith.cmpi sge, %sub3A_99, %ge3A : i32
          %lt3A = arith.constant 128 : i32
          %lt3A_101 = arith.cmpi slt, %sub3A_99, %lt3A : i32
          %and3A_102 = arith.andi %ge3A_100, %lt3A_101 : i1
          %jit3A_103 = arith.constant 128 : i32
          %select_n3A_104 = arith.select %and3A_102, %sub3A_99, %jit3A_103 : i32
          %get3A_105 = arith.index_cast %select_n3A_104 : i32 to index
          %get3A_106 = arith.constant 0 : index
          %get3A_107 = tpu.vector_load %arg12[%get3A_105, %get3A_106] {strides = array<i32>} : memref<129x128xf32, #tpu.memory_space<vmem>>, vector<1x16xf32>,
          %get3A_108 = vector.shape_cast %get3A_107 : vector<1x16xf32> to vector<16xf32>
          %get3A_109 = arith.index_cast %scan3A_93 : i32 to index
          %get3A_110 = arith.constant 0 : index
          %get3A_111 = tpu.vector_load %arg11[%get3A_109, %get3A_110] {strides = array<i32>} : memref<128x128xf32, #tpu.memory_space<vmem>>, vector<1x16xf32>,
          %get3A_112 = vector.shape_cast %get3A_111 : vector<1x16xf32> to vector<16xf32>
          %add3A_113 = arith.addf %get3A_108, %get3A_112 : vector<16xf32>
          %swap3A = arith.index_cast %select_n3A_104 : i32 to index
          %swap3A_114 = arith.constant 0 : index
          %swap3A_115 = tpu.vector_load %arg12[%swap3A, %swap3A_114] {strides = array<i32>} : memref<129x128xf32, #tpu.memory_space<vmem>>, vector<1x16xf32>,
          %swap3A_116 = vector.shape_cast %swap3A_115 : vector<1x16xf32> to vector<16xf32>
          %swap3A_117 = vector.shape_cast %add3A_113 : vector<16xf32> to vector<1x16xf32>
          tpu.vector_store %arg12[%swap3A, %swap3A_114], %swap3A_117 {strides = array<i32>} : memref<129x128xf32, #tpu.memory_space<vmem>>, vector<1x16xf32>,
          %get3A_118 = arith.index_cast %select_n3A_104 : i32 to index
          %get3A_119 = arith.constant 16 : index
          %get3A_120 = tpu.vector_load %arg12[%get3A_118, %get3A_119] {strides = array<i32>} : memref<129x128xf32, #tpu.memory_space<vmem>>, vector<1x16xf32>,
          %get3A_121 = vector.shape_cast %get3A_120 : vector<1x16xf32> to vector<16xf32>
          %get3A_122 = arith.index_cast %scan3A_93 : i32 to index
          %get3A_123 = arith.constant 16 : index
          %get3A_124 = tpu.vector_load %arg11[%get3A_122, %get3A_123] {strides = array<i32>} : memref<128x128xf32, #tpu.memory_space<vmem>>, vector<1x16xf32>,
          %get3A_125 = vector.shape_cast %get3A_124 : vector<1x16xf32> to vector<16xf32>
          %add3A_126 = arith.addf %get3A_121, %get3A_125 : vector<16xf32>
          %swap3A_127 = arith.index_cast %select_n3A_104 : i32 to index
          %swap3A_128 = arith.constant 16 : index
          %swap3A_129 = tpu.vector_load %arg12[%swap3A_127, %swap3A_128] {strides = array<i32>} : memref<129x128xf32, #tpu.memory_space<vmem>>, vector<1x16xf32>,
          %swap3A_130 = vector.shape_cast %swap3A_129 : vector<1x16xf32> to vector<16xf32>
          %swap3A_131 = vector.shape_cast %add3A_126 : vector<16xf32> to vector<1x16xf32>
          tpu.vector_store %arg12[%swap3A_127, %swap3A_128], %swap3A_131 {strides = array<i32>} : memref<129x128xf32, #tpu.memory_space<vmem>>, vector<1x16xf32>,
          %get3A_132 = arith.index_cast %select_n3A_104 : i32 to index
          %get3A_133 = arith.constant 32 : index
          %get3A_134 = tpu.vector_load %arg12[%get3A_132, %get3A_133] {strides = array<i32>} : memref<129x128xf32, #tpu.memory_space<vmem>>, vector<1x16xf32>,
          %get3A_135 = vector.shape_cast %get3A_134 : vector<1x16xf32> to vector<16xf32>
          %get3A_136 = arith.index_cast %scan3A_93 : i32 to index
          %get3A_137 = arith.constant 32 : index
          %get3A_138 = tpu.vector_load %arg11[%get3A_136, %get3A_137] {strides = array<i32>} : memref<128x128xf32, #tpu.memory_space<vmem>>, vector<1x16xf32>,
          %get3A_139 = vector.shape_cast %get3A_138 : vector<1x16xf32> to vector<16xf32>
          %add3A_140 = arith.addf %get3A_135, %get3A_139 : vector<16xf32>
          %swap3A_141 = arith.index_cast %select_n3A_104 : i32 to index
          %swap3A_142 = arith.constant 32 : index
          %swap3A_143 = tpu.vector_load %arg12[%swap3A_141, %swap3A_142] {strides = array<i32>} : memref<129x128xf32, #tpu.memory_space<vmem>>, vector<1x16xf32>,
          %swap3A_144 = vector.shape_cast %swap3A_143 : vector<1x16xf32> to vector<16xf32>
          %swap3A_145 = vector.shape_cast %add3A_140 : vector<16xf32> to vector<1x16xf32>
          tpu.vector_store %arg12[%swap3A_141, %swap3A_142], %swap3A_145 {strides = array<i32>} : memref<129x128xf32, #tpu.memory_space<vmem>>, vector<1x16xf32>,
          %get3A_146 = arith.index_cast %select_n3A_104 : i32 to index
          %get3A_147 = arith.constant 48 : index
          %get3A_148 = tpu.vector_load %arg12[%get3A_146, %get3A_147] {strides = array<i32>} : memref<129x128xf32, #tpu.memory_space<vmem>>, vector<1x16xf32>,
          %get3A_149 = vector.shape_cast %get3A_148 : vector<1x16xf32> to vector<16xf32>
          %get3A_150 = arith.index_cast %scan3A_93 : i32 to index
          %get3A_151 = arith.constant 48 : index
          %get3A_152 = tpu.vector_load %arg11[%get3A_150, %get3A_151] {strides = array<i32>} : memref<128x128xf32, #tpu.memory_space<vmem>>, vector<1x16xf32>,
          %get3A_153 = vector.shape_cast %get3A_152 : vector<1x16xf32> to vector<16xf32>
          %add3A_154 = arith.addf %get3A_149, %get3A_153 : vector<16xf32>
          %swap3A_155 = arith.index_cast %select_n3A_104 : i32 to index
          %swap3A_156 = arith.constant 48 : index
          %swap3A_157 = tpu.vector_load %arg12[%swap3A_155, %swap3A_156] {strides = array<i32>} : memref<129x128xf32, #tpu.memory_space<vmem>>, vector<1x16xf32>,
          %swap3A_158 = vector.shape_cast %swap3A_157 : vector<1x16xf32> to vector<16xf32>
          %swap3A_159 = vector.shape_cast %add3A_154 : vector<16xf32> to vector<1x16xf32>
          tpu.vector_store %arg12[%swap3A_155, %swap3A_156], %swap3A_159 {strides = array<i32>} : memref<129x128xf32, #tpu.memory_space<vmem>>, vector<1x16xf32>,
          %get3A_160 = arith.index_cast %select_n3A_104 : i32 to index
          %get3A_161 = arith.constant 64 : index
          %get3A_162 = tpu.vector_load %arg12[%get3A_160, %get3A_161] {strides = array<i32>} : memref<129x128xf32, #tpu.memory_space<vmem>>, vector<1x16xf32>,
          %get3A_163 = vector.shape_cast %get3A_162 : vector<1x16xf32> to vector<16xf32>
          %get3A_164 = arith.index_cast %scan3A_93 : i32 to index
          %get3A_165 = arith.constant 64 : index
          %get3A_166 = tpu.vector_load %arg11[%get3A_164, %get3A_165] {strides = array<i32>} : memref<128x128xf32, #tpu.memory_space<vmem>>, vector<1x16xf32>,
          %get3A_167 = vector.shape_cast %get3A_166 : vector<1x16xf32> to vector<16xf32>
          %add3A_168 = arith.addf %get3A_163, %get3A_167 : vector<16xf32>
          %swap3A_169 = arith.index_cast %select_n3A_104 : i32 to index
          %swap3A_170 = arith.constant 64 : index
          %swap3A_171 = tpu.vector_load %arg12[%swap3A_169, %swap3A_170] {strides = array<i32>} : memref<129x128xf32, #tpu.memory_space<vmem>>, vector<1x16xf32>,
          %swap3A_172 = vector.shape_cast %swap3A_171 : vector<1x16xf32> to vector<16xf32>
          %swap3A_173 = vector.shape_cast %add3A_168 : vector<16xf32> to vector<1x16xf32>
          tpu.vector_store %arg12[%swap3A_169, %swap3A_170], %swap3A_173 {strides = array<i32>} : memref<129x128xf32, #tpu.memory_space<vmem>>, vector<1x16xf32>,
          %get3A_174 = arith.index_cast %select_n3A_104 : i32 to index
          %get3A_175 = arith.constant 80 : index
          %get3A_176 = tpu.vector_load %arg12[%get3A_174, %get3A_175] {strides = array<i32>} : memref<129x128xf32, #tpu.memory_space<vmem>>, vector<1x16xf32>,
          %get3A_177 = vector.shape_cast %get3A_176 : vector<1x16xf32> to vector<16xf32>
          %get3A_178 = arith.index_cast %scan3A_93 : i32 to index
          %get3A_179 = arith.constant 80 : index
          %get3A_180 = tpu.vector_load %arg11[%get3A_178, %get3A_179] {strides = array<i32>} : memref<128x128xf32, #tpu.memory_space<vmem>>, vector<1x16xf32>,
          %get3A_181 = vector.shape_cast %get3A_180 : vector<1x16xf32> to vector<16xf32>
          %add3A_182 = arith.addf %get3A_177, %get3A_181 : vector<16xf32>
          %swap3A_183 = arith.index_cast %select_n3A_104 : i32 to index
          %swap3A_184 = arith.constant 80 : index
          %swap3A_185 = tpu.vector_load %arg12[%swap3A_183, %swap3A_184] {strides = array<i32>} : memref<129x128xf32, #tpu.memory_space<vmem>>, vector<1x16xf32>,
          %swap3A_186 = vector.shape_cast %swap3A_185 : vector<1x16xf32> to vector<16xf32>
          %swap3A_187 = vector.shape_cast %add3A_182 : vector<16xf32> to vector<1x16xf32>
          tpu.vector_store %arg12[%swap3A_183, %swap3A_184], %swap3A_187 {strides = array<i32>} : memref<129x128xf32, #tpu.memory_space<vmem>>, vector<1x16xf32>,
          %get3A_188 = arith.index_cast %select_n3A_104 : i32 to index
          %get3A_189 = arith.constant 96 : index
          %get3A_190 = tpu.vector_load %arg12[%get3A_188, %get3A_189] {strides = array<i32>} : memref<129x128xf32, #tpu.memory_space<vmem>>, vector<1x16xf32>,
          %get3A_191 = vector.shape_cast %get3A_190 : vector<1x16xf32> to vector<16xf32>
          %get3A_192 = arith.index_cast %scan3A_93 : i32 to index
          %get3A_193 = arith.constant 96 : index
          %get3A_194 = tpu.vector_load %arg11[%get3A_192, %get3A_193] {strides = array<i32>} : memref<128x128xf32, #tpu.memory_space<vmem>>, vector<1x16xf32>,
          %get3A_195 = vector.shape_cast %get3A_194 : vector<1x16xf32> to vector<16xf32>
          %add3A_196 = arith.addf %get3A_191, %get3A_195 : vector<16xf32>
          %swap3A_197 = arith.index_cast %select_n3A_104 : i32 to index
          %swap3A_198 = arith.constant 96 : index
          %swap3A_199 = tpu.vector_load %arg12[%swap3A_197, %swap3A_198] {strides = array<i32>} : memref<129x128xf32, #tpu.memory_space<vmem>>, vector<1x16xf32>,
          %swap3A_200 = vector.shape_cast %swap3A_199 : vector<1x16xf32> to vector<16xf32>
          %swap3A_201 = vector.shape_cast %add3A_196 : vector<16xf32> to vector<1x16xf32>
          tpu.vector_store %arg12[%swap3A_197, %swap3A_198], %swap3A_201 {strides = array<i32>} : memref<129x128xf32, #tpu.memory_space<vmem>>, vector<1x16xf32>,
          %get3A_202 = arith.index_cast %select_n3A_104 : i32 to index
          %get3A_203 = arith.constant 112 : index
          %get3A_204 = tpu.vector_load %arg12[%get3A_202, %get3A_203] {strides = array<i32>} : memref<129x128xf32, #tpu.memory_space<vmem>>, vector<1x16xf32>,
          %get3A_205 = vector.shape_cast %get3A_204 : vector<1x16xf32> to vector<16xf32>
          %get3A_206 = arith.index_cast %scan3A_93 : i32 to index
          %get3A_207 = arith.constant 112 : index
          %get3A_208 = tpu.vector_load %arg11[%get3A_206, %get3A_207] {strides = array<i32>} : memref<128x128xf32, #tpu.memory_space<vmem>>, vector<1x16xf32>,
          %get3A_209 = vector.shape_cast %get3A_208 : vector<1x16xf32> to vector<16xf32>
          %add3A_210 = arith.addf %get3A_205, %get3A_209 : vector<16xf32>
          %swap3A_211 = arith.index_cast %select_n3A_104 : i32 to index
          %swap3A_212 = arith.constant 112 : index
          %swap3A_213 = tpu.vector_load %arg12[%swap3A_211, %swap3A_212] {strides = array<i32>} : memref<129x128xf32, #tpu.memory_space<vmem>>, vector<1x16xf32>,
          %swap3A_214 = vector.shape_cast %swap3A_213 : vector<1x16xf32> to vector<16xf32>
          %swap3A_215 = vector.shape_cast %add3A_210 : vector<16xf32> to vector<1x16xf32>
          tpu.vector_store %arg12[%swap3A_211, %swap3A_212], %swap3A_215 {strides = array<i32>} : memref<129x128xf32, #tpu.memory_space<vmem>>, vector<1x16xf32>,
          %get3A_216 = arith.index_cast %select_n3A_104 : i32 to index
          %get3A_217 = arith.constant 0 : index
          %get3A_218 = tpu.vector_load %arg13[%get3A_216, %get3A_217] {strides = array<i32>} : memref<129x16xf32, #tpu.memory_space<vmem>>, vector<1x16xf32>,
          %get3A_219 = vector.shape_cast %get3A_218 : vector<1x16xf32> to vector<16xf32>
          %add3A_220 = arith.addf %get3A_219, %broadcast_in_dim3A_3 : vector<16xf32>
          %swap3A_221 = arith.index_cast %select_n3A_104 : i32 to index
          %swap3A_222 = arith.constant 0 : index
          %swap3A_223 = tpu.vector_load %arg13[%swap3A_221, %swap3A_222] {strides = array<i32>} : memref<129x16xf32, #tpu.memory_space<vmem>>, vector<1x16xf32>,
          %swap3A_224 = vector.shape_cast %swap3A_223 : vector<1x16xf32> to vector<16xf32>
          %swap3A_225 = vector.shape_cast %add3A_220 : vector<16xf32> to vector<1x16xf32>
          tpu.vector_store %arg13[%swap3A_221, %swap3A_222], %swap3A_225 {strides = array<i32>} : memref<129x16xf32, #tpu.memory_space<vmem>>, vector<1x16xf32>,
        }
        %scan3A_92 = arith.constant 128 : i32
      }
      %while3A_78 = arith.constant 1 : i32
      scf.for %while3A_79 = %while3A_76 to %while3A_72 step %while3A_78  : i32 {
        %mul3A_80 = arith.constant 128 : i32
        %mul3A_81 = arith.muli %while3A_79, %mul3A_80 : i32
        %add3A_82 = arith.addi %mul3A_36, %mul3A_81 : i32
        "tpu.region"() ({
          %run_scoped3A = tpu.sem_alloc : memref<!tpu.dma_semaphore, #tpu.memory_space<semaphore_mem>>
          %dma_start3A_93 = tpu.memref_slice %arg3[%add3A_82] : memref<128128xi32, #tpu.memory_space<hbm>> -> memref<128xi32, #tpu.memory_space<hbm>>
          %dma_start3A_94 = tpu.memref_slice %arg3[%add3A_82] : memref<128128xi32, #tpu.memory_space<hbm>> -> memref<128xi32, #tpu.memory_space<hbm>>
          tpu.enqueue_dma source(%dma_start3A_94 : memref<128xi32, #tpu.memory_space<hbm>>) target(%arg9 : memref<128xi32, #tpu.memory_space<vmem>>) target_semaphore(%run_scoped3A : memref<!tpu.dma_semaphore, #tpu.memory_space<semaphore_mem>>)
          %dma_wait3A_95 = tpu.memref_slice %arg3[%add3A_82] : memref<128128xi32, #tpu.memory_space<hbm>> -> memref<128xi32, #tpu.memory_space<hbm>>
          %dma_wait3A_96 = tpu.memref_slice %arg3[%add3A_82] : memref<128128xi32, #tpu.memory_space<hbm>> -> memref<128xi32, #tpu.memory_space<hbm>>
          tpu.wait_dma2 semaphore(%run_scoped3A : memref<!tpu.dma_semaphore, #tpu.memory_space<semaphore_mem>>) src(%dma_wait3A_96 : memref<128xi32, #tpu.memory_space<hbm>>) dst(%arg9 : memref<128xi32, #tpu.memory_space<vmem>>)
          tpu.yield
        }) : () -> ()
        "tpu.region"() ({
          %run_scoped3A = tpu.sem_alloc : memref<!tpu.dma_semaphore, #tpu.memory_space<semaphore_mem>>
          %dma_start3A_93 = arith.constant 0 : i32
          %dma_start3A_94 = tpu.memref_slice %arg10[%dma_start3A_93] : memref<144xi32, #tpu.memory_space<vmem>> -> memref<128xi32, #tpu.memory_space<vmem>>
          %dma_start3A_95 = tpu.memref_slice %arg4[%add3A_82] : memref<128128xi32, #tpu.memory_space<hbm>> -> memref<128xi32, #tpu.memory_space<hbm>>
          %dma_start3A_96 = arith.constant 0 : i32
          %dma_start3A_97 = tpu.memref_slice %arg10[%dma_start3A_96] : memref<144xi32, #tpu.memory_space<vmem>> -> memref<128xi32, #tpu.memory_space<vmem>>
          %dma_start3A_98 = tpu.memref_slice %arg4[%add3A_82] : memref<128128xi32, #tpu.memory_space<hbm>> -> memref<128xi32, #tpu.memory_space<hbm>>
          tpu.enqueue_dma source(%dma_start3A_98 : memref<128xi32, #tpu.memory_space<hbm>>) target(%dma_start3A_97 : memref<128xi32, #tpu.memory_space<vmem>>) target_semaphore(%run_scoped3A : memref<!tpu.dma_semaphore, #tpu.memory_space<semaphore_mem>>)
          %dma_wait3A_99 = arith.constant 0 : i32
          %dma_wait3A_100 = tpu.memref_slice %arg10[%dma_wait3A_99] : memref<144xi32, #tpu.memory_space<vmem>> -> memref<128xi32, #tpu.memory_space<vmem>>
          %dma_wait3A_101 = tpu.memref_slice %arg4[%add3A_82] : memref<128128xi32, #tpu.memory_space<hbm>> -> memref<128xi32, #tpu.memory_space<hbm>>
          %dma_wait3A_102 = arith.constant 0 : i32
          %dma_wait3A_103 = tpu.memref_slice %arg10[%dma_wait3A_102] : memref<144xi32, #tpu.memory_space<vmem>> -> memref<128xi32, #tpu.memory_space<vmem>>
          %dma_wait3A_104 = tpu.memref_slice %arg4[%add3A_82] : memref<128128xi32, #tpu.memory_space<hbm>> -> memref<128xi32, #tpu.memory_space<hbm>>
          tpu.wait_dma2 semaphore(%run_scoped3A : memref<!tpu.dma_semaphore, #tpu.memory_space<semaphore_mem>>) src(%dma_wait3A_104 : memref<128xi32, #tpu.memory_space<hbm>>) dst(%dma_wait3A_103 : memref<128xi32, #tpu.memory_space<vmem>>)
          tpu.yield
        }) : () -> ()
        %dma_start3A = arith.constant 0 : i32
        %dma_start3A_83 = arith.constant 0 : i32
        %dma_start3A_84 = tpu.memref_slice %arg2[%dma_start3A, %dma_start3A_83] : memref<20000x128xf32, #tpu.memory_space<hbm>> -> memref<20000x128xf32, #tpu.memory_space<hbm>>
        tpu.enqueue_indirect_dma source(%dma_start3A_84 : memref<20000x128xf32, #tpu.memory_space<hbm>>) target(%arg11 : memref<128x128xf32, #tpu.memory_space<vmem>>) offsets(%arg9 : memref<128xi32, #tpu.memory_space<vmem>>) semaphore(%arg14 : memref<!tpu.dma_semaphore, #tpu.memory_space<semaphore_mem>>)
        %dma_wait3A = arith.constant 0 : i32
        %dma_wait3A_85 = arith.constant 0 : i32
        %dma_wait3A_86 = tpu.memref_slice %arg2[%dma_wait3A, %dma_wait3A_85] : memref<20000x128xf32, #tpu.memory_space<hbm>> -> memref<20000x128xf32, #tpu.memory_space<hbm>>
        tpu.wait_indirect_dma semaphore(%arg14 : memref<!tpu.dma_semaphore, #tpu.memory_space<semaphore_mem>>) src(%dma_wait3A_86 : memref<20000x128xf32, #tpu.memory_space<hbm>>) dst(%arg11 : memref<128x128xf32, #tpu.memory_space<vmem>>)
        %scan3A_87 = arith.constant 0 : i32
        %scan3A_88 = arith.constant 0 : i32
        %scan3A_89 = arith.constant 128 : i32
        %scan3A_90 = arith.addi %scan3A_88, %scan3A_89 : i32
        %scan3A_91 = arith.constant 1 : i32
        scf.for %scan3A_93 = %scan3A_88 to %scan3A_90 step %scan3A_91  : i32 {
          %get3A_94 = arith.index_cast %scan3A_93 : i32 to index
          %get3A_95 = tpu.vector_load %arg10[%get3A_94] {strides = array<i32>} : memref<144xi32, #tpu.memory_space<vmem>>, vector<16xi32>,
          %get3A_96 = vector.shape_cast %get3A_95 : vector<16xi32> to vector<16xi32>
          %slice3A_97 = vector.extract_strided_slice %get3A_96 {offsets = [0], sizes = [1], strides = [1]} : vector<16xi32> to vector<1xi32>
          %squeeze3A_98 = vector.extract %slice3A_97[0] : i32 from vector<1xi32>
          %sub3A_99 = arith.subi %squeeze3A_98, %mul3A_14 : i32
          %ge3A = arith.constant 0 : i32
          %ge3A_100 = arith.cmpi sge, %sub3A_99, %ge3A : i32
          %lt3A = arith.constant 128 : i32
          %lt3A_101 = arith.cmpi slt, %sub3A_99, %lt3A : i32
          %and3A_102 = arith.andi %ge3A_100, %lt3A_101 : i1
          %jit3A_103 = arith.constant 128 : i32
          %select_n3A_104 = arith.select %and3A_102, %sub3A_99, %jit3A_103 : i32
          %get3A_105 = arith.index_cast %select_n3A_104 : i32 to index
          %get3A_106 = arith.constant 0 : index
          %get3A_107 = tpu.vector_load %arg12[%get3A_105, %get3A_106] {strides = array<i32>} : memref<129x128xf32, #tpu.memory_space<vmem>>, vector<1x16xf32>,
          %get3A_108 = vector.shape_cast %get3A_107 : vector<1x16xf32> to vector<16xf32>
          %get3A_109 = arith.index_cast %scan3A_93 : i32 to index
          %get3A_110 = arith.constant 0 : index
          %get3A_111 = tpu.vector_load %arg11[%get3A_109, %get3A_110] {strides = array<i32>} : memref<128x128xf32, #tpu.memory_space<vmem>>, vector<1x16xf32>,
          %get3A_112 = vector.shape_cast %get3A_111 : vector<1x16xf32> to vector<16xf32>
          %add3A_113 = arith.addf %get3A_108, %get3A_112 : vector<16xf32>
          %swap3A = arith.index_cast %select_n3A_104 : i32 to index
          %swap3A_114 = arith.constant 0 : index
          %swap3A_115 = tpu.vector_load %arg12[%swap3A, %swap3A_114] {strides = array<i32>} : memref<129x128xf32, #tpu.memory_space<vmem>>, vector<1x16xf32>,
          %swap3A_116 = vector.shape_cast %swap3A_115 : vector<1x16xf32> to vector<16xf32>
          %swap3A_117 = vector.shape_cast %add3A_113 : vector<16xf32> to vector<1x16xf32>
          tpu.vector_store %arg12[%swap3A, %swap3A_114], %swap3A_117 {strides = array<i32>} : memref<129x128xf32, #tpu.memory_space<vmem>>, vector<1x16xf32>,
          %get3A_118 = arith.index_cast %select_n3A_104 : i32 to index
          %get3A_119 = arith.constant 16 : index
          %get3A_120 = tpu.vector_load %arg12[%get3A_118, %get3A_119] {strides = array<i32>} : memref<129x128xf32, #tpu.memory_space<vmem>>, vector<1x16xf32>,
          %get3A_121 = vector.shape_cast %get3A_120 : vector<1x16xf32> to vector<16xf32>
          %get3A_122 = arith.index_cast %scan3A_93 : i32 to index
          %get3A_123 = arith.constant 16 : index
          %get3A_124 = tpu.vector_load %arg11[%get3A_122, %get3A_123] {strides = array<i32>} : memref<128x128xf32, #tpu.memory_space<vmem>>, vector<1x16xf32>,
          %get3A_125 = vector.shape_cast %get3A_124 : vector<1x16xf32> to vector<16xf32>
          %add3A_126 = arith.addf %get3A_121, %get3A_125 : vector<16xf32>
          %swap3A_127 = arith.index_cast %select_n3A_104 : i32 to index
          %swap3A_128 = arith.constant 16 : index
          %swap3A_129 = tpu.vector_load %arg12[%swap3A_127, %swap3A_128] {strides = array<i32>} : memref<129x128xf32, #tpu.memory_space<vmem>>, vector<1x16xf32>,
          %swap3A_130 = vector.shape_cast %swap3A_129 : vector<1x16xf32> to vector<16xf32>
          %swap3A_131 = vector.shape_cast %add3A_126 : vector<16xf32> to vector<1x16xf32>
          tpu.vector_store %arg12[%swap3A_127, %swap3A_128], %swap3A_131 {strides = array<i32>} : memref<129x128xf32, #tpu.memory_space<vmem>>, vector<1x16xf32>,
          %get3A_132 = arith.index_cast %select_n3A_104 : i32 to index
          %get3A_133 = arith.constant 32 : index
          %get3A_134 = tpu.vector_load %arg12[%get3A_132, %get3A_133] {strides = array<i32>} : memref<129x128xf32, #tpu.memory_space<vmem>>, vector<1x16xf32>,
          %get3A_135 = vector.shape_cast %get3A_134 : vector<1x16xf32> to vector<16xf32>
          %get3A_136 = arith.index_cast %scan3A_93 : i32 to index
          %get3A_137 = arith.constant 32 : index
          %get3A_138 = tpu.vector_load %arg11[%get3A_136, %get3A_137] {strides = array<i32>} : memref<128x128xf32, #tpu.memory_space<vmem>>, vector<1x16xf32>,
          %get3A_139 = vector.shape_cast %get3A_138 : vector<1x16xf32> to vector<16xf32>
          %add3A_140 = arith.addf %get3A_135, %get3A_139 : vector<16xf32>
          %swap3A_141 = arith.index_cast %select_n3A_104 : i32 to index
          %swap3A_142 = arith.constant 32 : index
          %swap3A_143 = tpu.vector_load %arg12[%swap3A_141, %swap3A_142] {strides = array<i32>} : memref<129x128xf32, #tpu.memory_space<vmem>>, vector<1x16xf32>,
          %swap3A_144 = vector.shape_cast %swap3A_143 : vector<1x16xf32> to vector<16xf32>
          %swap3A_145 = vector.shape_cast %add3A_140 : vector<16xf32> to vector<1x16xf32>
          tpu.vector_store %arg12[%swap3A_141, %swap3A_142], %swap3A_145 {strides = array<i32>} : memref<129x128xf32, #tpu.memory_space<vmem>>, vector<1x16xf32>,
          %get3A_146 = arith.index_cast %select_n3A_104 : i32 to index
          %get3A_147 = arith.constant 48 : index
          %get3A_148 = tpu.vector_load %arg12[%get3A_146, %get3A_147] {strides = array<i32>} : memref<129x128xf32, #tpu.memory_space<vmem>>, vector<1x16xf32>,
          %get3A_149 = vector.shape_cast %get3A_148 : vector<1x16xf32> to vector<16xf32>
          %get3A_150 = arith.index_cast %scan3A_93 : i32 to index
          %get3A_151 = arith.constant 48 : index
          %get3A_152 = tpu.vector_load %arg11[%get3A_150, %get3A_151] {strides = array<i32>} : memref<128x128xf32, #tpu.memory_space<vmem>>, vector<1x16xf32>,
          %get3A_153 = vector.shape_cast %get3A_152 : vector<1x16xf32> to vector<16xf32>
          %add3A_154 = arith.addf %get3A_149, %get3A_153 : vector<16xf32>
          %swap3A_155 = arith.index_cast %select_n3A_104 : i32 to index
          %swap3A_156 = arith.constant 48 : index
          %swap3A_157 = tpu.vector_load %arg12[%swap3A_155, %swap3A_156] {strides = array<i32>} : memref<129x128xf32, #tpu.memory_space<vmem>>, vector<1x16xf32>,
          %swap3A_158 = vector.shape_cast %swap3A_157 : vector<1x16xf32> to vector<16xf32>
          %swap3A_159 = vector.shape_cast %add3A_154 : vector<16xf32> to vector<1x16xf32>
          tpu.vector_store %arg12[%swap3A_155, %swap3A_156], %swap3A_159 {strides = array<i32>} : memref<129x128xf32, #tpu.memory_space<vmem>>, vector<1x16xf32>,
          %get3A_160 = arith.index_cast %select_n3A_104 : i32 to index
          %get3A_161 = arith.constant 64 : index
          %get3A_162 = tpu.vector_load %arg12[%get3A_160, %get3A_161] {strides = array<i32>} : memref<129x128xf32, #tpu.memory_space<vmem>>, vector<1x16xf32>,
          %get3A_163 = vector.shape_cast %get3A_162 : vector<1x16xf32> to vector<16xf32>
          %get3A_164 = arith.index_cast %scan3A_93 : i32 to index
          %get3A_165 = arith.constant 64 : index
          %get3A_166 = tpu.vector_load %arg11[%get3A_164, %get3A_165] {strides = array<i32>} : memref<128x128xf32, #tpu.memory_space<vmem>>, vector<1x16xf32>,
          %get3A_167 = vector.shape_cast %get3A_166 : vector<1x16xf32> to vector<16xf32>
          %add3A_168 = arith.addf %get3A_163, %get3A_167 : vector<16xf32>
          %swap3A_169 = arith.index_cast %select_n3A_104 : i32 to index
          %swap3A_170 = arith.constant 64 : index
          %swap3A_171 = tpu.vector_load %arg12[%swap3A_169, %swap3A_170] {strides = array<i32>} : memref<129x128xf32, #tpu.memory_space<vmem>>, vector<1x16xf32>,
          %swap3A_172 = vector.shape_cast %swap3A_171 : vector<1x16xf32> to vector<16xf32>
          %swap3A_173 = vector.shape_cast %add3A_168 : vector<16xf32> to vector<1x16xf32>
          tpu.vector_store %arg12[%swap3A_169, %swap3A_170], %swap3A_173 {strides = array<i32>} : memref<129x128xf32, #tpu.memory_space<vmem>>, vector<1x16xf32>,
          %get3A_174 = arith.index_cast %select_n3A_104 : i32 to index
          %get3A_175 = arith.constant 80 : index
          %get3A_176 = tpu.vector_load %arg12[%get3A_174, %get3A_175] {strides = array<i32>} : memref<129x128xf32, #tpu.memory_space<vmem>>, vector<1x16xf32>,
          %get3A_177 = vector.shape_cast %get3A_176 : vector<1x16xf32> to vector<16xf32>
          %get3A_178 = arith.index_cast %scan3A_93 : i32 to index
          %get3A_179 = arith.constant 80 : index
          %get3A_180 = tpu.vector_load %arg11[%get3A_178, %get3A_179] {strides = array<i32>} : memref<128x128xf32, #tpu.memory_space<vmem>>, vector<1x16xf32>,
          %get3A_181 = vector.shape_cast %get3A_180 : vector<1x16xf32> to vector<16xf32>
          %add3A_182 = arith.addf %get3A_177, %get3A_181 : vector<16xf32>
          %swap3A_183 = arith.index_cast %select_n3A_104 : i32 to index
          %swap3A_184 = arith.constant 80 : index
          %swap3A_185 = tpu.vector_load %arg12[%swap3A_183, %swap3A_184] {strides = array<i32>} : memref<129x128xf32, #tpu.memory_space<vmem>>, vector<1x16xf32>,
          %swap3A_186 = vector.shape_cast %swap3A_185 : vector<1x16xf32> to vector<16xf32>
          %swap3A_187 = vector.shape_cast %add3A_182 : vector<16xf32> to vector<1x16xf32>
          tpu.vector_store %arg12[%swap3A_183, %swap3A_184], %swap3A_187 {strides = array<i32>} : memref<129x128xf32, #tpu.memory_space<vmem>>, vector<1x16xf32>,
          %get3A_188 = arith.index_cast %select_n3A_104 : i32 to index
          %get3A_189 = arith.constant 96 : index
          %get3A_190 = tpu.vector_load %arg12[%get3A_188, %get3A_189] {strides = array<i32>} : memref<129x128xf32, #tpu.memory_space<vmem>>, vector<1x16xf32>,
          %get3A_191 = vector.shape_cast %get3A_190 : vector<1x16xf32> to vector<16xf32>
          %get3A_192 = arith.index_cast %scan3A_93 : i32 to index
          %get3A_193 = arith.constant 96 : index
          %get3A_194 = tpu.vector_load %arg11[%get3A_192, %get3A_193] {strides = array<i32>} : memref<128x128xf32, #tpu.memory_space<vmem>>, vector<1x16xf32>,
          %get3A_195 = vector.shape_cast %get3A_194 : vector<1x16xf32> to vector<16xf32>
          %add3A_196 = arith.addf %get3A_191, %get3A_195 : vector<16xf32>
          %swap3A_197 = arith.index_cast %select_n3A_104 : i32 to index
          %swap3A_198 = arith.constant 96 : index
          %swap3A_199 = tpu.vector_load %arg12[%swap3A_197, %swap3A_198] {strides = array<i32>} : memref<129x128xf32, #tpu.memory_space<vmem>>, vector<1x16xf32>,
          %swap3A_200 = vector.shape_cast %swap3A_199 : vector<1x16xf32> to vector<16xf32>
          %swap3A_201 = vector.shape_cast %add3A_196 : vector<16xf32> to vector<1x16xf32>
          tpu.vector_store %arg12[%swap3A_197, %swap3A_198], %swap3A_201 {strides = array<i32>} : memref<129x128xf32, #tpu.memory_space<vmem>>, vector<1x16xf32>,
          %get3A_202 = arith.index_cast %select_n3A_104 : i32 to index
          %get3A_203 = arith.constant 112 : index
          %get3A_204 = tpu.vector_load %arg12[%get3A_202, %get3A_203] {strides = array<i32>} : memref<129x128xf32, #tpu.memory_space<vmem>>, vector<1x16xf32>,
          %get3A_205 = vector.shape_cast %get3A_204 : vector<1x16xf32> to vector<16xf32>
          %get3A_206 = arith.index_cast %scan3A_93 : i32 to index
          %get3A_207 = arith.constant 112 : index
          %get3A_208 = tpu.vector_load %arg11[%get3A_206, %get3A_207] {strides = array<i32>} : memref<128x128xf32, #tpu.memory_space<vmem>>, vector<1x16xf32>,
          %get3A_209 = vector.shape_cast %get3A_208 : vector<1x16xf32> to vector<16xf32>
          %add3A_210 = arith.addf %get3A_205, %get3A_209 : vector<16xf32>
          %swap3A_211 = arith.index_cast %select_n3A_104 : i32 to index
          %swap3A_212 = arith.constant 112 : index
          %swap3A_213 = tpu.vector_load %arg12[%swap3A_211, %swap3A_212] {strides = array<i32>} : memref<129x128xf32, #tpu.memory_space<vmem>>, vector<1x16xf32>,
          %swap3A_214 = vector.shape_cast %swap3A_213 : vector<1x16xf32> to vector<16xf32>
          %swap3A_215 = vector.shape_cast %add3A_210 : vector<16xf32> to vector<1x16xf32>
          tpu.vector_store %arg12[%swap3A_211, %swap3A_212], %swap3A_215 {strides = array<i32>} : memref<129x128xf32, #tpu.memory_space<vmem>>, vector<1x16xf32>,
          %get3A_216 = arith.index_cast %select_n3A_104 : i32 to index
          %get3A_217 = arith.constant 0 : index
          %get3A_218 = tpu.vector_load %arg13[%get3A_216, %get3A_217] {strides = array<i32>} : memref<129x16xf32, #tpu.memory_space<vmem>>, vector<1x16xf32>,
          %get3A_219 = vector.shape_cast %get3A_218 : vector<1x16xf32> to vector<16xf32>
          %add3A_220 = arith.addf %get3A_219, %broadcast_in_dim3A_3 : vector<16xf32>
          %swap3A_221 = arith.index_cast %select_n3A_104 : i32 to index
          %swap3A_222 = arith.constant 0 : index
          %swap3A_223 = tpu.vector_load %arg13[%swap3A_221, %swap3A_222] {strides = array<i32>} : memref<129x16xf32, #tpu.memory_space<vmem>>, vector<1x16xf32>,
          %swap3A_224 = vector.shape_cast %swap3A_223 : vector<1x16xf32> to vector<16xf32>
          %swap3A_225 = vector.shape_cast %add3A_220 : vector<16xf32> to vector<1x16xf32>
          tpu.vector_store %arg13[%swap3A_221, %swap3A_222], %swap3A_225 {strides = array<i32>} : memref<129x16xf32, #tpu.memory_space<vmem>>, vector<1x16xf32>,
        }
        %scan3A_92 = arith.constant 128 : i32
      }
      "tpu.region"() ({
        %run_scoped3A = tpu.sem_alloc : memref<!tpu.dma_semaphore, #tpu.memory_space<semaphore_mem>>
        %dma_start3A = arith.constant 0 : i32
        %dma_start3A_79 = arith.constant 0 : i32
        %dma_start3A_80 = tpu.memref_slice %arg12[%dma_start3A, %dma_start3A_79] : memref<129x128xf32, #tpu.memory_space<vmem>> -> memref<128x128xf32, #tpu.memory_space<vmem>>
        %dma_start3A_81 = arith.constant 0 : i32
        %dma_start3A_82 = tpu.memref_slice %arg6[%mul3A_14, %dma_start3A_81] : memref<8192x128xf32, #tpu.memory_space<hbm>> -> memref<128x128xf32, #tpu.memory_space<hbm>>
        %dma_start3A_83 = arith.constant 0 : i32
        %dma_start3A_84 = tpu.memref_slice %arg6[%mul3A_14, %dma_start3A_83] : memref<8192x128xf32, #tpu.memory_space<hbm>> -> memref<128x128xf32, #tpu.memory_space<hbm>>
        %dma_start3A_85 = arith.constant 0 : i32
        %dma_start3A_86 = arith.constant 0 : i32
        %dma_start3A_87 = tpu.memref_slice %arg12[%dma_start3A_85, %dma_start3A_86] : memref<129x128xf32, #tpu.memory_space<vmem>> -> memref<128x128xf32, #tpu.memory_space<vmem>>
        tpu.enqueue_dma source(%dma_start3A_87 : memref<128x128xf32, #tpu.memory_space<vmem>>) target(%dma_start3A_84 : memref<128x128xf32, #tpu.memory_space<hbm>>) target_semaphore(%run_scoped3A : memref<!tpu.dma_semaphore, #tpu.memory_space<semaphore_mem>>)
        %dma_wait3A = arith.constant 0 : i32
        %dma_wait3A_88 = arith.constant 0 : i32
        %dma_wait3A_89 = tpu.memref_slice %arg12[%dma_wait3A, %dma_wait3A_88] : memref<129x128xf32, #tpu.memory_space<vmem>> -> memref<128x128xf32, #tpu.memory_space<vmem>>
        %dma_wait3A_90 = arith.constant 0 : i32
        %dma_wait3A_91 = tpu.memref_slice %arg6[%mul3A_14, %dma_wait3A_90] : memref<8192x128xf32, #tpu.memory_space<hbm>> -> memref<128x128xf32, #tpu.memory_space<hbm>>
        %dma_wait3A_92 = arith.constant 0 : i32
        %dma_wait3A_93 = tpu.memref_slice %arg6[%mul3A_14, %dma_wait3A_92] : memref<8192x128xf32, #tpu.memory_space<hbm>> -> memref<128x128xf32, #tpu.memory_space<hbm>>
        %dma_wait3A_94 = arith.constant 0 : i32
        %dma_wait3A_95 = arith.constant 0 : i32
        %dma_wait3A_96 = tpu.memref_slice %arg12[%dma_wait3A_94, %dma_wait3A_95] : memref<129x128xf32, #tpu.memory_space<vmem>> -> memref<128x128xf32, #tpu.memory_space<vmem>>
        tpu.wait_dma2 semaphore(%run_scoped3A : memref<!tpu.dma_semaphore, #tpu.memory_space<semaphore_mem>>) src(%dma_wait3A_96 : memref<128x128xf32, #tpu.memory_space<vmem>>) dst(%dma_wait3A_93 : memref<128x128xf32, #tpu.memory_space<hbm>>)
        tpu.yield
      }) : () -> ()
      "tpu.region"() ({
        %run_scoped3A = tpu.sem_alloc : memref<!tpu.dma_semaphore, #tpu.memory_space<semaphore_mem>>
        %dma_start3A = arith.constant 0 : i32
        %dma_start3A_79 = arith.constant 0 : i32
        %dma_start3A_80 = tpu.memref_slice %arg13[%dma_start3A, %dma_start3A_79] : memref<129x16xf32, #tpu.memory_space<vmem>> -> memref<128x16xf32, #tpu.memory_space<vmem>>
        %dma_start3A_81 = arith.constant 0 : i32
        %dma_start3A_82 = tpu.memref_slice %arg7[%mul3A_14, %dma_start3A_81] : memref<8192x16xf32, #tpu.memory_space<hbm>> -> memref<128x16xf32, #tpu.memory_space<hbm>>
        %dma_start3A_83 = arith.constant 0 : i32
        %dma_start3A_84 = tpu.memref_slice %arg7[%mul3A_14, %dma_start3A_83] : memref<8192x16xf32, #tpu.memory_space<hbm>> -> memref<128x16xf32, #tpu.memory_space<hbm>>
        %dma_start3A_85 = arith.constant 0 : i32
        %dma_start3A_86 = arith.constant 0 : i32
        %dma_start3A_87 = tpu.memref_slice %arg13[%dma_start3A_85, %dma_start3A_86] : memref<129x16xf32, #tpu.memory_space<vmem>> -> memref<128x16xf32, #tpu.memory_space<vmem>>
        tpu.enqueue_dma source(%dma_start3A_87 : memref<128x16xf32, #tpu.memory_space<vmem>>) target(%dma_start3A_84 : memref<128x16xf32, #tpu.memory_space<hbm>>) target_semaphore(%run_scoped3A : memref<!tpu.dma_semaphore, #tpu.memory_space<semaphore_mem>>)
        %dma_wait3A = arith.constant 0 : i32
        %dma_wait3A_88 = arith.constant 0 : i32
        %dma_wait3A_89 = tpu.memref_slice %arg13[%dma_wait3A, %dma_wait3A_88] : memref<129x16xf32, #tpu.memory_space<vmem>> -> memref<128x16xf32, #tpu.memory_space<vmem>>
        %dma_wait3A_90 = arith.constant 0 : i32
        %dma_wait3A_91 = tpu.memref_slice %arg7[%mul3A_14, %dma_wait3A_90] : memref<8192x16xf32, #tpu.memory_space<hbm>> -> memref<128x16xf32, #tpu.memory_space<hbm>>
        %dma_wait3A_92 = arith.constant 0 : i32
        %dma_wait3A_93 = tpu.memref_slice %arg7[%mul3A_14, %dma_wait3A_92] : memref<8192x16xf32, #tpu.memory_space<hbm>> -> memref<128x16xf32, #tpu.memory_space<hbm>>
        %dma_wait3A_94 = arith.constant 0 : i32
        %dma_wait3A_95 = arith.constant 0 : i32
        %dma_wait3A_96 = tpu.memref_slice %arg13[%dma_wait3A_94, %dma_wait3A_95] : memref<129x16xf32, #tpu.memory_space<vmem>> -> memref<128x16xf32, #tpu.memory_space<vmem>>
        tpu.wait_dma2 semaphore(%run_scoped3A : memref<!tpu.dma_semaphore, #tpu.memory_space<semaphore_mem>>) src(%dma_wait3A_96 : memref<128x16xf32, #tpu.memory_space<vmem>>) dst(%dma_wait3A_93 : memref<128x16xf32, #tpu.memory_space<hbm>>)
        tpu.yield
      }) : () -> ()
    }
    %scan3A_8 = arith.constant 2 : i32
    return
  }
}

#map = affine_map<(d0, d1) -> (0, 0)>
#map1 = affine_map<(d0, d1) -> (0)>
module attributes {stable_mosaic.version = 14 : i64} {
  func.func @seg(%arg0: i32, %arg1: i32, %arg2: memref<8000x128xf32, #tpu.memory_space<hbm>>, %arg3: memref<65664xi32, #tpu.memory_space<hbm>>, %arg4: memref<65664xi32, #tpu.memory_space<hbm>>, %arg5: memref<48xi32, #tpu.memory_space<hbm>>, %arg6: memref<4096x128xf32, #tpu.memory_space<hbm>>, %arg7: memref<4096x16xf32, #tpu.memory_space<hbm>>, %arg8: memref<48xi32, #tpu.memory_space<vmem>>, %arg9: memref<128xi32, #tpu.memory_space<vmem>>, %arg10: memref<144xi32, #tpu.memory_space<vmem>>, %arg11: memref<128x128xf32, #tpu.memory_space<vmem>>, %arg12: memref<129x128xf32, #tpu.memory_space<vmem>>, %arg13: memref<129x16xf32, #tpu.memory_space<vmem>>, %arg14: memref<!tpu.dma_semaphore, #tpu.memory_space<semaphore_mem>>) attributes {dimension_semantics = [#tpu.dimension_semantics<core_parallel>, #tpu.dimension_semantics<subcore_parallel>], iteration_bounds = array<i64: 2, 16>, scalar_prefetch = 0 : i64, scratch_operands = 7 : i64, tpu.core_type = #tpu.core_type<sc_vector_subcore>, window_params = [{transform_indices = #map}, {transform_indices = #map1}, {transform_indices = #map1}, {transform_indices = #map1}, {transform_indices = #map}, {transform_indices = #map}]} {
    %mul3A = arith.constant 2 : i32
    %mul3A_0 = arith.muli %arg1, %mul3A : i32
    %add3A = arith.addi %mul3A_0, %arg0 : i32
    "tpu.region"() ({
      %run_scoped3A = tpu.sem_alloc : memref<!tpu.dma_semaphore, #tpu.memory_space<semaphore_mem>>
      tpu.enqueue_dma source(%arg5 : memref<48xi32, #tpu.memory_space<hbm>>) target(%arg8 : memref<48xi32, #tpu.memory_space<vmem>>) target_semaphore(%run_scoped3A : memref<!tpu.dma_semaphore, #tpu.memory_space<semaphore_mem>>)
      tpu.wait_dma2 semaphore(%run_scoped3A : memref<!tpu.dma_semaphore, #tpu.memory_space<semaphore_mem>>) src(%arg5 : memref<48xi32, #tpu.memory_space<hbm>>) dst(%arg8 : memref<48xi32, #tpu.memory_space<vmem>>)
      tpu.yield
    }) : () -> ()
    %broadcast_in_dim3A = arith.constant 0.000000e+00 : f32
    %broadcast_in_dim3A_1 = vector.broadcast %broadcast_in_dim3A : f32 to vector<16xf32>
    %broadcast_in_dim3A_2 = arith.constant 1.000000e+00 : f32
    %broadcast_in_dim3A_3 = vector.broadcast %broadcast_in_dim3A_2 : f32 to vector<16xf32>
    %scan3A = arith.constant 0 : i32
    %scan3A_4 = arith.constant 0 : i32
    %mul3A_5 = arith.constant 1 : i32
    %mul3A_6 = arith.muli %add3A, %mul3A_5 : i32
    %add3A_7 = arith.addi %mul3A_6, %scan3A_4 : i32
    %mul3A_8 = arith.constant 128 : i32
    %mul3A_9 = arith.muli %add3A_7, %mul3A_8 : i32
    %get3A = arith.index_cast %add3A_7 : i32 to index
    %get3A_10 = tpu.vector_load %arg8[%get3A] {strides = array<i32>} : memref<48xi32, #tpu.memory_space<vmem>>, vector<16xi32>,
    %get3A_11 = vector.shape_cast %get3A_10 : vector<16xi32> to vector<16xi32>
    %slice3A = vector.extract_strided_slice %get3A_11 {offsets = [0], sizes = [1], strides = [1]} : vector<16xi32> to vector<1xi32>
    %squeeze3A = vector.extract %slice3A[0] : i32 from vector<1xi32>
    %slice3A_12 = vector.extract_strided_slice %get3A_11 {offsets = [1], sizes = [1], strides = [1]} : vector<16xi32> to vector<1xi32>
    %squeeze3A_13 = vector.extract %slice3A_12[0] : i32 from vector<1xi32>
    %jit3A = arith.constant 8 : i32
    %div3A = arith.divsi %squeeze3A, %jit3A : i32
    %sign3A = arith.constant 0 : i32
    %sign3A_14 = arith.cmpi sgt, %squeeze3A, %sign3A : i32
    %sign3A_15 = arith.extui %sign3A_14 : i1 to i32
    %sign3A_16 = arith.constant 0 : i32
    %sign3A_17 = arith.cmpi slt, %squeeze3A, %sign3A_16 : i32
    %sign3A_18 = arith.extui %sign3A_17 : i1 to i32
    %sign3A_19 = arith.subi %sign3A_15, %sign3A_18 : i32
    %sign3A_20 = arith.constant 0 : i32
    %sign3A_21 = arith.cmpi sgt, %jit3A, %sign3A_20 : i32
    %sign3A_22 = arith.extui %sign3A_21 : i1 to i32
    %sign3A_23 = arith.constant 0 : i32
    %sign3A_24 = arith.cmpi slt, %jit3A, %sign3A_23 : i32
    %sign3A_25 = arith.extui %sign3A_24 : i1 to i32
    %sign3A_26 = arith.subi %sign3A_22, %sign3A_25 : i32
    %ne3A = arith.cmpi ne, %sign3A_19, %sign3A_26 : i32
    %rem3A = arith.remsi %squeeze3A, %jit3A : i32
    %ne3A_27 = arith.constant 0 : i32
    %ne3A_28 = arith.cmpi ne, %rem3A, %ne3A_27 : i32
    %and3A = arith.andi %ne3A, %ne3A_28 : i1
    %sub3A = arith.constant 1 : i32
    %sub3A_29 = arith.subi %div3A, %sub3A : i32
    %select_n3A = arith.select %and3A, %sub3A_29, %div3A : i32
    %mul3A_30 = arith.constant 8 : i32
    %mul3A_31 = arith.muli %select_n3A, %mul3A_30 : i32
    %sub3A_32 = arith.subi %squeeze3A_13, %mul3A_31 : i32
    %add3A_33 = arith.constant 127 : i32
    %add3A_34 = arith.addi %sub3A_32, %add3A_33 : i32
    %jit3A_35 = arith.constant 128 : i32
    %div3A_36 = arith.divsi %add3A_34, %jit3A_35 : i32
    %sign3A_37 = arith.constant 0 : i32
    %sign3A_38 = arith.cmpi sgt, %add3A_34, %sign3A_37 : i32
    %sign3A_39 = arith.extui %sign3A_38 : i1 to i32
    %sign3A_40 = arith.constant 0 : i32
    %sign3A_41 = arith.cmpi slt, %add3A_34, %sign3A_40 : i32
    %sign3A_42 = arith.extui %sign3A_41 : i1 to i32
    %sign3A_43 = arith.subi %sign3A_39, %sign3A_42 : i32
    %sign3A_44 = arith.constant 0 : i32
    %sign3A_45 = arith.cmpi sgt, %jit3A_35, %sign3A_44 : i32
    %sign3A_46 = arith.extui %sign3A_45 : i1 to i32
    %sign3A_47 = arith.constant 0 : i32
    %sign3A_48 = arith.cmpi slt, %jit3A_35, %sign3A_47 : i32
    %sign3A_49 = arith.extui %sign3A_48 : i1 to i32
    %sign3A_50 = arith.subi %sign3A_46, %sign3A_49 : i32
    %ne3A_51 = arith.cmpi ne, %sign3A_43, %sign3A_50 : i32
    %rem3A_52 = arith.remsi %add3A_34, %jit3A_35 : i32
    %ne3A_53 = arith.constant 0 : i32
    %ne3A_54 = arith.cmpi ne, %rem3A_52, %ne3A_53 : i32
    %and3A_55 = arith.andi %ne3A_51, %ne3A_54 : i1
    %sub3A_56 = arith.constant 1 : i32
    %sub3A_57 = arith.subi %div3A_36, %sub3A_56 : i32
    %select_n3A_58 = arith.select %and3A_55, %sub3A_57, %div3A_36 : i32
    %scan3A_59 = arith.constant 0 : i32
    %scan3A_60 = arith.constant 0 : i32
    %scan3A_61 = arith.constant 129 : i32
    %scan3A_62 = arith.addi %scan3A_60, %scan3A_61 : i32
    %scan3A_63 = arith.constant 1 : i32
    scf.for %scan3A_75 = %scan3A_60 to %scan3A_62 step %scan3A_63  : i32 {
      %swap3A = arith.index_cast %scan3A_75 : i32 to index
      %swap3A_76 = arith.constant 0 : index
      %swap3A_77 = tpu.vector_load %arg12[%swap3A, %swap3A_76] {strides = array<i32>} : memref<129x128xf32, #tpu.memory_space<vmem>>, vector<1x16xf32>,
      %swap3A_78 = vector.shape_cast %swap3A_77 : vector<1x16xf32> to vector<16xf32>
      %swap3A_79 = vector.shape_cast %broadcast_in_dim3A_1 : vector<16xf32> to vector<1x16xf32>
      tpu.vector_store %arg12[%swap3A, %swap3A_76], %swap3A_79 {strides = array<i32>} : memref<129x128xf32, #tpu.memory_space<vmem>>, vector<1x16xf32>,
      %swap3A_80 = arith.index_cast %scan3A_75 : i32 to index
      %swap3A_81 = arith.constant 16 : index
      %swap3A_82 = tpu.vector_load %arg12[%swap3A_80, %swap3A_81] {strides = array<i32>} : memref<129x128xf32, #tpu.memory_space<vmem>>, vector<1x16xf32>,
      %swap3A_83 = vector.shape_cast %swap3A_82 : vector<1x16xf32> to vector<16xf32>
      %swap3A_84 = vector.shape_cast %broadcast_in_dim3A_1 : vector<16xf32> to vector<1x16xf32>
      tpu.vector_store %arg12[%swap3A_80, %swap3A_81], %swap3A_84 {strides = array<i32>} : memref<129x128xf32, #tpu.memory_space<vmem>>, vector<1x16xf32>,
      %swap3A_85 = arith.index_cast %scan3A_75 : i32 to index
      %swap3A_86 = arith.constant 32 : index
      %swap3A_87 = tpu.vector_load %arg12[%swap3A_85, %swap3A_86] {strides = array<i32>} : memref<129x128xf32, #tpu.memory_space<vmem>>, vector<1x16xf32>,
      %swap3A_88 = vector.shape_cast %swap3A_87 : vector<1x16xf32> to vector<16xf32>
      %swap3A_89 = vector.shape_cast %broadcast_in_dim3A_1 : vector<16xf32> to vector<1x16xf32>
      tpu.vector_store %arg12[%swap3A_85, %swap3A_86], %swap3A_89 {strides = array<i32>} : memref<129x128xf32, #tpu.memory_space<vmem>>, vector<1x16xf32>,
      %swap3A_90 = arith.index_cast %scan3A_75 : i32 to index
      %swap3A_91 = arith.constant 48 : index
      %swap3A_92 = tpu.vector_load %arg12[%swap3A_90, %swap3A_91] {strides = array<i32>} : memref<129x128xf32, #tpu.memory_space<vmem>>, vector<1x16xf32>,
      %swap3A_93 = vector.shape_cast %swap3A_92 : vector<1x16xf32> to vector<16xf32>
      %swap3A_94 = vector.shape_cast %broadcast_in_dim3A_1 : vector<16xf32> to vector<1x16xf32>
      tpu.vector_store %arg12[%swap3A_90, %swap3A_91], %swap3A_94 {strides = array<i32>} : memref<129x128xf32, #tpu.memory_space<vmem>>, vector<1x16xf32>,
      %swap3A_95 = arith.index_cast %scan3A_75 : i32 to index
      %swap3A_96 = arith.constant 64 : index
      %swap3A_97 = tpu.vector_load %arg12[%swap3A_95, %swap3A_96] {strides = array<i32>} : memref<129x128xf32, #tpu.memory_space<vmem>>, vector<1x16xf32>,
      %swap3A_98 = vector.shape_cast %swap3A_97 : vector<1x16xf32> to vector<16xf32>
      %swap3A_99 = vector.shape_cast %broadcast_in_dim3A_1 : vector<16xf32> to vector<1x16xf32>
      tpu.vector_store %arg12[%swap3A_95, %swap3A_96], %swap3A_99 {strides = array<i32>} : memref<129x128xf32, #tpu.memory_space<vmem>>, vector<1x16xf32>,
      %swap3A_100 = arith.index_cast %scan3A_75 : i32 to index
      %swap3A_101 = arith.constant 80 : index
      %swap3A_102 = tpu.vector_load %arg12[%swap3A_100, %swap3A_101] {strides = array<i32>} : memref<129x128xf32, #tpu.memory_space<vmem>>, vector<1x16xf32>,
      %swap3A_103 = vector.shape_cast %swap3A_102 : vector<1x16xf32> to vector<16xf32>
      %swap3A_104 = vector.shape_cast %broadcast_in_dim3A_1 : vector<16xf32> to vector<1x16xf32>
      tpu.vector_store %arg12[%swap3A_100, %swap3A_101], %swap3A_104 {strides = array<i32>} : memref<129x128xf32, #tpu.memory_space<vmem>>, vector<1x16xf32>,
      %swap3A_105 = arith.index_cast %scan3A_75 : i32 to index
      %swap3A_106 = arith.constant 96 : index
      %swap3A_107 = tpu.vector_load %arg12[%swap3A_105, %swap3A_106] {strides = array<i32>} : memref<129x128xf32, #tpu.memory_space<vmem>>, vector<1x16xf32>,
      %swap3A_108 = vector.shape_cast %swap3A_107 : vector<1x16xf32> to vector<16xf32>
      %swap3A_109 = vector.shape_cast %broadcast_in_dim3A_1 : vector<16xf32> to vector<1x16xf32>
      tpu.vector_store %arg12[%swap3A_105, %swap3A_106], %swap3A_109 {strides = array<i32>} : memref<129x128xf32, #tpu.memory_space<vmem>>, vector<1x16xf32>,
      %swap3A_110 = arith.index_cast %scan3A_75 : i32 to index
      %swap3A_111 = arith.constant 112 : index
      %swap3A_112 = tpu.vector_load %arg12[%swap3A_110, %swap3A_111] {strides = array<i32>} : memref<129x128xf32, #tpu.memory_space<vmem>>, vector<1x16xf32>,
      %swap3A_113 = vector.shape_cast %swap3A_112 : vector<1x16xf32> to vector<16xf32>
      %swap3A_114 = vector.shape_cast %broadcast_in_dim3A_1 : vector<16xf32> to vector<1x16xf32>
      tpu.vector_store %arg12[%swap3A_110, %swap3A_111], %swap3A_114 {strides = array<i32>} : memref<129x128xf32, #tpu.memory_space<vmem>>, vector<1x16xf32>,
      %swap3A_115 = arith.index_cast %scan3A_75 : i32 to index
      %swap3A_116 = arith.constant 0 : index
      %swap3A_117 = tpu.vector_load %arg13[%swap3A_115, %swap3A_116] {strides = array<i32>} : memref<129x16xf32, #tpu.memory_space<vmem>>, vector<1x16xf32>,
      %swap3A_118 = vector.shape_cast %swap3A_117 : vector<1x16xf32> to vector<16xf32>
      %swap3A_119 = vector.shape_cast %broadcast_in_dim3A_1 : vector<16xf32> to vector<1x16xf32>
      tpu.vector_store %arg13[%swap3A_115, %swap3A_116], %swap3A_119 {strides = array<i32>} : memref<129x16xf32, #tpu.memory_space<vmem>>, vector<1x16xf32>,
    }
    %scan3A_64 = arith.constant 129 : i32
    %while3A = arith.constant 0 : i32
    %while3A_65 = arith.constant 0 : i32
    %while3A_66 = arith.subi %select_n3A_58, %while3A_65 : i32
    %while3A_67 = arith.addi %while3A_65, %while3A_66 : i32
    %while3A_68 = arith.constant 1 : i32
    %while3A_69 = arith.divsi %while3A_66, %while3A_68 : i32
    %while3A_70 = arith.muli %while3A_69, %while3A_68 : i32
    %while3A_71 = arith.addi %while3A_65, %while3A_70 : i32
    %while3A_72 = arith.constant 1 : i32
    scf.for %while3A_75 = %while3A_65 to %while3A_71 step %while3A_72  : i32 {
      %mul3A_76 = arith.constant 128 : i32
      %mul3A_77 = arith.muli %while3A_75, %mul3A_76 : i32
      %add3A_78 = arith.addi %mul3A_31, %mul3A_77 : i32
      "tpu.region"() ({
        %run_scoped3A = tpu.sem_alloc : memref<!tpu.dma_semaphore, #tpu.memory_space<semaphore_mem>>
        %dma_start3A_89 = tpu.memref_slice %arg3[%add3A_78] : memref<65664xi32, #tpu.memory_space<hbm>> -> memref<128xi32, #tpu.memory_space<hbm>>
        %dma_start3A_90 = tpu.memref_slice %arg3[%add3A_78] : memref<65664xi32, #tpu.memory_space<hbm>> -> memref<128xi32, #tpu.memory_space<hbm>>
        tpu.enqueue_dma source(%dma_start3A_90 : memref<128xi32, #tpu.memory_space<hbm>>) target(%arg9 : memref<128xi32, #tpu.memory_space<vmem>>) target_semaphore(%run_scoped3A : memref<!tpu.dma_semaphore, #tpu.memory_space<semaphore_mem>>)
        %dma_wait3A_91 = tpu.memref_slice %arg3[%add3A_78] : memref<65664xi32, #tpu.memory_space<hbm>> -> memref<128xi32, #tpu.memory_space<hbm>>
        %dma_wait3A_92 = tpu.memref_slice %arg3[%add3A_78] : memref<65664xi32, #tpu.memory_space<hbm>> -> memref<128xi32, #tpu.memory_space<hbm>>
        tpu.wait_dma2 semaphore(%run_scoped3A : memref<!tpu.dma_semaphore, #tpu.memory_space<semaphore_mem>>) src(%dma_wait3A_92 : memref<128xi32, #tpu.memory_space<hbm>>) dst(%arg9 : memref<128xi32, #tpu.memory_space<vmem>>)
        tpu.yield
      }) : () -> ()
      "tpu.region"() ({
        %run_scoped3A = tpu.sem_alloc : memref<!tpu.dma_semaphore, #tpu.memory_space<semaphore_mem>>
        %dma_start3A_89 = arith.constant 0 : i32
        %dma_start3A_90 = tpu.memref_slice %arg10[%dma_start3A_89] : memref<144xi32, #tpu.memory_space<vmem>> -> memref<128xi32, #tpu.memory_space<vmem>>
        %dma_start3A_91 = tpu.memref_slice %arg4[%add3A_78] : memref<65664xi32, #tpu.memory_space<hbm>> -> memref<128xi32, #tpu.memory_space<hbm>>
        %dma_start3A_92 = arith.constant 0 : i32
        %dma_start3A_93 = tpu.memref_slice %arg10[%dma_start3A_92] : memref<144xi32, #tpu.memory_space<vmem>> -> memref<128xi32, #tpu.memory_space<vmem>>
        %dma_start3A_94 = tpu.memref_slice %arg4[%add3A_78] : memref<65664xi32, #tpu.memory_space<hbm>> -> memref<128xi32, #tpu.memory_space<hbm>>
        tpu.enqueue_dma source(%dma_start3A_94 : memref<128xi32, #tpu.memory_space<hbm>>) target(%dma_start3A_93 : memref<128xi32, #tpu.memory_space<vmem>>) target_semaphore(%run_scoped3A : memref<!tpu.dma_semaphore, #tpu.memory_space<semaphore_mem>>)
        %dma_wait3A_95 = arith.constant 0 : i32
        %dma_wait3A_96 = tpu.memref_slice %arg10[%dma_wait3A_95] : memref<144xi32, #tpu.memory_space<vmem>> -> memref<128xi32, #tpu.memory_space<vmem>>
        %dma_wait3A_97 = tpu.memref_slice %arg4[%add3A_78] : memref<65664xi32, #tpu.memory_space<hbm>> -> memref<128xi32, #tpu.memory_space<hbm>>
        %dma_wait3A_98 = arith.constant 0 : i32
        %dma_wait3A_99 = tpu.memref_slice %arg10[%dma_wait3A_98] : memref<144xi32, #tpu.memory_space<vmem>> -> memref<128xi32, #tpu.memory_space<vmem>>
        %dma_wait3A_100 = tpu.memref_slice %arg4[%add3A_78] : memref<65664xi32, #tpu.memory_space<hbm>> -> memref<128xi32, #tpu.memory_space<hbm>>
        tpu.wait_dma2 semaphore(%run_scoped3A : memref<!tpu.dma_semaphore, #tpu.memory_space<semaphore_mem>>) src(%dma_wait3A_100 : memref<128xi32, #tpu.memory_space<hbm>>) dst(%dma_wait3A_99 : memref<128xi32, #tpu.memory_space<vmem>>)
        tpu.yield
      }) : () -> ()
      %dma_start3A = arith.constant 0 : i32
      %dma_start3A_79 = arith.constant 0 : i32
      %dma_start3A_80 = tpu.memref_slice %arg2[%dma_start3A, %dma_start3A_79] : memref<8000x128xf32, #tpu.memory_space<hbm>> -> memref<8000x128xf32, #tpu.memory_space<hbm>>
      tpu.enqueue_indirect_dma source(%dma_start3A_80 : memref<8000x128xf32, #tpu.memory_space<hbm>>) target(%arg11 : memref<128x128xf32, #tpu.memory_space<vmem>>) offsets(%arg9 : memref<128xi32, #tpu.memory_space<vmem>>) semaphore(%arg14 : memref<!tpu.dma_semaphore, #tpu.memory_space<semaphore_mem>>)
      %dma_wait3A = arith.constant 0 : i32
      %dma_wait3A_81 = arith.constant 0 : i32
      %dma_wait3A_82 = tpu.memref_slice %arg2[%dma_wait3A, %dma_wait3A_81] : memref<8000x128xf32, #tpu.memory_space<hbm>> -> memref<8000x128xf32, #tpu.memory_space<hbm>>
      tpu.wait_indirect_dma semaphore(%arg14 : memref<!tpu.dma_semaphore, #tpu.memory_space<semaphore_mem>>) src(%dma_wait3A_82 : memref<8000x128xf32, #tpu.memory_space<hbm>>) dst(%arg11 : memref<128x128xf32, #tpu.memory_space<vmem>>)
      %scan3A_83 = arith.constant 0 : i32
      %scan3A_84 = arith.constant 0 : i32
      %scan3A_85 = arith.constant 128 : i32
      %scan3A_86 = arith.addi %scan3A_84, %scan3A_85 : i32
      %scan3A_87 = arith.constant 1 : i32
      scf.for %scan3A_89 = %scan3A_84 to %scan3A_86 step %scan3A_87  : i32 {
        %get3A_90 = arith.index_cast %scan3A_89 : i32 to index
        %get3A_91 = tpu.vector_load %arg10[%get3A_90] {strides = array<i32>} : memref<144xi32, #tpu.memory_space<vmem>>, vector<16xi32>,
        %get3A_92 = vector.shape_cast %get3A_91 : vector<16xi32> to vector<16xi32>
        %slice3A_93 = vector.extract_strided_slice %get3A_92 {offsets = [0], sizes = [1], strides = [1]} : vector<16xi32> to vector<1xi32>
        %squeeze3A_94 = vector.extract %slice3A_93[0] : i32 from vector<1xi32>
        %sub3A_95 = arith.subi %squeeze3A_94, %mul3A_9 : i32
        %ge3A = arith.constant 0 : i32
        %ge3A_96 = arith.cmpi sge, %sub3A_95, %ge3A : i32
        %lt3A = arith.constant 128 : i32
        %lt3A_97 = arith.cmpi slt, %sub3A_95, %lt3A : i32
        %and3A_98 = arith.andi %ge3A_96, %lt3A_97 : i1
        %jit3A_99 = arith.constant 128 : i32
        %select_n3A_100 = arith.select %and3A_98, %sub3A_95, %jit3A_99 : i32
        %get3A_101 = arith.index_cast %select_n3A_100 : i32 to index
        %get3A_102 = arith.constant 0 : index
        %get3A_103 = tpu.vector_load %arg12[%get3A_101, %get3A_102] {strides = array<i32>} : memref<129x128xf32, #tpu.memory_space<vmem>>, vector<1x16xf32>,
        %get3A_104 = vector.shape_cast %get3A_103 : vector<1x16xf32> to vector<16xf32>
        %get3A_105 = arith.index_cast %scan3A_89 : i32 to index
        %get3A_106 = arith.constant 0 : index
        %get3A_107 = tpu.vector_load %arg11[%get3A_105, %get3A_106] {strides = array<i32>} : memref<128x128xf32, #tpu.memory_space<vmem>>, vector<1x16xf32>,
        %get3A_108 = vector.shape_cast %get3A_107 : vector<1x16xf32> to vector<16xf32>
        %add3A_109 = arith.addf %get3A_104, %get3A_108 : vector<16xf32>
        %swap3A = arith.index_cast %select_n3A_100 : i32 to index
        %swap3A_110 = arith.constant 0 : index
        %swap3A_111 = tpu.vector_load %arg12[%swap3A, %swap3A_110] {strides = array<i32>} : memref<129x128xf32, #tpu.memory_space<vmem>>, vector<1x16xf32>,
        %swap3A_112 = vector.shape_cast %swap3A_111 : vector<1x16xf32> to vector<16xf32>
        %swap3A_113 = vector.shape_cast %add3A_109 : vector<16xf32> to vector<1x16xf32>
        tpu.vector_store %arg12[%swap3A, %swap3A_110], %swap3A_113 {strides = array<i32>} : memref<129x128xf32, #tpu.memory_space<vmem>>, vector<1x16xf32>,
        %get3A_114 = arith.index_cast %select_n3A_100 : i32 to index
        %get3A_115 = arith.constant 16 : index
        %get3A_116 = tpu.vector_load %arg12[%get3A_114, %get3A_115] {strides = array<i32>} : memref<129x128xf32, #tpu.memory_space<vmem>>, vector<1x16xf32>,
        %get3A_117 = vector.shape_cast %get3A_116 : vector<1x16xf32> to vector<16xf32>
        %get3A_118 = arith.index_cast %scan3A_89 : i32 to index
        %get3A_119 = arith.constant 16 : index
        %get3A_120 = tpu.vector_load %arg11[%get3A_118, %get3A_119] {strides = array<i32>} : memref<128x128xf32, #tpu.memory_space<vmem>>, vector<1x16xf32>,
        %get3A_121 = vector.shape_cast %get3A_120 : vector<1x16xf32> to vector<16xf32>
        %add3A_122 = arith.addf %get3A_117, %get3A_121 : vector<16xf32>
        %swap3A_123 = arith.index_cast %select_n3A_100 : i32 to index
        %swap3A_124 = arith.constant 16 : index
        %swap3A_125 = tpu.vector_load %arg12[%swap3A_123, %swap3A_124] {strides = array<i32>} : memref<129x128xf32, #tpu.memory_space<vmem>>, vector<1x16xf32>,
        %swap3A_126 = vector.shape_cast %swap3A_125 : vector<1x16xf32> to vector<16xf32>
        %swap3A_127 = vector.shape_cast %add3A_122 : vector<16xf32> to vector<1x16xf32>
        tpu.vector_store %arg12[%swap3A_123, %swap3A_124], %swap3A_127 {strides = array<i32>} : memref<129x128xf32, #tpu.memory_space<vmem>>, vector<1x16xf32>,
        %get3A_128 = arith.index_cast %select_n3A_100 : i32 to index
        %get3A_129 = arith.constant 32 : index
        %get3A_130 = tpu.vector_load %arg12[%get3A_128, %get3A_129] {strides = array<i32>} : memref<129x128xf32, #tpu.memory_space<vmem>>, vector<1x16xf32>,
        %get3A_131 = vector.shape_cast %get3A_130 : vector<1x16xf32> to vector<16xf32>
        %get3A_132 = arith.index_cast %scan3A_89 : i32 to index
        %get3A_133 = arith.constant 32 : index
        %get3A_134 = tpu.vector_load %arg11[%get3A_132, %get3A_133] {strides = array<i32>} : memref<128x128xf32, #tpu.memory_space<vmem>>, vector<1x16xf32>,
        %get3A_135 = vector.shape_cast %get3A_134 : vector<1x16xf32> to vector<16xf32>
        %add3A_136 = arith.addf %get3A_131, %get3A_135 : vector<16xf32>
        %swap3A_137 = arith.index_cast %select_n3A_100 : i32 to index
        %swap3A_138 = arith.constant 32 : index
        %swap3A_139 = tpu.vector_load %arg12[%swap3A_137, %swap3A_138] {strides = array<i32>} : memref<129x128xf32, #tpu.memory_space<vmem>>, vector<1x16xf32>,
        %swap3A_140 = vector.shape_cast %swap3A_139 : vector<1x16xf32> to vector<16xf32>
        %swap3A_141 = vector.shape_cast %add3A_136 : vector<16xf32> to vector<1x16xf32>
        tpu.vector_store %arg12[%swap3A_137, %swap3A_138], %swap3A_141 {strides = array<i32>} : memref<129x128xf32, #tpu.memory_space<vmem>>, vector<1x16xf32>,
        %get3A_142 = arith.index_cast %select_n3A_100 : i32 to index
        %get3A_143 = arith.constant 48 : index
        %get3A_144 = tpu.vector_load %arg12[%get3A_142, %get3A_143] {strides = array<i32>} : memref<129x128xf32, #tpu.memory_space<vmem>>, vector<1x16xf32>,
        %get3A_145 = vector.shape_cast %get3A_144 : vector<1x16xf32> to vector<16xf32>
        %get3A_146 = arith.index_cast %scan3A_89 : i32 to index
        %get3A_147 = arith.constant 48 : index
        %get3A_148 = tpu.vector_load %arg11[%get3A_146, %get3A_147] {strides = array<i32>} : memref<128x128xf32, #tpu.memory_space<vmem>>, vector<1x16xf32>,
        %get3A_149 = vector.shape_cast %get3A_148 : vector<1x16xf32> to vector<16xf32>
        %add3A_150 = arith.addf %get3A_145, %get3A_149 : vector<16xf32>
        %swap3A_151 = arith.index_cast %select_n3A_100 : i32 to index
        %swap3A_152 = arith.constant 48 : index
        %swap3A_153 = tpu.vector_load %arg12[%swap3A_151, %swap3A_152] {strides = array<i32>} : memref<129x128xf32, #tpu.memory_space<vmem>>, vector<1x16xf32>,
        %swap3A_154 = vector.shape_cast %swap3A_153 : vector<1x16xf32> to vector<16xf32>
        %swap3A_155 = vector.shape_cast %add3A_150 : vector<16xf32> to vector<1x16xf32>
        tpu.vector_store %arg12[%swap3A_151, %swap3A_152], %swap3A_155 {strides = array<i32>} : memref<129x128xf32, #tpu.memory_space<vmem>>, vector<1x16xf32>,
        %get3A_156 = arith.index_cast %select_n3A_100 : i32 to index
        %get3A_157 = arith.constant 64 : index
        %get3A_158 = tpu.vector_load %arg12[%get3A_156, %get3A_157] {strides = array<i32>} : memref<129x128xf32, #tpu.memory_space<vmem>>, vector<1x16xf32>,
        %get3A_159 = vector.shape_cast %get3A_158 : vector<1x16xf32> to vector<16xf32>
        %get3A_160 = arith.index_cast %scan3A_89 : i32 to index
        %get3A_161 = arith.constant 64 : index
        %get3A_162 = tpu.vector_load %arg11[%get3A_160, %get3A_161] {strides = array<i32>} : memref<128x128xf32, #tpu.memory_space<vmem>>, vector<1x16xf32>,
        %get3A_163 = vector.shape_cast %get3A_162 : vector<1x16xf32> to vector<16xf32>
        %add3A_164 = arith.addf %get3A_159, %get3A_163 : vector<16xf32>
        %swap3A_165 = arith.index_cast %select_n3A_100 : i32 to index
        %swap3A_166 = arith.constant 64 : index
        %swap3A_167 = tpu.vector_load %arg12[%swap3A_165, %swap3A_166] {strides = array<i32>} : memref<129x128xf32, #tpu.memory_space<vmem>>, vector<1x16xf32>,
        %swap3A_168 = vector.shape_cast %swap3A_167 : vector<1x16xf32> to vector<16xf32>
        %swap3A_169 = vector.shape_cast %add3A_164 : vector<16xf32> to vector<1x16xf32>
        tpu.vector_store %arg12[%swap3A_165, %swap3A_166], %swap3A_169 {strides = array<i32>} : memref<129x128xf32, #tpu.memory_space<vmem>>, vector<1x16xf32>,
        %get3A_170 = arith.index_cast %select_n3A_100 : i32 to index
        %get3A_171 = arith.constant 80 : index
        %get3A_172 = tpu.vector_load %arg12[%get3A_170, %get3A_171] {strides = array<i32>} : memref<129x128xf32, #tpu.memory_space<vmem>>, vector<1x16xf32>,
        %get3A_173 = vector.shape_cast %get3A_172 : vector<1x16xf32> to vector<16xf32>
        %get3A_174 = arith.index_cast %scan3A_89 : i32 to index
        %get3A_175 = arith.constant 80 : index
        %get3A_176 = tpu.vector_load %arg11[%get3A_174, %get3A_175] {strides = array<i32>} : memref<128x128xf32, #tpu.memory_space<vmem>>, vector<1x16xf32>,
        %get3A_177 = vector.shape_cast %get3A_176 : vector<1x16xf32> to vector<16xf32>
        %add3A_178 = arith.addf %get3A_173, %get3A_177 : vector<16xf32>
        %swap3A_179 = arith.index_cast %select_n3A_100 : i32 to index
        %swap3A_180 = arith.constant 80 : index
        %swap3A_181 = tpu.vector_load %arg12[%swap3A_179, %swap3A_180] {strides = array<i32>} : memref<129x128xf32, #tpu.memory_space<vmem>>, vector<1x16xf32>,
        %swap3A_182 = vector.shape_cast %swap3A_181 : vector<1x16xf32> to vector<16xf32>
        %swap3A_183 = vector.shape_cast %add3A_178 : vector<16xf32> to vector<1x16xf32>
        tpu.vector_store %arg12[%swap3A_179, %swap3A_180], %swap3A_183 {strides = array<i32>} : memref<129x128xf32, #tpu.memory_space<vmem>>, vector<1x16xf32>,
        %get3A_184 = arith.index_cast %select_n3A_100 : i32 to index
        %get3A_185 = arith.constant 96 : index
        %get3A_186 = tpu.vector_load %arg12[%get3A_184, %get3A_185] {strides = array<i32>} : memref<129x128xf32, #tpu.memory_space<vmem>>, vector<1x16xf32>,
        %get3A_187 = vector.shape_cast %get3A_186 : vector<1x16xf32> to vector<16xf32>
        %get3A_188 = arith.index_cast %scan3A_89 : i32 to index
        %get3A_189 = arith.constant 96 : index
        %get3A_190 = tpu.vector_load %arg11[%get3A_188, %get3A_189] {strides = array<i32>} : memref<128x128xf32, #tpu.memory_space<vmem>>, vector<1x16xf32>,
        %get3A_191 = vector.shape_cast %get3A_190 : vector<1x16xf32> to vector<16xf32>
        %add3A_192 = arith.addf %get3A_187, %get3A_191 : vector<16xf32>
        %swap3A_193 = arith.index_cast %select_n3A_100 : i32 to index
        %swap3A_194 = arith.constant 96 : index
        %swap3A_195 = tpu.vector_load %arg12[%swap3A_193, %swap3A_194] {strides = array<i32>} : memref<129x128xf32, #tpu.memory_space<vmem>>, vector<1x16xf32>,
        %swap3A_196 = vector.shape_cast %swap3A_195 : vector<1x16xf32> to vector<16xf32>
        %swap3A_197 = vector.shape_cast %add3A_192 : vector<16xf32> to vector<1x16xf32>
        tpu.vector_store %arg12[%swap3A_193, %swap3A_194], %swap3A_197 {strides = array<i32>} : memref<129x128xf32, #tpu.memory_space<vmem>>, vector<1x16xf32>,
        %get3A_198 = arith.index_cast %select_n3A_100 : i32 to index
        %get3A_199 = arith.constant 112 : index
        %get3A_200 = tpu.vector_load %arg12[%get3A_198, %get3A_199] {strides = array<i32>} : memref<129x128xf32, #tpu.memory_space<vmem>>, vector<1x16xf32>,
        %get3A_201 = vector.shape_cast %get3A_200 : vector<1x16xf32> to vector<16xf32>
        %get3A_202 = arith.index_cast %scan3A_89 : i32 to index
        %get3A_203 = arith.constant 112 : index
        %get3A_204 = tpu.vector_load %arg11[%get3A_202, %get3A_203] {strides = array<i32>} : memref<128x128xf32, #tpu.memory_space<vmem>>, vector<1x16xf32>,
        %get3A_205 = vector.shape_cast %get3A_204 : vector<1x16xf32> to vector<16xf32>
        %add3A_206 = arith.addf %get3A_201, %get3A_205 : vector<16xf32>
        %swap3A_207 = arith.index_cast %select_n3A_100 : i32 to index
        %swap3A_208 = arith.constant 112 : index
        %swap3A_209 = tpu.vector_load %arg12[%swap3A_207, %swap3A_208] {strides = array<i32>} : memref<129x128xf32, #tpu.memory_space<vmem>>, vector<1x16xf32>,
        %swap3A_210 = vector.shape_cast %swap3A_209 : vector<1x16xf32> to vector<16xf32>
        %swap3A_211 = vector.shape_cast %add3A_206 : vector<16xf32> to vector<1x16xf32>
        tpu.vector_store %arg12[%swap3A_207, %swap3A_208], %swap3A_211 {strides = array<i32>} : memref<129x128xf32, #tpu.memory_space<vmem>>, vector<1x16xf32>,
        %get3A_212 = arith.index_cast %select_n3A_100 : i32 to index
        %get3A_213 = arith.constant 0 : index
        %get3A_214 = tpu.vector_load %arg13[%get3A_212, %get3A_213] {strides = array<i32>} : memref<129x16xf32, #tpu.memory_space<vmem>>, vector<1x16xf32>,
        %get3A_215 = vector.shape_cast %get3A_214 : vector<1x16xf32> to vector<16xf32>
        %add3A_216 = arith.addf %get3A_215, %broadcast_in_dim3A_3 : vector<16xf32>
        %swap3A_217 = arith.index_cast %select_n3A_100 : i32 to index
        %swap3A_218 = arith.constant 0 : index
        %swap3A_219 = tpu.vector_load %arg13[%swap3A_217, %swap3A_218] {strides = array<i32>} : memref<129x16xf32, #tpu.memory_space<vmem>>, vector<1x16xf32>,
        %swap3A_220 = vector.shape_cast %swap3A_219 : vector<1x16xf32> to vector<16xf32>
        %swap3A_221 = vector.shape_cast %add3A_216 : vector<16xf32> to vector<1x16xf32>
        tpu.vector_store %arg13[%swap3A_217, %swap3A_218], %swap3A_221 {strides = array<i32>} : memref<129x16xf32, #tpu.memory_space<vmem>>, vector<1x16xf32>,
      }
      %scan3A_88 = arith.constant 128 : i32
    }
    %while3A_73 = arith.constant 1 : i32
    scf.for %while3A_75 = %while3A_71 to %while3A_67 step %while3A_73  : i32 {
      %mul3A_76 = arith.constant 128 : i32
      %mul3A_77 = arith.muli %while3A_75, %mul3A_76 : i32
      %add3A_78 = arith.addi %mul3A_31, %mul3A_77 : i32
      "tpu.region"() ({
        %run_scoped3A = tpu.sem_alloc : memref<!tpu.dma_semaphore, #tpu.memory_space<semaphore_mem>>
        %dma_start3A_89 = tpu.memref_slice %arg3[%add3A_78] : memref<65664xi32, #tpu.memory_space<hbm>> -> memref<128xi32, #tpu.memory_space<hbm>>
        %dma_start3A_90 = tpu.memref_slice %arg3[%add3A_78] : memref<65664xi32, #tpu.memory_space<hbm>> -> memref<128xi32, #tpu.memory_space<hbm>>
        tpu.enqueue_dma source(%dma_start3A_90 : memref<128xi32, #tpu.memory_space<hbm>>) target(%arg9 : memref<128xi32, #tpu.memory_space<vmem>>) target_semaphore(%run_scoped3A : memref<!tpu.dma_semaphore, #tpu.memory_space<semaphore_mem>>)
        %dma_wait3A_91 = tpu.memref_slice %arg3[%add3A_78] : memref<65664xi32, #tpu.memory_space<hbm>> -> memref<128xi32, #tpu.memory_space<hbm>>
        %dma_wait3A_92 = tpu.memref_slice %arg3[%add3A_78] : memref<65664xi32, #tpu.memory_space<hbm>> -> memref<128xi32, #tpu.memory_space<hbm>>
        tpu.wait_dma2 semaphore(%run_scoped3A : memref<!tpu.dma_semaphore, #tpu.memory_space<semaphore_mem>>) src(%dma_wait3A_92 : memref<128xi32, #tpu.memory_space<hbm>>) dst(%arg9 : memref<128xi32, #tpu.memory_space<vmem>>)
        tpu.yield
      }) : () -> ()
      "tpu.region"() ({
        %run_scoped3A = tpu.sem_alloc : memref<!tpu.dma_semaphore, #tpu.memory_space<semaphore_mem>>
        %dma_start3A_89 = arith.constant 0 : i32
        %dma_start3A_90 = tpu.memref_slice %arg10[%dma_start3A_89] : memref<144xi32, #tpu.memory_space<vmem>> -> memref<128xi32, #tpu.memory_space<vmem>>
        %dma_start3A_91 = tpu.memref_slice %arg4[%add3A_78] : memref<65664xi32, #tpu.memory_space<hbm>> -> memref<128xi32, #tpu.memory_space<hbm>>
        %dma_start3A_92 = arith.constant 0 : i32
        %dma_start3A_93 = tpu.memref_slice %arg10[%dma_start3A_92] : memref<144xi32, #tpu.memory_space<vmem>> -> memref<128xi32, #tpu.memory_space<vmem>>
        %dma_start3A_94 = tpu.memref_slice %arg4[%add3A_78] : memref<65664xi32, #tpu.memory_space<hbm>> -> memref<128xi32, #tpu.memory_space<hbm>>
        tpu.enqueue_dma source(%dma_start3A_94 : memref<128xi32, #tpu.memory_space<hbm>>) target(%dma_start3A_93 : memref<128xi32, #tpu.memory_space<vmem>>) target_semaphore(%run_scoped3A : memref<!tpu.dma_semaphore, #tpu.memory_space<semaphore_mem>>)
        %dma_wait3A_95 = arith.constant 0 : i32
        %dma_wait3A_96 = tpu.memref_slice %arg10[%dma_wait3A_95] : memref<144xi32, #tpu.memory_space<vmem>> -> memref<128xi32, #tpu.memory_space<vmem>>
        %dma_wait3A_97 = tpu.memref_slice %arg4[%add3A_78] : memref<65664xi32, #tpu.memory_space<hbm>> -> memref<128xi32, #tpu.memory_space<hbm>>
        %dma_wait3A_98 = arith.constant 0 : i32
        %dma_wait3A_99 = tpu.memref_slice %arg10[%dma_wait3A_98] : memref<144xi32, #tpu.memory_space<vmem>> -> memref<128xi32, #tpu.memory_space<vmem>>
        %dma_wait3A_100 = tpu.memref_slice %arg4[%add3A_78] : memref<65664xi32, #tpu.memory_space<hbm>> -> memref<128xi32, #tpu.memory_space<hbm>>
        tpu.wait_dma2 semaphore(%run_scoped3A : memref<!tpu.dma_semaphore, #tpu.memory_space<semaphore_mem>>) src(%dma_wait3A_100 : memref<128xi32, #tpu.memory_space<hbm>>) dst(%dma_wait3A_99 : memref<128xi32, #tpu.memory_space<vmem>>)
        tpu.yield
      }) : () -> ()
      %dma_start3A = arith.constant 0 : i32
      %dma_start3A_79 = arith.constant 0 : i32
      %dma_start3A_80 = tpu.memref_slice %arg2[%dma_start3A, %dma_start3A_79] : memref<8000x128xf32, #tpu.memory_space<hbm>> -> memref<8000x128xf32, #tpu.memory_space<hbm>>
      tpu.enqueue_indirect_dma source(%dma_start3A_80 : memref<8000x128xf32, #tpu.memory_space<hbm>>) target(%arg11 : memref<128x128xf32, #tpu.memory_space<vmem>>) offsets(%arg9 : memref<128xi32, #tpu.memory_space<vmem>>) semaphore(%arg14 : memref<!tpu.dma_semaphore, #tpu.memory_space<semaphore_mem>>)
      %dma_wait3A = arith.constant 0 : i32
      %dma_wait3A_81 = arith.constant 0 : i32
      %dma_wait3A_82 = tpu.memref_slice %arg2[%dma_wait3A, %dma_wait3A_81] : memref<8000x128xf32, #tpu.memory_space<hbm>> -> memref<8000x128xf32, #tpu.memory_space<hbm>>
      tpu.wait_indirect_dma semaphore(%arg14 : memref<!tpu.dma_semaphore, #tpu.memory_space<semaphore_mem>>) src(%dma_wait3A_82 : memref<8000x128xf32, #tpu.memory_space<hbm>>) dst(%arg11 : memref<128x128xf32, #tpu.memory_space<vmem>>)
      %scan3A_83 = arith.constant 0 : i32
      %scan3A_84 = arith.constant 0 : i32
      %scan3A_85 = arith.constant 128 : i32
      %scan3A_86 = arith.addi %scan3A_84, %scan3A_85 : i32
      %scan3A_87 = arith.constant 1 : i32
      scf.for %scan3A_89 = %scan3A_84 to %scan3A_86 step %scan3A_87  : i32 {
        %get3A_90 = arith.index_cast %scan3A_89 : i32 to index
        %get3A_91 = tpu.vector_load %arg10[%get3A_90] {strides = array<i32>} : memref<144xi32, #tpu.memory_space<vmem>>, vector<16xi32>,
        %get3A_92 = vector.shape_cast %get3A_91 : vector<16xi32> to vector<16xi32>
        %slice3A_93 = vector.extract_strided_slice %get3A_92 {offsets = [0], sizes = [1], strides = [1]} : vector<16xi32> to vector<1xi32>
        %squeeze3A_94 = vector.extract %slice3A_93[0] : i32 from vector<1xi32>
        %sub3A_95 = arith.subi %squeeze3A_94, %mul3A_9 : i32
        %ge3A = arith.constant 0 : i32
        %ge3A_96 = arith.cmpi sge, %sub3A_95, %ge3A : i32
        %lt3A = arith.constant 128 : i32
        %lt3A_97 = arith.cmpi slt, %sub3A_95, %lt3A : i32
        %and3A_98 = arith.andi %ge3A_96, %lt3A_97 : i1
        %jit3A_99 = arith.constant 128 : i32
        %select_n3A_100 = arith.select %and3A_98, %sub3A_95, %jit3A_99 : i32
        %get3A_101 = arith.index_cast %select_n3A_100 : i32 to index
        %get3A_102 = arith.constant 0 : index
        %get3A_103 = tpu.vector_load %arg12[%get3A_101, %get3A_102] {strides = array<i32>} : memref<129x128xf32, #tpu.memory_space<vmem>>, vector<1x16xf32>,
        %get3A_104 = vector.shape_cast %get3A_103 : vector<1x16xf32> to vector<16xf32>
        %get3A_105 = arith.index_cast %scan3A_89 : i32 to index
        %get3A_106 = arith.constant 0 : index
        %get3A_107 = tpu.vector_load %arg11[%get3A_105, %get3A_106] {strides = array<i32>} : memref<128x128xf32, #tpu.memory_space<vmem>>, vector<1x16xf32>,
        %get3A_108 = vector.shape_cast %get3A_107 : vector<1x16xf32> to vector<16xf32>
        %add3A_109 = arith.addf %get3A_104, %get3A_108 : vector<16xf32>
        %swap3A = arith.index_cast %select_n3A_100 : i32 to index
        %swap3A_110 = arith.constant 0 : index
        %swap3A_111 = tpu.vector_load %arg12[%swap3A, %swap3A_110] {strides = array<i32>} : memref<129x128xf32, #tpu.memory_space<vmem>>, vector<1x16xf32>,
        %swap3A_112 = vector.shape_cast %swap3A_111 : vector<1x16xf32> to vector<16xf32>
        %swap3A_113 = vector.shape_cast %add3A_109 : vector<16xf32> to vector<1x16xf32>
        tpu.vector_store %arg12[%swap3A, %swap3A_110], %swap3A_113 {strides = array<i32>} : memref<129x128xf32, #tpu.memory_space<vmem>>, vector<1x16xf32>,
        %get3A_114 = arith.index_cast %select_n3A_100 : i32 to index
        %get3A_115 = arith.constant 16 : index
        %get3A_116 = tpu.vector_load %arg12[%get3A_114, %get3A_115] {strides = array<i32>} : memref<129x128xf32, #tpu.memory_space<vmem>>, vector<1x16xf32>,
        %get3A_117 = vector.shape_cast %get3A_116 : vector<1x16xf32> to vector<16xf32>
        %get3A_118 = arith.index_cast %scan3A_89 : i32 to index
        %get3A_119 = arith.constant 16 : index
        %get3A_120 = tpu.vector_load %arg11[%get3A_118, %get3A_119] {strides = array<i32>} : memref<128x128xf32, #tpu.memory_space<vmem>>, vector<1x16xf32>,
        %get3A_121 = vector.shape_cast %get3A_120 : vector<1x16xf32> to vector<16xf32>
        %add3A_122 = arith.addf %get3A_117, %get3A_121 : vector<16xf32>
        %swap3A_123 = arith.index_cast %select_n3A_100 : i32 to index
        %swap3A_124 = arith.constant 16 : index
        %swap3A_125 = tpu.vector_load %arg12[%swap3A_123, %swap3A_124] {strides = array<i32>} : memref<129x128xf32, #tpu.memory_space<vmem>>, vector<1x16xf32>,
        %swap3A_126 = vector.shape_cast %swap3A_125 : vector<1x16xf32> to vector<16xf32>
        %swap3A_127 = vector.shape_cast %add3A_122 : vector<16xf32> to vector<1x16xf32>
        tpu.vector_store %arg12[%swap3A_123, %swap3A_124], %swap3A_127 {strides = array<i32>} : memref<129x128xf32, #tpu.memory_space<vmem>>, vector<1x16xf32>,
        %get3A_128 = arith.index_cast %select_n3A_100 : i32 to index
        %get3A_129 = arith.constant 32 : index
        %get3A_130 = tpu.vector_load %arg12[%get3A_128, %get3A_129] {strides = array<i32>} : memref<129x128xf32, #tpu.memory_space<vmem>>, vector<1x16xf32>,
        %get3A_131 = vector.shape_cast %get3A_130 : vector<1x16xf32> to vector<16xf32>
        %get3A_132 = arith.index_cast %scan3A_89 : i32 to index
        %get3A_133 = arith.constant 32 : index
        %get3A_134 = tpu.vector_load %arg11[%get3A_132, %get3A_133] {strides = array<i32>} : memref<128x128xf32, #tpu.memory_space<vmem>>, vector<1x16xf32>,
        %get3A_135 = vector.shape_cast %get3A_134 : vector<1x16xf32> to vector<16xf32>
        %add3A_136 = arith.addf %get3A_131, %get3A_135 : vector<16xf32>
        %swap3A_137 = arith.index_cast %select_n3A_100 : i32 to index
        %swap3A_138 = arith.constant 32 : index
        %swap3A_139 = tpu.vector_load %arg12[%swap3A_137, %swap3A_138] {strides = array<i32>} : memref<129x128xf32, #tpu.memory_space<vmem>>, vector<1x16xf32>,
        %swap3A_140 = vector.shape_cast %swap3A_139 : vector<1x16xf32> to vector<16xf32>
        %swap3A_141 = vector.shape_cast %add3A_136 : vector<16xf32> to vector<1x16xf32>
        tpu.vector_store %arg12[%swap3A_137, %swap3A_138], %swap3A_141 {strides = array<i32>} : memref<129x128xf32, #tpu.memory_space<vmem>>, vector<1x16xf32>,
        %get3A_142 = arith.index_cast %select_n3A_100 : i32 to index
        %get3A_143 = arith.constant 48 : index
        %get3A_144 = tpu.vector_load %arg12[%get3A_142, %get3A_143] {strides = array<i32>} : memref<129x128xf32, #tpu.memory_space<vmem>>, vector<1x16xf32>,
        %get3A_145 = vector.shape_cast %get3A_144 : vector<1x16xf32> to vector<16xf32>
        %get3A_146 = arith.index_cast %scan3A_89 : i32 to index
        %get3A_147 = arith.constant 48 : index
        %get3A_148 = tpu.vector_load %arg11[%get3A_146, %get3A_147] {strides = array<i32>} : memref<128x128xf32, #tpu.memory_space<vmem>>, vector<1x16xf32>,
        %get3A_149 = vector.shape_cast %get3A_148 : vector<1x16xf32> to vector<16xf32>
        %add3A_150 = arith.addf %get3A_145, %get3A_149 : vector<16xf32>
        %swap3A_151 = arith.index_cast %select_n3A_100 : i32 to index
        %swap3A_152 = arith.constant 48 : index
        %swap3A_153 = tpu.vector_load %arg12[%swap3A_151, %swap3A_152] {strides = array<i32>} : memref<129x128xf32, #tpu.memory_space<vmem>>, vector<1x16xf32>,
        %swap3A_154 = vector.shape_cast %swap3A_153 : vector<1x16xf32> to vector<16xf32>
        %swap3A_155 = vector.shape_cast %add3A_150 : vector<16xf32> to vector<1x16xf32>
        tpu.vector_store %arg12[%swap3A_151, %swap3A_152], %swap3A_155 {strides = array<i32>} : memref<129x128xf32, #tpu.memory_space<vmem>>, vector<1x16xf32>,
        %get3A_156 = arith.index_cast %select_n3A_100 : i32 to index
        %get3A_157 = arith.constant 64 : index
        %get3A_158 = tpu.vector_load %arg12[%get3A_156, %get3A_157] {strides = array<i32>} : memref<129x128xf32, #tpu.memory_space<vmem>>, vector<1x16xf32>,
        %get3A_159 = vector.shape_cast %get3A_158 : vector<1x16xf32> to vector<16xf32>
        %get3A_160 = arith.index_cast %scan3A_89 : i32 to index
        %get3A_161 = arith.constant 64 : index
        %get3A_162 = tpu.vector_load %arg11[%get3A_160, %get3A_161] {strides = array<i32>} : memref<128x128xf32, #tpu.memory_space<vmem>>, vector<1x16xf32>,
        %get3A_163 = vector.shape_cast %get3A_162 : vector<1x16xf32> to vector<16xf32>
        %add3A_164 = arith.addf %get3A_159, %get3A_163 : vector<16xf32>
        %swap3A_165 = arith.index_cast %select_n3A_100 : i32 to index
        %swap3A_166 = arith.constant 64 : index
        %swap3A_167 = tpu.vector_load %arg12[%swap3A_165, %swap3A_166] {strides = array<i32>} : memref<129x128xf32, #tpu.memory_space<vmem>>, vector<1x16xf32>,
        %swap3A_168 = vector.shape_cast %swap3A_167 : vector<1x16xf32> to vector<16xf32>
        %swap3A_169 = vector.shape_cast %add3A_164 : vector<16xf32> to vector<1x16xf32>
        tpu.vector_store %arg12[%swap3A_165, %swap3A_166], %swap3A_169 {strides = array<i32>} : memref<129x128xf32, #tpu.memory_space<vmem>>, vector<1x16xf32>,
        %get3A_170 = arith.index_cast %select_n3A_100 : i32 to index
        %get3A_171 = arith.constant 80 : index
        %get3A_172 = tpu.vector_load %arg12[%get3A_170, %get3A_171] {strides = array<i32>} : memref<129x128xf32, #tpu.memory_space<vmem>>, vector<1x16xf32>,
        %get3A_173 = vector.shape_cast %get3A_172 : vector<1x16xf32> to vector<16xf32>
        %get3A_174 = arith.index_cast %scan3A_89 : i32 to index
        %get3A_175 = arith.constant 80 : index
        %get3A_176 = tpu.vector_load %arg11[%get3A_174, %get3A_175] {strides = array<i32>} : memref<128x128xf32, #tpu.memory_space<vmem>>, vector<1x16xf32>,
        %get3A_177 = vector.shape_cast %get3A_176 : vector<1x16xf32> to vector<16xf32>
        %add3A_178 = arith.addf %get3A_173, %get3A_177 : vector<16xf32>
        %swap3A_179 = arith.index_cast %select_n3A_100 : i32 to index
        %swap3A_180 = arith.constant 80 : index
        %swap3A_181 = tpu.vector_load %arg12[%swap3A_179, %swap3A_180] {strides = array<i32>} : memref<129x128xf32, #tpu.memory_space<vmem>>, vector<1x16xf32>,
        %swap3A_182 = vector.shape_cast %swap3A_181 : vector<1x16xf32> to vector<16xf32>
        %swap3A_183 = vector.shape_cast %add3A_178 : vector<16xf32> to vector<1x16xf32>
        tpu.vector_store %arg12[%swap3A_179, %swap3A_180], %swap3A_183 {strides = array<i32>} : memref<129x128xf32, #tpu.memory_space<vmem>>, vector<1x16xf32>,
        %get3A_184 = arith.index_cast %select_n3A_100 : i32 to index
        %get3A_185 = arith.constant 96 : index
        %get3A_186 = tpu.vector_load %arg12[%get3A_184, %get3A_185] {strides = array<i32>} : memref<129x128xf32, #tpu.memory_space<vmem>>, vector<1x16xf32>,
        %get3A_187 = vector.shape_cast %get3A_186 : vector<1x16xf32> to vector<16xf32>
        %get3A_188 = arith.index_cast %scan3A_89 : i32 to index
        %get3A_189 = arith.constant 96 : index
        %get3A_190 = tpu.vector_load %arg11[%get3A_188, %get3A_189] {strides = array<i32>} : memref<128x128xf32, #tpu.memory_space<vmem>>, vector<1x16xf32>,
        %get3A_191 = vector.shape_cast %get3A_190 : vector<1x16xf32> to vector<16xf32>
        %add3A_192 = arith.addf %get3A_187, %get3A_191 : vector<16xf32>
        %swap3A_193 = arith.index_cast %select_n3A_100 : i32 to index
        %swap3A_194 = arith.constant 96 : index
        %swap3A_195 = tpu.vector_load %arg12[%swap3A_193, %swap3A_194] {strides = array<i32>} : memref<129x128xf32, #tpu.memory_space<vmem>>, vector<1x16xf32>,
        %swap3A_196 = vector.shape_cast %swap3A_195 : vector<1x16xf32> to vector<16xf32>
        %swap3A_197 = vector.shape_cast %add3A_192 : vector<16xf32> to vector<1x16xf32>
        tpu.vector_store %arg12[%swap3A_193, %swap3A_194], %swap3A_197 {strides = array<i32>} : memref<129x128xf32, #tpu.memory_space<vmem>>, vector<1x16xf32>,
        %get3A_198 = arith.index_cast %select_n3A_100 : i32 to index
        %get3A_199 = arith.constant 112 : index
        %get3A_200 = tpu.vector_load %arg12[%get3A_198, %get3A_199] {strides = array<i32>} : memref<129x128xf32, #tpu.memory_space<vmem>>, vector<1x16xf32>,
        %get3A_201 = vector.shape_cast %get3A_200 : vector<1x16xf32> to vector<16xf32>
        %get3A_202 = arith.index_cast %scan3A_89 : i32 to index
        %get3A_203 = arith.constant 112 : index
        %get3A_204 = tpu.vector_load %arg11[%get3A_202, %get3A_203] {strides = array<i32>} : memref<128x128xf32, #tpu.memory_space<vmem>>, vector<1x16xf32>,
        %get3A_205 = vector.shape_cast %get3A_204 : vector<1x16xf32> to vector<16xf32>
        %add3A_206 = arith.addf %get3A_201, %get3A_205 : vector<16xf32>
        %swap3A_207 = arith.index_cast %select_n3A_100 : i32 to index
        %swap3A_208 = arith.constant 112 : index
        %swap3A_209 = tpu.vector_load %arg12[%swap3A_207, %swap3A_208] {strides = array<i32>} : memref<129x128xf32, #tpu.memory_space<vmem>>, vector<1x16xf32>,
        %swap3A_210 = vector.shape_cast %swap3A_209 : vector<1x16xf32> to vector<16xf32>
        %swap3A_211 = vector.shape_cast %add3A_206 : vector<16xf32> to vector<1x16xf32>
        tpu.vector_store %arg12[%swap3A_207, %swap3A_208], %swap3A_211 {strides = array<i32>} : memref<129x128xf32, #tpu.memory_space<vmem>>, vector<1x16xf32>,
        %get3A_212 = arith.index_cast %select_n3A_100 : i32 to index
        %get3A_213 = arith.constant 0 : index
        %get3A_214 = tpu.vector_load %arg13[%get3A_212, %get3A_213] {strides = array<i32>} : memref<129x16xf32, #tpu.memory_space<vmem>>, vector<1x16xf32>,
        %get3A_215 = vector.shape_cast %get3A_214 : vector<1x16xf32> to vector<16xf32>
        %add3A_216 = arith.addf %get3A_215, %broadcast_in_dim3A_3 : vector<16xf32>
        %swap3A_217 = arith.index_cast %select_n3A_100 : i32 to index
        %swap3A_218 = arith.constant 0 : index
        %swap3A_219 = tpu.vector_load %arg13[%swap3A_217, %swap3A_218] {strides = array<i32>} : memref<129x16xf32, #tpu.memory_space<vmem>>, vector<1x16xf32>,
        %swap3A_220 = vector.shape_cast %swap3A_219 : vector<1x16xf32> to vector<16xf32>
        %swap3A_221 = vector.shape_cast %add3A_216 : vector<16xf32> to vector<1x16xf32>
        tpu.vector_store %arg13[%swap3A_217, %swap3A_218], %swap3A_221 {strides = array<i32>} : memref<129x16xf32, #tpu.memory_space<vmem>>, vector<1x16xf32>,
      }
      %scan3A_88 = arith.constant 128 : i32
    }
    "tpu.region"() ({
      %run_scoped3A = tpu.sem_alloc : memref<!tpu.dma_semaphore, #tpu.memory_space<semaphore_mem>>
      %dma_start3A = arith.constant 0 : i32
      %dma_start3A_75 = arith.constant 0 : i32
      %dma_start3A_76 = tpu.memref_slice %arg12[%dma_start3A, %dma_start3A_75] : memref<129x128xf32, #tpu.memory_space<vmem>> -> memref<128x128xf32, #tpu.memory_space<vmem>>
      %dma_start3A_77 = arith.constant 0 : i32
      %dma_start3A_78 = tpu.memref_slice %arg6[%mul3A_9, %dma_start3A_77] : memref<4096x128xf32, #tpu.memory_space<hbm>> -> memref<128x128xf32, #tpu.memory_space<hbm>>
      %dma_start3A_79 = arith.constant 0 : i32
      %dma_start3A_80 = tpu.memref_slice %arg6[%mul3A_9, %dma_start3A_79] : memref<4096x128xf32, #tpu.memory_space<hbm>> -> memref<128x128xf32, #tpu.memory_space<hbm>>
      %dma_start3A_81 = arith.constant 0 : i32
      %dma_start3A_82 = arith.constant 0 : i32
      %dma_start3A_83 = tpu.memref_slice %arg12[%dma_start3A_81, %dma_start3A_82] : memref<129x128xf32, #tpu.memory_space<vmem>> -> memref<128x128xf32, #tpu.memory_space<vmem>>
      tpu.enqueue_dma source(%dma_start3A_83 : memref<128x128xf32, #tpu.memory_space<vmem>>) target(%dma_start3A_80 : memref<128x128xf32, #tpu.memory_space<hbm>>) target_semaphore(%run_scoped3A : memref<!tpu.dma_semaphore, #tpu.memory_space<semaphore_mem>>)
      %dma_wait3A = arith.constant 0 : i32
      %dma_wait3A_84 = arith.constant 0 : i32
      %dma_wait3A_85 = tpu.memref_slice %arg12[%dma_wait3A, %dma_wait3A_84] : memref<129x128xf32, #tpu.memory_space<vmem>> -> memref<128x128xf32, #tpu.memory_space<vmem>>
      %dma_wait3A_86 = arith.constant 0 : i32
      %dma_wait3A_87 = tpu.memref_slice %arg6[%mul3A_9, %dma_wait3A_86] : memref<4096x128xf32, #tpu.memory_space<hbm>> -> memref<128x128xf32, #tpu.memory_space<hbm>>
      %dma_wait3A_88 = arith.constant 0 : i32
      %dma_wait3A_89 = tpu.memref_slice %arg6[%mul3A_9, %dma_wait3A_88] : memref<4096x128xf32, #tpu.memory_space<hbm>> -> memref<128x128xf32, #tpu.memory_space<hbm>>
      %dma_wait3A_90 = arith.constant 0 : i32
      %dma_wait3A_91 = arith.constant 0 : i32
      %dma_wait3A_92 = tpu.memref_slice %arg12[%dma_wait3A_90, %dma_wait3A_91] : memref<129x128xf32, #tpu.memory_space<vmem>> -> memref<128x128xf32, #tpu.memory_space<vmem>>
      tpu.wait_dma2 semaphore(%run_scoped3A : memref<!tpu.dma_semaphore, #tpu.memory_space<semaphore_mem>>) src(%dma_wait3A_92 : memref<128x128xf32, #tpu.memory_space<vmem>>) dst(%dma_wait3A_89 : memref<128x128xf32, #tpu.memory_space<hbm>>)
      tpu.yield
    }) : () -> ()
    "tpu.region"() ({
      %run_scoped3A = tpu.sem_alloc : memref<!tpu.dma_semaphore, #tpu.memory_space<semaphore_mem>>
      %dma_start3A = arith.constant 0 : i32
      %dma_start3A_75 = arith.constant 0 : i32
      %dma_start3A_76 = tpu.memref_slice %arg13[%dma_start3A, %dma_start3A_75] : memref<129x16xf32, #tpu.memory_space<vmem>> -> memref<128x16xf32, #tpu.memory_space<vmem>>
      %dma_start3A_77 = arith.constant 0 : i32
      %dma_start3A_78 = tpu.memref_slice %arg7[%mul3A_9, %dma_start3A_77] : memref<4096x16xf32, #tpu.memory_space<hbm>> -> memref<128x16xf32, #tpu.memory_space<hbm>>
      %dma_start3A_79 = arith.constant 0 : i32
      %dma_start3A_80 = tpu.memref_slice %arg7[%mul3A_9, %dma_start3A_79] : memref<4096x16xf32, #tpu.memory_space<hbm>> -> memref<128x16xf32, #tpu.memory_space<hbm>>
      %dma_start3A_81 = arith.constant 0 : i32
      %dma_start3A_82 = arith.constant 0 : i32
      %dma_start3A_83 = tpu.memref_slice %arg13[%dma_start3A_81, %dma_start3A_82] : memref<129x16xf32, #tpu.memory_space<vmem>> -> memref<128x16xf32, #tpu.memory_space<vmem>>
      tpu.enqueue_dma source(%dma_start3A_83 : memref<128x16xf32, #tpu.memory_space<vmem>>) target(%dma_start3A_80 : memref<128x16xf32, #tpu.memory_space<hbm>>) target_semaphore(%run_scoped3A : memref<!tpu.dma_semaphore, #tpu.memory_space<semaphore_mem>>)
      %dma_wait3A = arith.constant 0 : i32
      %dma_wait3A_84 = arith.constant 0 : i32
      %dma_wait3A_85 = tpu.memref_slice %arg13[%dma_wait3A, %dma_wait3A_84] : memref<129x16xf32, #tpu.memory_space<vmem>> -> memref<128x16xf32, #tpu.memory_space<vmem>>
      %dma_wait3A_86 = arith.constant 0 : i32
      %dma_wait3A_87 = tpu.memref_slice %arg7[%mul3A_9, %dma_wait3A_86] : memref<4096x16xf32, #tpu.memory_space<hbm>> -> memref<128x16xf32, #tpu.memory_space<hbm>>
      %dma_wait3A_88 = arith.constant 0 : i32
      %dma_wait3A_89 = tpu.memref_slice %arg7[%mul3A_9, %dma_wait3A_88] : memref<4096x16xf32, #tpu.memory_space<hbm>> -> memref<128x16xf32, #tpu.memory_space<hbm>>
      %dma_wait3A_90 = arith.constant 0 : i32
      %dma_wait3A_91 = arith.constant 0 : i32
      %dma_wait3A_92 = tpu.memref_slice %arg13[%dma_wait3A_90, %dma_wait3A_91] : memref<129x16xf32, #tpu.memory_space<vmem>> -> memref<128x16xf32, #tpu.memory_space<vmem>>
      tpu.wait_dma2 semaphore(%run_scoped3A : memref<!tpu.dma_semaphore, #tpu.memory_space<semaphore_mem>>) src(%dma_wait3A_92 : memref<128x16xf32, #tpu.memory_space<vmem>>) dst(%dma_wait3A_89 : memref<128x16xf32, #tpu.memory_space<hbm>>)
      tpu.yield
    }) : () -> ()
    %scan3A_74 = arith.constant 1 : i32
    return
  }
}

module attributes {stable_mosaic.version = 14 : i64} {
  func.func @_tc_block(%arg0: i32, %arg1: memref<1000x128xf32, #tpu.memory_space<vmem>>, %arg2: memref<1000x16xf32, #tpu.memory_space<vmem>>, %arg3: memref<1000x128xf32, #tpu.memory_space<vmem>>, %arg4: memref<128x128xf32, #tpu.memory_space<vmem>>, %arg5: memref<128x128xf32, #tpu.memory_space<vmem>>, %arg6: memref<1x128xf32, #tpu.memory_space<vmem>>, %arg7: memref<1000x128xf32, #tpu.memory_space<vmem>>) attributes {dimension_semantics = [#tpu.dimension_semantics<arbitrary>], iteration_bounds = array<i64: 20>, scalar_prefetch = 0 : i64, scratch_operands = 0 : i64, tpu.core_type = #tpu.core_type<tc>, window_params = [{transform_indices = @transform_0, window_bounds = array<i64: 1000, 128>}, {transform_indices = @transform_1, window_bounds = array<i64: 1000, 16>}, {transform_indices = @transform_2, window_bounds = array<i64: 1000, 128>}, {pipeline_mode = #tpu.pipeline_mode<synchronous>, transform_indices = @transform_3, window_bounds = array<i64: 128, 128>}, {pipeline_mode = #tpu.pipeline_mode<synchronous>, transform_indices = @transform_4, window_bounds = array<i64: 128, 128>}, {pipeline_mode = #tpu.pipeline_mode<synchronous>, transform_indices = @transform_5, window_bounds = array<i64: 1, 128>}, {transform_indices = @transform_6, window_bounds = array<i64: 1000, 128>}]} {
    %get3A = arith.constant 0 : index
    %get3A_0 = arith.constant 0 : index
    %get3A_1 = vector.load %arg2[%get3A, %get3A_0] : memref<1000x16xf32, #tpu.memory_space<vmem>>, vector<1000x1xf32>
    %get3A_2 = arith.constant 0 : index
    %get3A_3 = arith.constant 0 : index
    %get3A_4 = vector.load %arg1[%get3A_2, %get3A_3] : memref<1000x128xf32, #tpu.memory_space<vmem>>, vector<1000x128xf32>
    %max3A = arith.constant 1.000000e+00 : f32
    %max3A_5 = vector.broadcast %max3A : f32 to vector<1000x1xf32>
    %max3A_6 = arith.maximumf %get3A_1, %max3A_5 : vector<1000x1xf32>
    %div3A = vector.broadcast %max3A_6 : vector<1000x1xf32> to vector<1000x128xf32>
    %div3A_7 = arith.divf %get3A_4, %div3A : vector<1000x128xf32>
    %get3A_8 = arith.constant 0 : index
    %get3A_9 = arith.constant 0 : index
    %get3A_10 = vector.load %arg4[%get3A_8, %get3A_9] : memref<128x128xf32, #tpu.memory_space<vmem>>, vector<128x128xf32>
    %dot_general3A = arith.constant dense<0.000000e+00> : vector<1000x128xf32>
    %dot_general3A_11 = tpu.matmul %div3A_7, %get3A_10, %dot_general3A {dimension_numbers = #tpu.dot_dimension_numbers<[1], [0], [0], [1], [0, 0, 1, 1], [], []>, transpose_lhs_hint = false} : vector<1000x128xf32>, vector<128x128xf32>, vector<1000x128xf32> -> vector<1000x128xf32>
    %get3A_12 = arith.constant 0 : index
    %get3A_13 = arith.constant 0 : index
    %get3A_14 = vector.load %arg3[%get3A_12, %get3A_13] : memref<1000x128xf32, #tpu.memory_space<vmem>>, vector<1000x128xf32>
    %get3A_15 = arith.constant 0 : index
    %get3A_16 = arith.constant 0 : index
    %get3A_17 = vector.load %arg5[%get3A_15, %get3A_16] : memref<128x128xf32, #tpu.memory_space<vmem>>, vector<128x128xf32>
    %dot_general3A_18 = arith.constant dense<0.000000e+00> : vector<1000x128xf32>
    %dot_general3A_19 = tpu.matmul %get3A_14, %get3A_17, %dot_general3A_18 {dimension_numbers = #tpu.dot_dimension_numbers<[1], [0], [0], [1], [0, 0, 1, 1], [], []>, transpose_lhs_hint = false} : vector<1000x128xf32>, vector<128x128xf32>, vector<1000x128xf32> -> vector<1000x128xf32>
    %add3A = arith.addf %dot_general3A_11, %dot_general3A_19 : vector<1000x128xf32>
    %get3A_20 = arith.constant 0 : index
    %get3A_21 = arith.constant 0 : index
    %get3A_22 = vector.load %arg6[%get3A_20, %get3A_21] : memref<1x128xf32, #tpu.memory_space<vmem>>, vector<1x128xf32>
    %add3A_23 = vector.broadcast %get3A_22 : vector<1x128xf32> to vector<1000x128xf32>
    %add3A_24 = arith.addf %add3A, %add3A_23 : vector<1000x128xf32>
    %max3A_25 = arith.constant 0.000000e+00 : f32
    %max3A_26 = vector.broadcast %max3A_25 : f32 to vector<1000x128xf32>
    %max3A_27 = arith.maximumf %add3A_24, %max3A_26 : vector<1000x128xf32>
    %swap3A = arith.constant 0 : index
    %swap3A_28 = arith.constant 0 : index
    %swap3A_29 = vector.load %arg7[%swap3A, %swap3A_28] : memref<1000x128xf32, #tpu.memory_space<vmem>>, vector<1000x128xf32>
    tpu.vector_store %arg7[%swap3A, %swap3A_28], %max3A_27 {strides = array<i32>} : memref<1000x128xf32, #tpu.memory_space<vmem>>, vector<1000x128xf32>,
    return
  }
  func.func @transform_0(%arg0: i32) -> (i32, i32) {
    %c0_i32 = arith.constant 0 : i32
    %c0_i32_0 = arith.constant 0 : i32
    return %arg0, %c0_i32 : i32, i32
  }
  func.func @transform_1(%arg0: i32) -> (i32, i32) {
    %c0_i32 = arith.constant 0 : i32
    %c0_i32_0 = arith.constant 0 : i32
    return %arg0, %c0_i32 : i32, i32
  }
  func.func @transform_2(%arg0: i32) -> (i32, i32) {
    %c0_i32 = arith.constant 0 : i32
    %c0_i32_0 = arith.constant 0 : i32
    return %arg0, %c0_i32 : i32, i32
  }
  func.func @transform_3(%arg0: i32) -> (i32, i32) {
    %c0_i32 = arith.constant 0 : i32
    %c0_i32_0 = arith.constant 0 : i32
    %c0_i32_1 = arith.constant 0 : i32
    return %c0_i32, %c0_i32_0 : i32, i32
  }
  func.func @transform_4(%arg0: i32) -> (i32, i32) {
    %c0_i32 = arith.constant 0 : i32
    %c0_i32_0 = arith.constant 0 : i32
    %c0_i32_1 = arith.constant 0 : i32
    return %c0_i32, %c0_i32_0 : i32, i32
  }
  func.func @transform_5(%arg0: i32) -> (i32, i32) {
    %c0_i32 = arith.constant 0 : i32
    %c0_i32_0 = arith.constant 0 : i32
    %c0_i32_1 = arith.constant 0 : i32
    return %c0_i32, %c0_i32_0 : i32, i32
  }
  func.func @transform_6(%arg0: i32) -> (i32, i32) {
    %c0_i32 = arith.constant 0 : i32
    %c0_i32_0 = arith.constant 0 : i32
    return %arg0, %c0_i32 : i32, i32
  }
}

module attributes {stable_mosaic.version = 14 : i64} {
  func.func @_tc_block(%arg0: i32, %arg1: memref<1000x128xf32, #tpu.memory_space<vmem>>, %arg2: memref<1000x16xf32, #tpu.memory_space<vmem>>, %arg3: memref<1000x128xf32, #tpu.memory_space<vmem>>, %arg4: memref<128x128xf32, #tpu.memory_space<vmem>>, %arg5: memref<128x128xf32, #tpu.memory_space<vmem>>, %arg6: memref<1x128xf32, #tpu.memory_space<vmem>>, %arg7: memref<1000x128xf32, #tpu.memory_space<vmem>>) attributes {dimension_semantics = [#tpu.dimension_semantics<arbitrary>], iteration_bounds = array<i64: 8>, scalar_prefetch = 0 : i64, scratch_operands = 0 : i64, tpu.core_type = #tpu.core_type<tc>, window_params = [{transform_indices = @transform_0, window_bounds = array<i64: 1000, 128>}, {transform_indices = @transform_1, window_bounds = array<i64: 1000, 16>}, {transform_indices = @transform_2, window_bounds = array<i64: 1000, 128>}, {pipeline_mode = #tpu.pipeline_mode<synchronous>, transform_indices = @transform_3, window_bounds = array<i64: 128, 128>}, {pipeline_mode = #tpu.pipeline_mode<synchronous>, transform_indices = @transform_4, window_bounds = array<i64: 128, 128>}, {pipeline_mode = #tpu.pipeline_mode<synchronous>, transform_indices = @transform_5, window_bounds = array<i64: 1, 128>}, {transform_indices = @transform_6, window_bounds = array<i64: 1000, 128>}]} {
    %get3A = arith.constant 0 : index
    %get3A_0 = arith.constant 0 : index
    %get3A_1 = vector.load %arg2[%get3A, %get3A_0] : memref<1000x16xf32, #tpu.memory_space<vmem>>, vector<1000x1xf32>
    %get3A_2 = arith.constant 0 : index
    %get3A_3 = arith.constant 0 : index
    %get3A_4 = vector.load %arg1[%get3A_2, %get3A_3] : memref<1000x128xf32, #tpu.memory_space<vmem>>, vector<1000x128xf32>
    %max3A = arith.constant 1.000000e+00 : f32
    %max3A_5 = vector.broadcast %max3A : f32 to vector<1000x1xf32>
    %max3A_6 = arith.maximumf %get3A_1, %max3A_5 : vector<1000x1xf32>
    %div3A = vector.broadcast %max3A_6 : vector<1000x1xf32> to vector<1000x128xf32>
    %div3A_7 = arith.divf %get3A_4, %div3A : vector<1000x128xf32>
    %get3A_8 = arith.constant 0 : index
    %get3A_9 = arith.constant 0 : index
    %get3A_10 = vector.load %arg4[%get3A_8, %get3A_9] : memref<128x128xf32, #tpu.memory_space<vmem>>, vector<128x128xf32>
    %dot_general3A = arith.constant dense<0.000000e+00> : vector<1000x128xf32>
    %dot_general3A_11 = tpu.matmul %div3A_7, %get3A_10, %dot_general3A {dimension_numbers = #tpu.dot_dimension_numbers<[1], [0], [0], [1], [0, 0, 1, 1], [], []>, transpose_lhs_hint = false} : vector<1000x128xf32>, vector<128x128xf32>, vector<1000x128xf32> -> vector<1000x128xf32>
    %get3A_12 = arith.constant 0 : index
    %get3A_13 = arith.constant 0 : index
    %get3A_14 = vector.load %arg3[%get3A_12, %get3A_13] : memref<1000x128xf32, #tpu.memory_space<vmem>>, vector<1000x128xf32>
    %get3A_15 = arith.constant 0 : index
    %get3A_16 = arith.constant 0 : index
    %get3A_17 = vector.load %arg5[%get3A_15, %get3A_16] : memref<128x128xf32, #tpu.memory_space<vmem>>, vector<128x128xf32>
    %dot_general3A_18 = arith.constant dense<0.000000e+00> : vector<1000x128xf32>
    %dot_general3A_19 = tpu.matmul %get3A_14, %get3A_17, %dot_general3A_18 {dimension_numbers = #tpu.dot_dimension_numbers<[1], [0], [0], [1], [0, 0, 1, 1], [], []>, transpose_lhs_hint = false} : vector<1000x128xf32>, vector<128x128xf32>, vector<1000x128xf32> -> vector<1000x128xf32>
    %add3A = arith.addf %dot_general3A_11, %dot_general3A_19 : vector<1000x128xf32>
    %get3A_20 = arith.constant 0 : index
    %get3A_21 = arith.constant 0 : index
    %get3A_22 = vector.load %arg6[%get3A_20, %get3A_21] : memref<1x128xf32, #tpu.memory_space<vmem>>, vector<1x128xf32>
    %add3A_23 = vector.broadcast %get3A_22 : vector<1x128xf32> to vector<1000x128xf32>
    %add3A_24 = arith.addf %add3A, %add3A_23 : vector<1000x128xf32>
    %swap3A = arith.constant 0 : index
    %swap3A_25 = arith.constant 0 : index
    %swap3A_26 = vector.load %arg7[%swap3A, %swap3A_25] : memref<1000x128xf32, #tpu.memory_space<vmem>>, vector<1000x128xf32>
    tpu.vector_store %arg7[%swap3A, %swap3A_25], %add3A_24 {strides = array<i32>} : memref<1000x128xf32, #tpu.memory_space<vmem>>, vector<1000x128xf32>,
    return
  }
  func.func @transform_0(%arg0: i32) -> (i32, i32) {
    %c0_i32 = arith.constant 0 : i32
    %c0_i32_0 = arith.constant 0 : i32
    return %arg0, %c0_i32 : i32, i32
  }
  func.func @transform_1(%arg0: i32) -> (i32, i32) {
    %c0_i32 = arith.constant 0 : i32
    %c0_i32_0 = arith.constant 0 : i32
    return %arg0, %c0_i32 : i32, i32
  }
  func.func @transform_2(%arg0: i32) -> (i32, i32) {
    %c0_i32 = arith.constant 0 : i32
    %c0_i32_0 = arith.constant 0 : i32
    return %arg0, %c0_i32 : i32, i32
  }
  func.func @transform_3(%arg0: i32) -> (i32, i32) {
    %c0_i32 = arith.constant 0 : i32
    %c0_i32_0 = arith.constant 0 : i32
    %c0_i32_1 = arith.constant 0 : i32
    return %c0_i32, %c0_i32_0 : i32, i32
  }
  func.func @transform_4(%arg0: i32) -> (i32, i32) {
    %c0_i32 = arith.constant 0 : i32
    %c0_i32_0 = arith.constant 0 : i32
    %c0_i32_1 = arith.constant 0 : i32
    return %c0_i32, %c0_i32_0 : i32, i32
  }
  func.func @transform_5(%arg0: i32) -> (i32, i32) {
    %c0_i32 = arith.constant 0 : i32
    %c0_i32_0 = arith.constant 0 : i32
    %c0_i32_1 = arith.constant 0 : i32
    return %c0_i32, %c0_i32_0 : i32, i32
  }
  func.func @transform_6(%arg0: i32) -> (i32, i32) {
    %c0_i32 = arith.constant 0 : i32
    %c0_i32_0 = arith.constant 0 : i32
    return %arg0, %c0_i32 : i32, i32
  }
}

module attributes {stable_mosaic.version = 14 : i64} {
  func.func @_tc_block(%arg0: i32, %arg1: memref<512x128xf32, #tpu.memory_space<vmem>>, %arg2: memref<512x16xf32, #tpu.memory_space<vmem>>, %arg3: memref<512x128xf32, #tpu.memory_space<vmem>>, %arg4: memref<128x128xf32, #tpu.memory_space<vmem>>, %arg5: memref<128x128xf32, #tpu.memory_space<vmem>>, %arg6: memref<1x128xf32, #tpu.memory_space<vmem>>, %arg7: memref<512x128xf32, #tpu.memory_space<vmem>>) attributes {dimension_semantics = [#tpu.dimension_semantics<arbitrary>], iteration_bounds = array<i64: 8>, scalar_prefetch = 0 : i64, scratch_operands = 0 : i64, tpu.core_type = #tpu.core_type<tc>, window_params = [{transform_indices = @transform_0, window_bounds = array<i64: 512, 128>}, {transform_indices = @transform_1, window_bounds = array<i64: 512, 16>}, {transform_indices = @transform_2, window_bounds = array<i64: 512, 128>}, {pipeline_mode = #tpu.pipeline_mode<synchronous>, transform_indices = @transform_3, window_bounds = array<i64: 128, 128>}, {pipeline_mode = #tpu.pipeline_mode<synchronous>, transform_indices = @transform_4, window_bounds = array<i64: 128, 128>}, {pipeline_mode = #tpu.pipeline_mode<synchronous>, transform_indices = @transform_5, window_bounds = array<i64: 1, 128>}, {transform_indices = @transform_6, window_bounds = array<i64: 512, 128>}]} {
    %get3A = arith.constant 0 : index
    %get3A_0 = arith.constant 0 : index
    %get3A_1 = vector.load %arg2[%get3A, %get3A_0] : memref<512x16xf32, #tpu.memory_space<vmem>>, vector<512x1xf32>
    %get3A_2 = arith.constant 0 : index
    %get3A_3 = arith.constant 0 : index
    %get3A_4 = vector.load %arg1[%get3A_2, %get3A_3] : memref<512x128xf32, #tpu.memory_space<vmem>>, vector<512x128xf32>
    %max3A = arith.constant 1.000000e+00 : f32
    %max3A_5 = vector.broadcast %max3A : f32 to vector<512x1xf32>
    %max3A_6 = arith.maximumf %get3A_1, %max3A_5 : vector<512x1xf32>
    %div3A = vector.broadcast %max3A_6 : vector<512x1xf32> to vector<512x128xf32>
    %div3A_7 = arith.divf %get3A_4, %div3A : vector<512x128xf32>
    %get3A_8 = arith.constant 0 : index
    %get3A_9 = arith.constant 0 : index
    %get3A_10 = vector.load %arg4[%get3A_8, %get3A_9] : memref<128x128xf32, #tpu.memory_space<vmem>>, vector<128x128xf32>
    %dot_general3A = arith.constant dense<0.000000e+00> : vector<512x128xf32>
    %dot_general3A_11 = tpu.matmul %div3A_7, %get3A_10, %dot_general3A {dimension_numbers = #tpu.dot_dimension_numbers<[1], [0], [0], [1], [0, 0, 1, 1], [], []>, transpose_lhs_hint = false} : vector<512x128xf32>, vector<128x128xf32>, vector<512x128xf32> -> vector<512x128xf32>
    %get3A_12 = arith.constant 0 : index
    %get3A_13 = arith.constant 0 : index
    %get3A_14 = vector.load %arg3[%get3A_12, %get3A_13] : memref<512x128xf32, #tpu.memory_space<vmem>>, vector<512x128xf32>
    %get3A_15 = arith.constant 0 : index
    %get3A_16 = arith.constant 0 : index
    %get3A_17 = vector.load %arg5[%get3A_15, %get3A_16] : memref<128x128xf32, #tpu.memory_space<vmem>>, vector<128x128xf32>
    %dot_general3A_18 = arith.constant dense<0.000000e+00> : vector<512x128xf32>
    %dot_general3A_19 = tpu.matmul %get3A_14, %get3A_17, %dot_general3A_18 {dimension_numbers = #tpu.dot_dimension_numbers<[1], [0], [0], [1], [0, 0, 1, 1], [], []>, transpose_lhs_hint = false} : vector<512x128xf32>, vector<128x128xf32>, vector<512x128xf32> -> vector<512x128xf32>
    %add3A = arith.addf %dot_general3A_11, %dot_general3A_19 : vector<512x128xf32>
    %get3A_20 = arith.constant 0 : index
    %get3A_21 = arith.constant 0 : index
    %get3A_22 = vector.load %arg6[%get3A_20, %get3A_21] : memref<1x128xf32, #tpu.memory_space<vmem>>, vector<1x128xf32>
    %add3A_23 = vector.broadcast %get3A_22 : vector<1x128xf32> to vector<512x128xf32>
    %add3A_24 = arith.addf %add3A, %add3A_23 : vector<512x128xf32>
    %max3A_25 = arith.constant 0.000000e+00 : f32
    %max3A_26 = vector.broadcast %max3A_25 : f32 to vector<512x128xf32>
    %max3A_27 = arith.maximumf %add3A_24, %max3A_26 : vector<512x128xf32>
    %swap3A = arith.constant 0 : index
    %swap3A_28 = arith.constant 0 : index
    %swap3A_29 = vector.load %arg7[%swap3A, %swap3A_28] : memref<512x128xf32, #tpu.memory_space<vmem>>, vector<512x128xf32>
    tpu.vector_store %arg7[%swap3A, %swap3A_28], %max3A_27 {strides = array<i32>} : memref<512x128xf32, #tpu.memory_space<vmem>>, vector<512x128xf32>,
    return
  }
  func.func @transform_0(%arg0: i32) -> (i32, i32) {
    %c0_i32 = arith.constant 0 : i32
    %c0_i32_0 = arith.constant 0 : i32
    return %arg0, %c0_i32 : i32, i32
  }
  func.func @transform_1(%arg0: i32) -> (i32, i32) {
    %c0_i32 = arith.constant 0 : i32
    %c0_i32_0 = arith.constant 0 : i32
    return %arg0, %c0_i32 : i32, i32
  }
  func.func @transform_2(%arg0: i32) -> (i32, i32) {
    %c0_i32 = arith.constant 0 : i32
    %c0_i32_0 = arith.constant 0 : i32
    return %arg0, %c0_i32 : i32, i32
  }
  func.func @transform_3(%arg0: i32) -> (i32, i32) {
    %c0_i32 = arith.constant 0 : i32
    %c0_i32_0 = arith.constant 0 : i32
    %c0_i32_1 = arith.constant 0 : i32
    return %c0_i32, %c0_i32_0 : i32, i32
  }
  func.func @transform_4(%arg0: i32) -> (i32, i32) {
    %c0_i32 = arith.constant 0 : i32
    %c0_i32_0 = arith.constant 0 : i32
    %c0_i32_1 = arith.constant 0 : i32
    return %c0_i32, %c0_i32_0 : i32, i32
  }
  func.func @transform_5(%arg0: i32) -> (i32, i32) {
    %c0_i32 = arith.constant 0 : i32
    %c0_i32_0 = arith.constant 0 : i32
    %c0_i32_1 = arith.constant 0 : i32
    return %c0_i32, %c0_i32_0 : i32, i32
  }
  func.func @transform_6(%arg0: i32) -> (i32, i32) {
    %c0_i32 = arith.constant 0 : i32
    %c0_i32_0 = arith.constant 0 : i32
    return %arg0, %c0_i32 : i32, i32
  }
}

</mosaic_0001>

<sc_bundles>
// kernel: kernel.11.cloned.1.call-start
scs
__scs_entry_jumppad:
0x0: {  	(pc) =	sbr.rel $0x88, $3  }
0x1: {  	(tag) =	ssettag $0x0;
	lr =	simm.s32 $0x1  }
0x2: {  	[smem:$0x3F91] =	sst lr;
	_ =	strace $0xD0000000  }
0x3: {  	_ = 	snop  }
0x4: {  	_ = 	snop  }
0x5: {  	_ = 	snop  }
0x6: {  	_ = 	snop  }
0x7: {  	_ = 	snop  }
__scs_overlays_trampoline_lowered:
0x8: {  	[smem:$0x3FA0] =	sst s0  }
0x9: {  	[smem:$0x3FA1] =	sst s1  }
0xa: {  	[smem:$0x3FA2] =	sst s2  }
0xb: {  	[smem:$0x3FA3] =	sst s3  }
0xc: {  	[smem:$0x3FA4] =	sst s4  }
0xd: {  	[smem:$0x3FA5] =	sst s5  }
0xe: {  	[smem:$0x3FA6] =	sst s6  }
0xf: {  	[smem:$0x3FA7] =	sst s7  }
0x10: {  	[smem:$0x3FA8] =	sst s8  }
0x11: {  	[smem:$0x3FA9] =	sst s9;
	s0 =	simm.s32 @!p0 $0x0  }
0x12: {  	s1 =	sld [smem:$0x3F8F];
	s0 =	simm.s32 @p0 $0x1  }
0x13: {  	[smem:$0x3FAA] =	sst s0;
	s0 =	simm.s32 @!p1 $0x0  }
0x14: {  	s2 =	sld [smem:$0x3F8E];
	s0 =	simm.s32 @p1 $0x1  }
0x15: {  	[smem:$0x3FAB] =	sst s0;
	s0 =	simm.s32 @!p2 $0x0  }
0x16: {  	s3 =	sld [smem:$0x3FDB];
	s0 =	simm.s32 @p2 $0x1  }
0x17: {  	s4 =	simm.s32 $0x1BF5;
	[smem:$0x3FAD] =	sst s0  }
0x18: {  	s0 =	sld [smem:$0x3F90];
	_ =	swait.ge [sflag:s4], $0x0  }
0x19: {  	s7 =	sld [smem:$0x3F91]  }
0x1a: {  	s8 =	sadd.s32 $0xFFFFE003, lr  }
0x1b: {  	s9 =	sadd.s32 $0xFFFFFEF7, lr;
	s5 =	simm.s32 $0xFFFFFFFF;
	p2 =	slt.u32 s8, $0xFFFFF086  }
0x1c: {  	p1 =	slt.u32 s9, $0xF7A;
	s5 =	simm.s32 @!p2 $0x0  }
0x1d: {  	s5 =	simm.s32 @p1 $0x1;
	p0 =	seq.s32 s7, s2  }
0x1e: {  	s7 =	smul.u32 @!p0 $0xF7A, s2;
	p2 =	seq.s32 @!p0 s5, $0x0  }
0x1f: {  	s9 =	smul.u32 $0xF7A, s1;
	s8 =	simm.s32 @!p0 $0x1BF5;
	p2 =	por !p2, p0  }
0x20: {  	[sflag:s8] =	ssyncset.s32 @!p0 $0xFFFFF086;
	s6 =	sadd.s32 @!p0 s3, s7;
	s7 =	simm.s32 @!p0 $0x108  }
0x21: {  	s3 =	sadd.s32 s3, s9;
	s6 =	sadd.s32 @!p0 $0x88, s6;
	s7 =	simm.s32 @p2 $0x1082  }
0x22: {  	[simem:s7], [sflag:s8] =	dma.local @!p0 [hbm:s6], $0xF7A  }
0x23: {  	s9 =	sor.u32 $0xD0000000, s2;
	s6 =	simm.s32 $0x108;
	_ =	swait.ge @!p0 [sflag:s8], $0x0  }
0x24: {  	s3 =	sadd.s32 $0x88, s3;
	s6 =	simm.s32 @!p1 $0x1082;
	[sflag:s4] =	ssyncset.s32 $0xFFFFF086  }
0x25: {  	[simem:s6], [sflag:s4] =	dma.local [hbm:s3], $0xF7A  }
0x26: {  	[smem:$0x3F91] =	sst s1;
	(tag) =	ssettag s2;
	_ =	strace s9  }
0x27: {  	s1 =	sld [smem:$0x3FA1]  }
0x28: {  	s2 =	sld [smem:$0x3FA2]  }
0x29: {  	s4 =	sld [smem:$0x3FA4]  }
0x2a: {  	p0 =	seq.s32 s5, $0x0;
	s5 =	sld [smem:$0x3FA5]  }
0x2b: {  	s6 =	sld [smem:$0x3FA6]  }
0x2c: {  	s7 =	sld [smem:$0x3FA7]  }
0x2d: {  	s3 =	simm.s32 $0x108;
	s8 =	sld [smem:$0x3FA8]  }
0x2e: {  	s3 =	simm.s32 @!p0 $0x1082;
	s9 =	sld [smem:$0x3FA9]  }
0x2f: {  	lr =	sadd.s32 s0, s3;
	s0 =	sld [smem:$0x3FA0]  }
0x30: {  	s3 =	sld [smem:$0x3FA3]  }
0x31: {  	[smem:$0x3FAC] =	sst s10  }
0x32: {  	s10 =	sld [smem:$0x3FAA];
	_ =	sdelay $0x3  }
0x33: {  	p0 =	seq.s32 s10, $0x1;
	s10 =	sld [smem:$0x3FAC];
	_ =	sdelay $0x3  }
0x34: {  	[smem:$0x3FAC] =	sst s10  }
0x35: {  	s10 =	sld [smem:$0x3FAB];
	_ =	sdelay $0x3  }
0x36: {  	p1 =	seq.s32 s10, $0x1;
	s10 =	sld [smem:$0x3FAC];
	_ =	sdelay $0x3  }
0x37: {  	[smem:$0x3FAC] =	sst s10  }
0x38: {  	s10 =	sld [smem:$0x3FAD]  }
0x39: {  	_ = 	snop;
	(pc) =	sbr.ind lr, $3  }
0x3a: {  	_ = 	snop  }
0x3b: {  	_ = 	snop  }
0x3c: {  	p2 =	seq.s32 s10, $0x1;
	s10 =	sld [smem:$0x3FAC]  }
0x3d: {  	_ =	shalt  }
0x3e: {  	_ =	shalt  }
0x3f: {  	_ =	shalt  }
0x40: {  	_ =	shalt  }
0x41: {  	_ =	shalt  }
0x42: {  	_ =	shalt  }
0x43: {  	_ =	shalt  }
0x44: {  	_ =	shalt  }
0x45: {  	_ =	shalt  }
0x46: {  	_ =	shalt  }
0x47: {  	_ =	shalt  }
0x48: {  	_ =	shalt  }
0x49: {  	_ =	shalt  }
0x4a: {  	_ =	shalt  }
0x4b: {  	_ =	shalt  }
0x4c: {  	_ =	shalt  }
0x4d: {  	_ =	shalt  }
0x4e: {  	_ =	shalt  }
0x4f: {  	_ =	shalt  }
0x50: {  	_ =	shalt  }
0x51: {  	_ =	shalt  }
0x52: {  	_ =	shalt  }
0x53: {  	_ =	shalt  }
0x54: {  	_ =	shalt  }
0x55: {  	_ =	shalt  }
0x56: {  	_ =	shalt  }
0x57: {  	_ =	shalt  }
0x58: {  	_ =	shalt  }
0x59: {  	_ =	shalt  }
0x5a: {  	_ =	shalt  }
0x5b: {  	_ =	shalt  }
0x5c: {  	_ =	shalt  }
0x5d: {  	_ =	shalt  }
0x5e: {  	_ =	shalt  }
0x5f: {  	_ =	shalt  }
0x60: {  	_ =	shalt  }
0x61: {  	_ =	shalt  }
0x62: {  	_ =	shalt  }
0x63: {  	_ =	shalt  }
0x64: {  	_ =	shalt  }
0x65: {  	_ =	shalt  }
0x66: {  	_ =	shalt  }
0x67: {  	_ =	shalt  }
0x68: {  	_ =	shalt  }
0x69: {  	_ =	shalt  }
0x6a: {  	_ =	shalt  }
0x6b: {  	_ =	shalt  }
0x6c: {  	_ =	shalt  }
0x6d: {  	_ =	shalt  }
0x6e: {  	_ =	shalt  }
0x6f: {  	_ =	shalt  }
0x70: {  	_ =	shalt  }
0x71: {  	_ =	shalt  }
0x72: {  	_ =	shalt  }
0x73: {  	_ =	shalt  }
0x74: {  	_ =	shalt  }
0x75: {  	_ =	shalt  }
0x76: {  	_ =	shalt  }
0x77: {  	_ =	shalt  }
0x78: {  	_ =	shalt  }
0x79: {  	_ =	shalt  }
0x7a: {  	_ =	shalt  }
0x7b: {  	_ =	shalt  }
0x7c: {  	_ =	shalt  }
0x7d: {  	_ =	shalt  }
0x7e: {  	_ =	shalt  }
0x7f: {  	_ =	shalt  }
0x80: {  	_ =	shalt  }
0x81: {  	_ =	shalt  }
0x82: {  	_ =	shalt  }
0x83: {  	_ =	shalt  }
0x84: {  	_ =	shalt  }
0x85: {  	_ =	shalt  }
0x86: {  	_ =	shalt  }
0x87: {  	_ =	shalt  }
.Lfunc_end0:
.L_simem_size_0:
called_computation.1_lowered:
.L_overlay_start_0:
0x88: {  	s2 =	sld [smem:$0x3FD9]  }
0x89: {  	s3 =	sld [smem:$0x3FFE];
	_ =	sdelay $0x1  }
0x8a: {  	s1 =	srdreg.scid  }
0x8b: {  	s0 =	sand.u32 $0x1, s1  }
0x8c: {  	s16 =	sshll.u32 s0, $0xA;
	s2 =	sadd.s32 s3, s2  }
0x8d: {  	s2 =	sadd.s32 s2, s16  }
0x8e: {  	[smem:$0x3FB8] =	sst s2  }
0x8f: {  	_ = 	snop  }
0x90: {  	(tm) =	ssettm $0x1  }
0x91: {  	s17 =	sld [smem:$0x3FFB];
	_ =	sdelay $0x3  }
0x92: {  	_ =	strace s17  }
0x93: {  	s2 =	sld [smem:$0x3FFC];
	_ =	sdelay $0x3  }
0x94: {  	_ =	strace s2  }
0x95: {  	s2 =	sld [smem:$0x3FFD];
	_ =	sdelay $0x3  }
0x96: {  	_ =	strace s2  }
0x97: {  	_ =	strace $0x8FFFFFFF  }
0x98: {  	s18 =	sld [smem:$0x3FDB];
	_ =	sdelay $0x1  }
0x99: {  	s19 =	simm.s32 $_scs_section_size  }
0x9a: {  	s4 =	simm.s32 $_size__tile_overlayer_lowered;
	s5 =	simm.s32 $_tile_overlayer_lowered  }
0x9b: {  	s22 =	simm.s32 $0x1BFF;
	s21 =	sshll.u32 s5, $0x1;
	s2 =	sadd.s32 s19, s18  }
0x9c: {  	s6 =	simm.s32 $0x0;
	s20 =	sshll.u32 s4, $0x1;
	s4 =	sadd.s32 s21, s2  }
0x9d: {  	[timem:s6], [sflag:s22] =	dma.local [hbm:s4], s20  }
0x9e: {  	_ =	swait.ge [sflag:s22], s20  }
0x9f: {  	s3 =	ssub.s32 $0x0, s20;
	[sflag:s22] =	ssyncset.done $0x0  }
0xa0: {  	[sflag:s22] =	ssyncadd.s32 s3;
	_ =	sdelay $0x1  }
0xa1: {  	s23 =	simm.s32 $0x1B8B  }
0xa2: {  	_ =	swait.ge [sflag:s23], $0x1  }
0xa3: {  	[sflag:s23] =	ssyncset.done $0x0  }
0xa4: {  	s25 =	simm.s32 $0x1B8E;
	s24 =	sld [smem:$0x3FFE];
	[sflag:s23] =	ssyncadd.s32 $0xFFFFFFFF  }
0xa5: {  	s26 =	simm.s32 $execute0_lowered;
	[smem:$0x3FD2] =	sst s25  }
0xa6: {  	s4 =	sshll.u32 s26, $0x1;
	_ =	strace $0x80000049;
	[dreg:$0x1] =	wrdreg $0xFFFFFFFF  }
0xa7: {  	s28 =	simm.s32 $_size_execute0_lowered;
	s2 =	sadd.s32 s2, s4;
	[dreg:$0x0] =	wrdreg $0x0  }
0xa8: {  	s4 =	sshll.u32 s28, $0x1;
	[dreg:$0x2] =	wrdreg s2  }
0xa9: {  	[dreg:$0x3] =	wrdreg s4  }
0xaa: {  	[dreg:$0x4] =	wrdreg $0xC0  }
0xab: {  	_ =	task [dreg:s6], $0x5FFFF  }
0xac: {  	[dreg:$0x1] =	wrdreg $0xFFFFFFFF  }
0xad: {  	[dreg:$0x0] =	wrdreg $0x60  }
0xae: {  	[dreg:$0x2] =	wrdreg s24  }
0xaf: {  	[dreg:$0x3] =	wrdreg $0x9  }
0xb0: {  	_ =	task.clear_ibuf [dreg:s6], $0x4FFFF;
	_ =	strace $0x90000049  }
0xb1: {  	s29 =	simm.s32 $0x9;
	_ =	strace $0x8000004B  }
0xb2: {  	_ =	swait.ge [sflag:s29], $0x1  }
0xb3: {  	[sflag:s29] =	ssyncadd.s32 $0xFFFFFFFF  }
0xb4: {  	_ =	strace $0x9000004B  }
0xb5: {  	_ =	sfence  }
0xb6: {  	s30 =	sld [smem:$0x0];
	_ =	sdelay $0x2  }
0xb7: {  	s31 =	sshll.u32 s1, $0xD;
	s1 =	sshrl.u32 s1, $0x2  }
0xb8: {  	s3 =	sand.u32 $0x4000, s31;
	s1 =	sadd.s32 s1, s30  }
0xb9: {  	s0 =	sor.u32 s3, s0;
	s1 =	sshll.u32 s1, $0x11  }
0xba: {  	s0 =	sor.u32 s1, s0  }
0xbb: {  	s0 =	sadd.s32 $0x8F2B, s0  }
0xbc: {  	[sflag:s0] =	ssyncadd.remote.s32 $0x1  }
0xbd: {  	_ =	sfence.sel $0xFFFF  }
0xbe: {  	[dreg:$0x0] =	wrdreg $0xFFFFFFFF;
	(pc) =	sbr.abs _section_cstart, $3  }
0xbf: {  	[dreg:$0x1] =	wrdreg $0xFFFFFFFF  }
0xc0: {  	_ =	task.clear_ibuf [dreg:s6], $0x2FFFF;
	_ =	strace $0x9FFFFFFF  }
0xc1: {  	(tm) =	ssettm $0x7FFFFFFF  }
tec
execute0_lowered:
.L_overlay_start_1:
0x0: {  	(tag) =	ssettag $0x1  }
0x1: {  	s8 =	rddreg [dreg:$0x0]  }
0x2: {  	s0 =	rddreg [dreg:$0x1];
	s1 =	simm.s32 $0x0;
	s4 =	srdreg.scid  }
0x3: {  	s13 =	simm.s32 $0x80;
	s14 =	simm.s32 $0x100;
	s15 =	simm.s32 $0x200  }
0x4: {  	s16 =	simm.s32 $0x4200;
	s17 =	simm.s32 $0x8600;
	s18 =	simm.s32 $0x0  }
0x5: {  	s23 =	simm.s32 $0x0;
	[smem:$0x7FF] =	sst s1;
	s2 =	sadd.s32 $0x5000, s8  }
0x6: {  	s3 =	sadd.s32 $0xFD200, s8;
	s5 =	sadd.s32 $0x101200, s8;
	s6 =	sadd.s32 $0x4E00, s8  }
.Ltmp0:
0x7: {  	s9 =	sand.u32 $0x1, s4;
	s7 =	sadd.s32 $0x53200, s8;
	(pc) =	sbr.rel .LBB2_1-.Ltmp0, $4  }
0x8: {  	s4 =	stileid.u32;
	s8 =	sadd.s32 $0x73200, s8;
	s10 =	ssub.s32 $0x2, s9  }
0x9: {  	s12 =	sshll.u32 s4, $0x2;
	s9 =	sshll.u32 s9, $0x1;
	s11 =	sshrl.u32 s10, $0x1  }
0xa: {  	_ =	strace $0x8000004A;
	s9 =	sor.u32 s9, s12;
	s10 =	ssub.s32 s10, s11  }
0xb: {  	v0 =	vimm.f32 $0.0e+00;
	s12 =	simm.s32 $0x1;
	s11 =	simm.s32 $0x2;
	s10 =	smax.u32 s10, $0x1  }
.LBB2_10:
0xc: {  	s18 =	sadd.s32 $0x1, s18  }
0xd: {  	p0 =	sne.s32 s18, s10  }
.Ltmp1:
0xe: {  	_ = 	snop;
	(pc) =	sbr.rel @!p0 .LBB2_11-.Ltmp1, $1  }
0xf: {  	_ =	sdelay $0x3  }
.LBB2_1:
.Ltmp2:
0x10: {  	(pc) =	sbr.rel .LBB2_2-.Ltmp2, $4  }
0x11: {  	[tilespmem:s1], [sflag:$0x2] =	stream.linear.gather [hbm4b:s6+s1], $0x80, $0x38;
	[tilespmem:$0xCA00] =	vst v63  }
0x12: {  	_ =	swait.ge [sflag:s11], $0x80  }
0x13: {  	[sflag:s11] =	ssyncset.done $0x0  }
0x14: {  	p1 =	por $0x1, $0x1;
	s19 =	simm.s32 $0x0;
	[sflag:s11] =	ssyncadd.s32 $0xFFFFFF80  }
.LBB2_9:
0x15: {  	s19 =	sshll.u32 s19, $0xB  }
0x16: {  	s20 =	sadd.s32 s7, s19  }
0x17: {  	[hbm4b:s20+s1] =	stream.linear.scatter [tilespmem:s16], [sflag:$0x2], $0x4000, $0x38;
	[tilespmem:$0xCA00] =	vst v63  }
0x18: {  	_ =	swait.ge [sflag:s11], $0x4000  }
0x19: {  	[sflag:s11] =	ssyncset.done $0x0  }
.Ltmp3:
0x1a: {  	s19 =	sadd.s32 s8, s19;
	[sflag:s11] =	ssyncadd.s32 $0xFFFFC000;
	(pc) =	sbr.rel @!p0 .LBB2_10-.Ltmp3, $4  }
0x1b: {  	[hbm4b:s19+s1] =	stream.linear.scatter [tilespmem:s17], [sflag:$0x2], $0x4000, $0x38;
	[tilespmem:$0xCA00] =	vst v63  }
0x1c: {  	_ =	swait.ge [sflag:s11], $0x4000  }
0x1d: {  	[sflag:s11] =	ssyncset.done $0x0  }
0x1e: {  	p1 =	por $0x0, $0x0;
	s19 =	simm.s32 $0x1;
	[sflag:s11] =	ssyncadd.s32 $0xFFFFC000  }
.LBB2_2:
0x1f: {  	s19 =	sor.u32 s9, s19  }
0x20: {  	p0 =	por p1, p1;
	s20 =	simm.s32 $0x0;
	s21 =	simm.s32 $0x200;
	v1 =	vld [tilespmem:s19+$0x0]  }
.LBB2_3:
0x21: {  	p1 =	seq.s32 s21, $0x10000;
	[tilespmem:s20+$0x8600] =	vst v0  }
0x22: {  	[tilespmem:s20+$0x4200] =	vst v0  }
0x23: {  	[tilespmem:s20+$0x4210] =	vst v0  }
0x24: {  	[tilespmem:s20+$0x4220] =	vst v0  }
.Ltmp4:
0x25: {  	[tilespmem:s20+$0x4230] =	vst v0;
	(pc) =	sbr.rel @!p1 .LBB2_3-.Ltmp4, $4  }
0x26: {  	[tilespmem:s20+$0x4240] =	vst v0  }
0x27: {  	[tilespmem:s20+$0x4250] =	vst v0  }
0x28: {  	[tilespmem:s20+$0x4260] =	vst v0  }
0x29: {  	[tilespmem:s20+$0x4270] =	vst v0;
	s20 =	sshra.s32 s21, $0x2;
	s21 =	sadd.s32 $0x200, s21  }
0x2a: {  	(v2sf) =	vpush v1, $0x0;
	_ =	sdelay $0x6  }
0x2b: {  	(v2sf) =	vpush v1, $0x1;
	_ =	sdelay $0x3  }
0x2c: {  	[tilespmem:s20+$0x8600] =	vst v0  }
0x2d: {  	[tilespmem:s20+$0x4200] =	vst v0  }
0x2e: {  	[tilespmem:s20+$0x4210] =	vst v0  }
0x2f: {  	[tilespmem:s20+$0x4220] =	vst v0  }
0x30: {  	[tilespmem:s20+$0x4230] =	vst v0;
	s26 =	spop (v2sf)  }
0x31: {  	[tilespmem:s20+$0x4240] =	vst v0;
	s21 =	sand.u32 $0x7, s26  }
0x32: {  	[tilespmem:s20+$0x4250] =	vst v0;
	s22 =	sshra.s32 s26, $0x1F;
	p1 =	slt.s32 s26, $0x1;
	p2 =	sne.s32 s21, $0x0  }
0x33: {  	[tilespmem:s20+$0x4260] =	vst v0;
	s28 =	sshrl.u32 s22, $0x1D;
	p1 =	por !p1, !p2  }
0x34: {  	[tilespmem:s20+$0x4270] =	vst v0;
	s21 =	simm.s32 $0x1;
	s20 =	sadd.s32 s28, s26;
	p1 =	por !p1, !p1  }
0x35: {  	s20 =	sshrl.u32 s20, $0x3;
	s21 =	simm.s32 @!p1 $0x0  }
0x36: {  	s20 =	ssub.s32 s20, s21  }
0x37: {  	s29 =	spop (v2sf);
	s20 =	sshll.u32 s20, $0x3  }
0x38: {  	s21 =	ssub.s32 s29, s20  }
0x39: {  	s21 =	sadd.s32 $0x7F, s21  }
0x3a: {  	s30 =	sand.u32 $0x7F, s21  }
0x3b: {  	s31 =	sshra.s32 s21, $0x1F;
	p6 =	slt.s32 s21, $0x1;
	p5 =	sne.s32 s30, $0x0  }
0x3c: {  	s22 =	sshrl.u32 s31, $0x19;
	p1 =	por !p6, !p5  }
0x3d: {  	s21 =	sadd.s32 s22, s21;
	s22 =	simm.s32 $0x1;
	p1 =	por !p1, !p1  }
0x3e: {  	s21 =	sshra.s32 s21, $0x7;
	s22 =	simm.s32 @!p1 $0x0  }
0x3f: {  	s21 =	ssub.s32 s21, s22  }
0x40: {  	p1 =	sgt.s32 s21, $0x0  }
.Ltmp5:
0x41: {  	_ = 	snop;
	(pc) =	sbr.rel @!p1 .LBB2_9-.Ltmp5, $1  }
0x42: {  	_ =	sdelay $0x3  }
0x43: {  	s22 =	sshll.u32 s19, $0x7;
	s24 =	simm.s32 $0x0  }
.LBB2_6:
0x44: {  	s25 =	sshll.u32 s24, $0x7  }
0x45: {  	s25 =	sadd.s32 s20, s25  }
0x46: {  	s25 =	sshrl.u32 s25, $0x3  }
0x47: {  	s26 =	sadd.s32 s3, s25  }
0x48: {  	[tilespmem:s13], [sflag:$0x2] =	stream.linear.gather [hbm4b:s26+s23], $0x80, $0x38;
	[tilespmem:$0xCA00] =	vst v63  }
0x49: {  	_ =	swait.ge [sflag:s11], $0x80  }
0x4a: {  	[sflag:s11] =	ssyncset.done $0x0  }
0x4b: {  	s25 =	sadd.s32 s5, s25;
	[sflag:s11] =	ssyncadd.s32 $0xFFFFFF80  }
0x4c: {  	[tilespmem:s14], [sflag:$0x2] =	stream.linear.gather [hbm4b:s25+s23], $0x80, $0x38;
	[tilespmem:$0xCA00] =	vst v63  }
0x4d: {  	_ =	swait.ge [sflag:s11], $0x80  }
0x4e: {  	[sflag:s11] =	ssyncset.done $0x0  }
0x4f: {  	[sflag:s11] =	ssyncadd.s32 $0xFFFFFF80  }
0x50: {  	[tilespmem:s15], [sflag:$0x1] =	stream.indirect.gather [hbm4b:s2+s13], $0x80, s13, s13, $0xb8;
	[tilespmem:$0xCA00] =	vst v63  }
0x51: {  	_ =	swait.ge [sflag:s12], $0x4000  }
0x52: {  	[sflag:s12] =	ssyncset.done $0x0  }
0x53: {  	s28 =	simm.s32 $0x0;
	[sflag:s12] =	ssyncadd.s32 $0xFFFFC000  }
0x54: {  	v1 =	vld [tilespmem:s28+$0x100];
	_ =	sdelay $0x4  }
0x55: {  	(v2sf) =	vpush v1, $0x0;
	_ =	sdelay $0xe  }
0x56: {  	s30 =	spop (v2sf)  }
0x57: {  	s31 =	ssub.s32 s30, s22  }
0x58: {  	s25 =	simm.s32 $0x240;
	s26 =	smin.u32 s31, $0x80  }
0x59: {  	v1 =	vld [tilespmem:s25+$0xFFFFFFC0];
	s28 =	sshll.u32 s26, $0x7  }
0x5a: {  	v2 =	vld [tilespmem:s28+$0x4200];
	_ =	sdelay $0x4  }
0x5b: {  	v1 =	vadd.f32 v1, v2;
	_ =	sdelay $0x1  }
0x5c: {  	[tilespmem:s28+$0x4200] =	vst v1;
	v1 =	vld [tilespmem:s28+$0x4210]  }
0x5d: {  	v2 =	vld [tilespmem:s25+$0xFFFFFFD0];
	_ =	sdelay $0x4  }
0x5e: {  	v1 =	vadd.f32 v2, v1;
	_ =	sdelay $0x1  }
0x5f: {  	[tilespmem:s28+$0x4210] =	vst v1;
	v1 =	vld [tilespmem:s28+$0x4220]  }
0x60: {  	v2 =	vld [tilespmem:s25+$0xFFFFFFE0];
	_ =	sdelay $0x4  }
0x61: {  	v1 =	vadd.f32 v2, v1;
	_ =	sdelay $0x1  }
0x62: {  	[tilespmem:s28+$0x4220] =	vst v1;
	v1 =	vld [tilespmem:s28+$0x4230]  }
0x63: {  	v2 =	vld [tilespmem:s25+$0xFFFFFFF0];
	_ =	sdelay $0x4  }
0x64: {  	v1 =	vadd.f32 v2, v1;
	_ =	sdelay $0x1  }
0x65: {  	[tilespmem:s28+$0x4230] =	vst v1;
	v1 =	vld [tilespmem:s28+$0x4240]  }
0x66: {  	v2 =	vld [tilespmem:s25+$0x0];
	_ =	sdelay $0x4  }
0x67: {  	v1 =	vadd.f32 v2, v1;
	_ =	sdelay $0x1  }
0x68: {  	[tilespmem:s28+$0x4240] =	vst v1;
	v1 =	vld [tilespmem:s28+$0x4250]  }
0x69: {  	v2 =	vld [tilespmem:s25+$0x10];
	_ =	sdelay $0x4  }
0x6a: {  	v1 =	vadd.f32 v2, v1;
	_ =	sdelay $0x1  }
0x6b: {  	[tilespmem:s28+$0x4250] =	vst v1;
	v1 =	vld [tilespmem:s28+$0x4260]  }
0x6c: {  	v2 =	vld [tilespmem:s25+$0x20];
	_ =	sdelay $0x4  }
0x6d: {  	v1 =	vadd.f32 v2, v1  }
0x6e: {  	v2 =	vld [tilespmem:s28+$0x8600]  }
0x6f: {  	[tilespmem:s28+$0x4260] =	vst v1;
	v1 =	vld [tilespmem:s28+$0x4270]  }
0x70: {  	v3 =	vld [tilespmem:s25+$0x30];
	_ =	sdelay $0x3  }
0x71: {  	v2 =	vadd.f32 $1.000000000e+00, v2  }
0x72: {  	v1 =	vadd.f32 v3, v1  }
0x73: {  	[tilespmem:s28+$0x8600] =	vst v2  }
0x74: {  	s29 =	simm.s32 $0x1;
	s26 =	simm.s32 $0x8;
	[tilespmem:s28+$0x4270] =	vst v1  }
.LBB2_7:
0x75: {  	p1 =	sne.s32 s26, $0x1FC;
	v1 =	vld [tilespmem:s29+$0x100];
	_ =	sdelay $0x4  }
0x76: {  	(v2sf) =	vpush v1, $0x0;
	_ =	sdelay $0xe  }
0x77: {  	s28 =	spop (v2sf)  }
0x78: {  	s28 =	ssub.s32 s28, s22  }
0x79: {  	s25 =	sadd.s32 $0x80, s25;
	s28 =	smin.u32 s28, $0x80  }
0x7a: {  	s28 =	sshll.u32 s28, $0x7;
	v1 =	vld [tilespmem:s25+$0xFFFFFFC0]  }
0x7b: {  	v2 =	vld [tilespmem:s28+$0x4200]  }
0x7c: {  	v3 =	vld [tilespmem:s28+$0x8600];
	_ =	sdelay $0x3  }
0x7d: {  	v1 =	vadd.f32 v1, v2  }
0x7e: {  	v2 =	vadd.f32 $1.000000000e+00, v3  }
0x7f: {  	[tilespmem:s28+$0x4200] =	vst v1;
	v1 =	vld [tilespmem:s28+$0x4210]  }
0x80: {  	v3 =	vld [tilespmem:s25+$0xFFFFFFD0];
	_ =	sdelay $0x4  }
0x81: {  	v1 =	vadd.f32 v3, v1;
	_ =	sdelay $0x1  }
0x82: {  	[tilespmem:s28+$0x4210] =	vst v1;
	v1 =	vld [tilespmem:s28+$0x4220]  }
0x83: {  	v3 =	vld [tilespmem:s25+$0xFFFFFFE0];
	_ =	sdelay $0x4  }
0x84: {  	v1 =	vadd.f32 v3, v1;
	_ =	sdelay $0x1  }
0x85: {  	[tilespmem:s28+$0x4220] =	vst v1;
	v1 =	vld [tilespmem:s28+$0x4230]  }
0x86: {  	v3 =	vld [tilespmem:s25+$0xFFFFFFF0];
	_ =	sdelay $0x4  }
0x87: {  	v1 =	vadd.f32 v3, v1;
	_ =	sdelay $0x1  }
0x88: {  	[tilespmem:s28+$0x4230] =	vst v1;
	v1 =	vld [tilespmem:s28+$0x4240]  }
0x89: {  	v3 =	vld [tilespmem:s25+$0x0];
	_ =	sdelay $0x4  }
0x8a: {  	v1 =	vadd.f32 v3, v1;
	_ =	sdelay $0x1  }
0x8b: {  	[tilespmem:s28+$0x4240] =	vst v1;
	v1 =	vld [tilespmem:s28+$0x4250]  }
0x8c: {  	v3 =	vld [tilespmem:s25+$0x10];
	_ =	sdelay $0x4  }
0x8d: {  	v1 =	vadd.f32 v3, v1;
	_ =	sdelay $0x1  }
0x8e: {  	[tilespmem:s28+$0x4250] =	vst v1;
	v1 =	vld [tilespmem:s28+$0x4260]  }
0x8f: {  	v3 =	vld [tilespmem:s25+$0x20];
	_ =	sdelay $0x4  }
0x90: {  	v1 =	vadd.f32 v3, v1;
	_ =	sdelay $0x1  }
0x91: {  	[tilespmem:s28+$0x4260] =	vst v1;
	v1 =	vld [tilespmem:s28+$0x4270]  }
0x92: {  	v3 =	vld [tilespmem:s25+$0x30];
	[tilespmem:s28+$0x8600] =	vst v2;
	_ =	sdelay $0x2  }
.Ltmp6:
0x93: {  	(pc) =	sbr.rel @p1 .LBB2_7-.Ltmp6, $3  }
0x94: {  	_ = 	snop  }
0x95: {  	v1 =	vadd.f32 v3, v1;
	_ =	sdelay $0x1  }
0x96: {  	s29 =	sshra.s32 s26, $0x2;
	s26 =	sadd.s32 $0x4, s26;
	[tilespmem:s28+$0x4270] =	vst v1  }
0x97: {  	v1 =	vld [tilespmem:s29+$0x100];
	_ =	sdelay $0x4  }
0x98: {  	(v2sf) =	vpush v1, $0x0;
	_ =	sdelay $0xe  }
0x99: {  	s26 =	spop (v2sf)  }
0x9a: {  	s26 =	ssub.s32 s26, s22  }
0x9b: {  	s25 =	sadd.s32 $0x80, s25;
	s26 =	smin.u32 s26, $0x80  }
0x9c: {  	v1 =	vld [tilespmem:s25+$0xFFFFFFC0];
	s26 =	sshll.u32 s26, $0x7  }
0x9d: {  	v2 =	vld [tilespmem:s26+$0x4200];
	_ =	sdelay $0x4  }
0x9e: {  	v1 =	vadd.f32 v1, v2;
	_ =	sdelay $0x1  }
0x9f: {  	[tilespmem:s26+$0x4200] =	vst v1;
	v1 =	vld [tilespmem:s26+$0x4210]  }
0xa0: {  	v2 =	vld [tilespmem:s25+$0xFFFFFFD0];
	_ =	sdelay $0x4  }
0xa1: {  	v1 =	vadd.f32 v2, v1;
	_ =	sdelay $0x1  }
0xa2: {  	[tilespmem:s26+$0x4210] =	vst v1;
	v1 =	vld [tilespmem:s26+$0x4220]  }
0xa3: {  	v2 =	vld [tilespmem:s25+$0xFFFFFFE0];
	_ =	sdelay $0x4  }
0xa4: {  	v1 =	vadd.f32 v2, v1;
	_ =	sdelay $0x1  }
0xa5: {  	[tilespmem:s26+$0x4220] =	vst v1;
	v1 =	vld [tilespmem:s26+$0x4230]  }
0xa6: {  	v2 =	vld [tilespmem:s25+$0xFFFFFFF0];
	_ =	sdelay $0x4  }
0xa7: {  	v1 =	vadd.f32 v2, v1;
	_ =	sdelay $0x1  }
0xa8: {  	[tilespmem:s26+$0x4230] =	vst v1;
	v1 =	vld [tilespmem:s26+$0x4240]  }
0xa9: {  	v2 =	vld [tilespmem:s25+$0x0];
	_ =	sdelay $0x4  }
0xaa: {  	v1 =	vadd.f32 v2, v1;
	_ =	sdelay $0x1  }
0xab: {  	[tilespmem:s26+$0x4240] =	vst v1;
	v1 =	vld [tilespmem:s26+$0x4250]  }
0xac: {  	v2 =	vld [tilespmem:s25+$0x10];
	_ =	sdelay $0x4  }
0xad: {  	v1 =	vadd.f32 v2, v1;
	_ =	sdelay $0x1  }
0xae: {  	[tilespmem:s26+$0x4250] =	vst v1;
	v1 =	vld [tilespmem:s26+$0x4260]  }
0xaf: {  	v2 =	vld [tilespmem:s25+$0x20];
	_ =	sdelay $0x4  }
0xb0: {  	v1 =	vadd.f32 v2, v1  }
0xb1: {  	v2 =	vld [tilespmem:s26+$0x8600]  }
0xb2: {  	[tilespmem:s26+$0x4260] =	vst v1;
	v1 =	vld [tilespmem:s26+$0x4270]  }
0xb3: {  	v3 =	vld [tilespmem:s25+$0x30]  }
0xb4: {  	s24 =	sadd.s32 $0x1, s24  }
0xb5: {  	p1 =	sne.s32 s24, s21  }
.Ltmp7:
0xb6: {  	_ = 	snop;
	(pc) =	sbr.rel @p1 .LBB2_6-.Ltmp7, $4  }
.Ltmp8:
0xb7: {  	v2 =	vadd.f32 $1.000000000e+00, v2;
	(pc) =	sbr.rel @!p1 .LBB2_9-.Ltmp8, $4  }
0xb8: {  	v1 =	vadd.f32 v3, v1  }
0xb9: {  	[tilespmem:s26+$0x8600] =	vst v2  }
0xba: {  	[tilespmem:s26+$0x4270] =	vst v1  }
0xbb: {  	_ = 	snop  }
.LBB2_11:
0xbc: {  	_ =	sfence.sel $0x180000  }
0xbd: {  	[bflag:$0x0] =	sbarrier.arrive $0xFFFF  }
0xbe: {  	p0 =	sne.s32 s4, $0x0;
	_ =	strace $0x9000004A  }
0xbf: {  	s0 =	sadd.s32 @!p0 $0x100000, s0;
	[bflag:$0x2] =	sbarrier.arrive $0xFFFF  }
0xc0: {  	[sflag:s0] =	ssyncadd.tile.s32 @!p0 $0x1;
	_ =	shalt  }
.Lfunc_end2:
_tile_overlayer_lowered:
.L_overlay_start_2:
0xc1: {  	(tag) =	ssettag $0x2  }
0xc2: {  	s0 =	rddreg [dreg:$0x0];
	s2 =	stileid.u32  }
0xc3: {  	s1 =	rddreg [dreg:$0x1];
	p0 =	sne.s32 s2, $0x0  }
0xc4: {  	s3 =	rddreg [dreg:$0x2];
	[bflag:$0x3] =	sbarrier.arrive $0xFFFF;
	s2 =	simm.s32 @!p0 $0x1C02  }
0xc5: {  	[timem:s3], [sflag:s2] =	dma.local @!p0 [hbm:s0], s1  }
0xc6: {  	s0 =	simm.s32 @!p0 $0x2  }
0xc7: {  	_ =	swait.ge @!p0 [sflag:s0], s1  }
0xc8: {  	s1 =	ssub.s32 @!p0 $0x0, s1;
	[sflag:s0] =	ssyncset.done @!p0 $0x0  }
0xc9: {  	[sflag:s0] =	ssyncadd.s32 @!p0 s1  }
0xca: {  	[bflag:$0x3] =	sbarrier.arrive $0xFFFF  }
0xcb: {  	_ =	shalt  }

// kernel: kernel.14.cloned.1.call-start
scs
__scs_entry_jumppad:
0x0: {  	(pc) =	sbr.rel $0x88, $3  }
0x1: {  	(tag) =	ssettag $0x0;
	lr =	simm.s32 $0x1  }
0x2: {  	[smem:$0x3F91] =	sst lr;
	_ =	strace $0xD0000000  }
0x3: {  	_ = 	snop  }
0x4: {  	_ = 	snop  }
0x5: {  	_ = 	snop  }
0x6: {  	_ = 	snop  }
0x7: {  	_ = 	snop  }
__scs_overlays_trampoline_lowered:
0x8: {  	[smem:$0x3FA0] =	sst s0  }
0x9: {  	[smem:$0x3FA1] =	sst s1  }
0xa: {  	[smem:$0x3FA2] =	sst s2  }
0xb: {  	[smem:$0x3FA3] =	sst s3  }
0xc: {  	[smem:$0x3FA4] =	sst s4  }
0xd: {  	[smem:$0x3FA5] =	sst s5  }
0xe: {  	[smem:$0x3FA6] =	sst s6  }
0xf: {  	[smem:$0x3FA7] =	sst s7  }
0x10: {  	[smem:$0x3FA8] =	sst s8  }
0x11: {  	[smem:$0x3FA9] =	sst s9;
	s0 =	simm.s32 @!p0 $0x0  }
0x12: {  	s1 =	sld [smem:$0x3F8F];
	s0 =	simm.s32 @p0 $0x1  }
0x13: {  	[smem:$0x3FAA] =	sst s0;
	s0 =	simm.s32 @!p1 $0x0  }
0x14: {  	s2 =	sld [smem:$0x3F8E];
	s0 =	simm.s32 @p1 $0x1  }
0x15: {  	[smem:$0x3FAB] =	sst s0;
	s0 =	simm.s32 @!p2 $0x0  }
0x16: {  	s3 =	sld [smem:$0x3FDB];
	s0 =	simm.s32 @p2 $0x1  }
0x17: {  	s4 =	simm.s32 $0x1BF5;
	[smem:$0x3FAD] =	sst s0  }
0x18: {  	s0 =	sld [smem:$0x3F90];
	_ =	swait.ge [sflag:s4], $0x0  }
0x19: {  	s7 =	sld [smem:$0x3F91]  }
0x1a: {  	s8 =	sadd.s32 $0xFFFFE003, lr  }
0x1b: {  	s9 =	sadd.s32 $0xFFFFFEF7, lr;
	s5 =	simm.s32 $0xFFFFFFFF;
	p2 =	slt.u32 s8, $0xFFFFF086  }
0x1c: {  	p1 =	slt.u32 s9, $0xF7A;
	s5 =	simm.s32 @!p2 $0x0  }
0x1d: {  	s5 =	simm.s32 @p1 $0x1;
	p0 =	seq.s32 s7, s2  }
0x1e: {  	s7 =	smul.u32 @!p0 $0xF7A, s2;
	p2 =	seq.s32 @!p0 s5, $0x0  }
0x1f: {  	s9 =	smul.u32 $0xF7A, s1;
	s8 =	simm.s32 @!p0 $0x1BF5;
	p2 =	por !p2, p0  }
0x20: {  	[sflag:s8] =	ssyncset.s32 @!p0 $0xFFFFF086;
	s6 =	sadd.s32 @!p0 s3, s7;
	s7 =	simm.s32 @!p0 $0x108  }
0x21: {  	s3 =	sadd.s32 s3, s9;
	s6 =	sadd.s32 @!p0 $0x88, s6;
	s7 =	simm.s32 @p2 $0x1082  }
0x22: {  	[simem:s7], [sflag:s8] =	dma.local @!p0 [hbm:s6], $0xF7A  }
0x23: {  	s9 =	sor.u32 $0xD0000000, s2;
	s6 =	simm.s32 $0x108;
	_ =	swait.ge @!p0 [sflag:s8], $0x0  }
0x24: {  	s3 =	sadd.s32 $0x88, s3;
	s6 =	simm.s32 @!p1 $0x1082;
	[sflag:s4] =	ssyncset.s32 $0xFFFFF086  }
0x25: {  	[simem:s6], [sflag:s4] =	dma.local [hbm:s3], $0xF7A  }
0x26: {  	[smem:$0x3F91] =	sst s1;
	(tag) =	ssettag s2;
	_ =	strace s9  }
0x27: {  	s1 =	sld [smem:$0x3FA1]  }
0x28: {  	s2 =	sld [smem:$0x3FA2]  }
0x29: {  	s4 =	sld [smem:$0x3FA4]  }
0x2a: {  	p0 =	seq.s32 s5, $0x0;
	s5 =	sld [smem:$0x3FA5]  }
0x2b: {  	s6 =	sld [smem:$0x3FA6]  }
0x2c: {  	s7 =	sld [smem:$0x3FA7]  }
0x2d: {  	s3 =	simm.s32 $0x108;
	s8 =	sld [smem:$0x3FA8]  }
0x2e: {  	s3 =	simm.s32 @!p0 $0x1082;
	s9 =	sld [smem:$0x3FA9]  }
0x2f: {  	lr =	sadd.s32 s0, s3;
	s0 =	sld [smem:$0x3FA0]  }
0x30: {  	s3 =	sld [smem:$0x3FA3]  }
0x31: {  	[smem:$0x3FAC] =	sst s10  }
0x32: {  	s10 =	sld [smem:$0x3FAA];
	_ =	sdelay $0x3  }
0x33: {  	p0 =	seq.s32 s10, $0x1;
	s10 =	sld [smem:$0x3FAC];
	_ =	sdelay $0x3  }
0x34: {  	[smem:$0x3FAC] =	sst s10  }
0x35: {  	s10 =	sld [smem:$0x3FAB];
	_ =	sdelay $0x3  }
0x36: {  	p1 =	seq.s32 s10, $0x1;
	s10 =	sld [smem:$0x3FAC];
	_ =	sdelay $0x3  }
0x37: {  	[smem:$0x3FAC] =	sst s10  }
0x38: {  	s10 =	sld [smem:$0x3FAD]  }
0x39: {  	_ = 	snop;
	(pc) =	sbr.ind lr, $3  }
0x3a: {  	_ = 	snop  }
0x3b: {  	_ = 	snop  }
0x3c: {  	p2 =	seq.s32 s10, $0x1;
	s10 =	sld [smem:$0x3FAC]  }
0x3d: {  	_ =	shalt  }
0x3e: {  	_ =	shalt  }
0x3f: {  	_ =	shalt  }
0x40: {  	_ =	shalt  }
0x41: {  	_ =	shalt  }
0x42: {  	_ =	shalt  }
0x43: {  	_ =	shalt  }
0x44: {  	_ =	shalt  }
0x45: {  	_ =	shalt  }
0x46: {  	_ =	shalt  }
0x47: {  	_ =	shalt  }
0x48: {  	_ =	shalt  }
0x49: {  	_ =	shalt  }
0x4a: {  	_ =	shalt  }
0x4b: {  	_ =	shalt  }
0x4c: {  	_ =	shalt  }
0x4d: {  	_ =	shalt  }
0x4e: {  	_ =	shalt  }
0x4f: {  	_ =	shalt  }
0x50: {  	_ =	shalt  }
0x51: {  	_ =	shalt  }
0x52: {  	_ =	shalt  }
0x53: {  	_ =	shalt  }
0x54: {  	_ =	shalt  }
0x55: {  	_ =	shalt  }
0x56: {  	_ =	shalt  }
0x57: {  	_ =	shalt  }
0x58: {  	_ =	shalt  }
0x59: {  	_ =	shalt  }
0x5a: {  	_ =	shalt  }
0x5b: {  	_ =	shalt  }
0x5c: {  	_ =	shalt  }
0x5d: {  	_ =	shalt  }
0x5e: {  	_ =	shalt  }
0x5f: {  	_ =	shalt  }
0x60: {  	_ =	shalt  }
0x61: {  	_ =	shalt  }
0x62: {  	_ =	shalt  }
0x63: {  	_ =	shalt  }
0x64: {  	_ =	shalt  }
0x65: {  	_ =	shalt  }
0x66: {  	_ =	shalt  }
0x67: {  	_ =	shalt  }
0x68: {  	_ =	shalt  }
0x69: {  	_ =	shalt  }
0x6a: {  	_ =	shalt  }
0x6b: {  	_ =	shalt  }
0x6c: {  	_ =	shalt  }
0x6d: {  	_ =	shalt  }
0x6e: {  	_ =	shalt  }
0x6f: {  	_ =	shalt  }
0x70: {  	_ =	shalt  }
0x71: {  	_ =	shalt  }
0x72: {  	_ =	shalt  }
0x73: {  	_ =	shalt  }
0x74: {  	_ =	shalt  }
0x75: {  	_ =	shalt  }
0x76: {  	_ =	shalt  }
0x77: {  	_ =	shalt  }
0x78: {  	_ =	shalt  }
0x79: {  	_ =	shalt  }
0x7a: {  	_ =	shalt  }
0x7b: {  	_ =	shalt  }
0x7c: {  	_ =	shalt  }
0x7d: {  	_ =	shalt  }
0x7e: {  	_ =	shalt  }
0x7f: {  	_ =	shalt  }
0x80: {  	_ =	shalt  }
0x81: {  	_ =	shalt  }
0x82: {  	_ =	shalt  }
0x83: {  	_ =	shalt  }
0x84: {  	_ =	shalt  }
0x85: {  	_ =	shalt  }
0x86: {  	_ =	shalt  }
0x87: {  	_ =	shalt  }
.Lfunc_end0:
.L_simem_size_0:
called_computation.2_lowered:
.L_overlay_start_0:
0x88: {  	s2 =	sld [smem:$0x3FD9]  }
0x89: {  	s3 =	sld [smem:$0x3FFE];
	_ =	sdelay $0x1  }
0x8a: {  	s1 =	srdreg.scid  }
0x8b: {  	s0 =	sand.u32 $0x1, s1  }
0x8c: {  	s17 =	sshll.u32 s0, $0xA;
	s2 =	sadd.s32 s3, s2  }
0x8d: {  	s2 =	sadd.s32 s2, s17  }
0x8e: {  	[smem:$0x3FB8] =	sst s2  }
0x8f: {  	_ = 	snop  }
0x90: {  	s2 =	sld [smem:$0x3FD0];
	(tm) =	ssettm $0x1  }
0x91: {  	s18 =	sld [smem:$0x3FFB];
	_ =	sdelay $0x3  }
0x92: {  	_ =	strace s18  }
0x93: {  	s3 =	sld [smem:$0x3FFC];
	_ =	sdelay $0x3  }
0x94: {  	_ =	strace s3  }
0x95: {  	s3 =	sld [smem:$0x3FFD];
	_ =	sdelay $0x3  }
0x96: {  	_ =	strace s3  }
0x97: {  	_ =	strace $0x8FFFFFFF  }
0x98: {  	s19 =	sld [smem:$0x3FDB];
	_ =	sdelay $0x1  }
0x99: {  	s4 =	simm.s32 $_scs_section_size  }
0x9a: {  	s5 =	simm.s32 $_size__tile_overlayer_lowered;
	s6 =	simm.s32 $_tile_overlayer_lowered  }
0x9b: {  	s22 =	simm.s32 $0x1BFF;
	s21 =	sshll.u32 s6, $0x1;
	s3 =	sadd.s32 s4, s19  }
0x9c: {  	s7 =	simm.s32 $0x0;
	s20 =	sshll.u32 s5, $0x1;
	s5 =	sadd.s32 s21, s3  }
0x9d: {  	[timem:s7], [sflag:s22] =	dma.local [hbm:s5], s20  }
0x9e: {  	_ =	swait.ge [sflag:s22], s20  }
0x9f: {  	s4 =	ssub.s32 $0x0, s20;
	[sflag:s22] =	ssyncset.done $0x0  }
0xa0: {  	[sflag:s22] =	ssyncadd.s32 s4;
	_ =	sdelay $0x1  }
0xa1: {  	s23 =	simm.s32 $0x1B8B  }
0xa2: {  	_ =	swait.ge [sflag:s23], $0x1  }
0xa3: {  	[sflag:s23] =	ssyncset.done $0x0  }
0xa4: {  	s25 =	simm.s32 $0x1B8E;
	s24 =	sld [smem:$0x3FFE];
	[sflag:s23] =	ssyncadd.s32 $0xFFFFFFFF  }
0xa5: {  	s26 =	simm.s32 $execute0_lowered;
	[smem:$0x3FD2] =	sst s25  }
0xa6: {  	s5 =	sshll.u32 s26, $0x1;
	_ =	strace $0x8000004C;
	[dreg:$0x1] =	wrdreg $0xFFFFFFFF  }
0xa7: {  	s28 =	simm.s32 $_size_execute0_lowered;
	s3 =	sadd.s32 s3, s5;
	[dreg:$0x0] =	wrdreg $0x0  }
0xa8: {  	s5 =	sshll.u32 s28, $0x1;
	[dreg:$0x2] =	wrdreg s3  }
0xa9: {  	[dreg:$0x3] =	wrdreg s5  }
0xaa: {  	[dreg:$0x4] =	wrdreg $0xC0  }
0xab: {  	_ =	task [dreg:s7], $0x5FFFF  }
0xac: {  	[dreg:$0x1] =	wrdreg $0xFFFFFFFF  }
0xad: {  	[dreg:$0x0] =	wrdreg $0x60  }
0xae: {  	[dreg:$0x2] =	wrdreg s24  }
0xaf: {  	[dreg:$0x3] =	wrdreg s2  }
0xb0: {  	[dreg:$0x4] =	wrdreg $0x9  }
0xb1: {  	_ =	task.clear_ibuf [dreg:s7], $0x5FFFF;
	_ =	strace $0x9000004C  }
0xb2: {  	s29 =	simm.s32 $0x9;
	_ =	strace $0x8000004E  }
0xb3: {  	_ =	swait.ge [sflag:s29], $0x1  }
0xb4: {  	[sflag:s29] =	ssyncadd.s32 $0xFFFFFFFF  }
0xb5: {  	_ =	strace $0x9000004E  }
0xb6: {  	_ =	sfence  }
0xb7: {  	s30 =	sld [smem:$0x0];
	_ =	sdelay $0x2  }
0xb8: {  	s31 =	sshll.u32 s1, $0xD;
	s1 =	sshrl.u32 s1, $0x2  }
0xb9: {  	s3 =	sand.u32 $0x4000, s31;
	s1 =	sadd.s32 s1, s30  }
0xba: {  	s0 =	sor.u32 s3, s0;
	s1 =	sshll.u32 s1, $0x11  }
0xbb: {  	s0 =	sor.u32 s1, s0  }
0xbc: {  	s0 =	sadd.s32 $0x8F2B, s0  }
0xbd: {  	[sflag:s0] =	ssyncadd.remote.s32 $0x1  }
0xbe: {  	_ =	sfence.sel $0xFFFF  }
0xbf: {  	[dreg:$0x0] =	wrdreg $0xFFFFFFFF;
	(pc) =	sbr.abs _section_cstart, $3  }
0xc0: {  	[dreg:$0x1] =	wrdreg $0xFFFFFFFF  }
0xc1: {  	_ =	task.clear_ibuf [dreg:s7], $0x2FFFF;
	_ =	strace $0x9FFFFFFF  }
0xc2: {  	(tm) =	ssettm $0x7FFFFFFF  }
0xc3: {  	_ =	shalt  }
tec
execute0_lowered:
.L_overlay_start_1:
0x0: {  	(tag) =	ssettag $0x1  }
0x1: {  	s8 =	rddreg [dreg:$0x0]  }
0x2: {  	s9 =	rddreg [dreg:$0x1]  }
0x3: {  	s0 =	rddreg [dreg:$0x2]  }
0x4: {  	s2 =	simm.s32 $0x0;
	s4 =	srdreg.scid;
	s1 =	stileid.u32  }
0x5: {  	s14 =	simm.s32 $0x80;
	s15 =	simm.s32 $0x100;
	s16 =	simm.s32 $0x200  }
0x6: {  	s17 =	simm.s32 $0x4200;
	s18 =	simm.s32 $0x8600;
	s19 =	simm.s32 $0x0  }
0x7: {  	[smem:$0x7FF] =	sst s2;
	s3 =	sadd.s32 $0x4E00, s8;
	s6 =	sand.u32 $0x1, s4  }
0x8: {  	s5 =	sshll.u32 s1, $0x1;
	s4 =	sadd.s32 $0x93200, s8;
	s7 =	sadd.s32 $0x97600, s8  }
.Ltmp0:
0x9: {  	s5 =	sor.u32 s6, s5;
	s10 =	ssub.s32 $0x2, s6;
	(pc) =	sbr.rel .LBB2_1-.Ltmp0, $4  }
0xa: {  	_ =	strace $0x8000004D;
	s11 =	sshll.u32 s5, $0xB;
	s12 =	sshrl.u32 s10, $0x1  }
0xb: {  	s6 =	sadd.s32 $0x95400, s8;
	s13 =	sadd.s32 s11, s8;
	s12 =	ssub.s32 s10, s12  }
0xc: {  	s8 =	sshll.u32 s5, $0x7;
	s9 =	sadd.s32 s9, s11;
	s10 =	sadd.s32 $0x24200, s13  }
0xd: {  	v0 =	vimm.f32 $0.0e+00;
	s11 =	smax.u32 s12, $0x1;
	s12 =	simm.s32 $0x2;
	s13 =	simm.s32 $0x1  }
.LBB2_7:
0xe: {  	[hbm4b:s9+s2] =	stream.linear.scatter [tilespmem:s17], [sflag:$0x2], $0x4000, $0x38;
	[tilespmem:$0xCA00] =	vst v63  }
0xf: {  	s19 =	sadd.s32 $0x1, s19;
	_ =	swait.ge [sflag:s12], $0x4000  }
0x10: {  	p0 =	sne.s32 s19, s11;
	[sflag:s12] =	ssyncset.done $0x0  }
.Ltmp1:
0x11: {  	[sflag:s12] =	ssyncadd.s32 $0xFFFFC000;
	(pc) =	sbr.rel @!p0 .LBB2_8-.Ltmp1, $4  }
0x12: {  	[hbm4b:s10+s2] =	stream.linear.scatter [tilespmem:s18], [sflag:$0x2], $0x4000, $0x38;
	[tilespmem:$0xCA00] =	vst v63  }
0x13: {  	_ =	swait.ge [sflag:s12], $0x4000  }
0x14: {  	[sflag:s12] =	ssyncset.done $0x0  }
0x15: {  	[sflag:s12] =	ssyncadd.s32 $0xFFFFC000  }
.LBB2_1:
0x16: {  	[tilespmem:s2], [sflag:$0x2] =	stream.linear.gather [hbm4b:s7+s2], $0x80, $0x38;
	[tilespmem:$0xCA00] =	vst v63  }
0x17: {  	_ =	swait.ge [sflag:s12], $0x80  }
0x18: {  	[sflag:s12] =	ssyncset.done $0x0  }
0x19: {  	[sflag:s12] =	ssyncadd.s32 $0xFFFFFF80  }
0x1a: {  	s20 =	simm.s32 $0x0;
	s21 =	simm.s32 $0x200;
	v1 =	vld [tilespmem:s5+$0x0]  }
.LBB2_2:
0x1b: {  	p0 =	seq.s32 s21, $0x10000;
	[tilespmem:s20+$0x8600] =	vst v0  }
0x1c: {  	[tilespmem:s20+$0x4200] =	vst v0  }
0x1d: {  	[tilespmem:s20+$0x4210] =	vst v0  }
0x1e: {  	[tilespmem:s20+$0x4220] =	vst v0  }
.Ltmp2:
0x1f: {  	[tilespmem:s20+$0x4230] =	vst v0;
	(pc) =	sbr.rel @!p0 .LBB2_2-.Ltmp2, $4  }
0x20: {  	[tilespmem:s20+$0x4240] =	vst v0  }
0x21: {  	[tilespmem:s20+$0x4250] =	vst v0  }
0x22: {  	[tilespmem:s20+$0x4260] =	vst v0  }
0x23: {  	[tilespmem:s20+$0x4270] =	vst v0;
	s20 =	sshra.s32 s21, $0x2;
	s21 =	sadd.s32 $0x200, s21  }
0x24: {  	(v2sf) =	vpush v1, $0x0;
	_ =	sdelay $0x6  }
0x25: {  	(v2sf) =	vpush v1, $0x1;
	_ =	sdelay $0x3  }
0x26: {  	[tilespmem:s20+$0x8600] =	vst v0  }
0x27: {  	[tilespmem:s20+$0x4200] =	vst v0  }
0x28: {  	[tilespmem:s20+$0x4210] =	vst v0  }
0x29: {  	[tilespmem:s20+$0x4220] =	vst v0  }
0x2a: {  	[tilespmem:s20+$0x4230] =	vst v0;
	s26 =	spop (v2sf)  }
0x2b: {  	[tilespmem:s20+$0x4240] =	vst v0;
	s21 =	sand.u32 $0x7, s26  }
0x2c: {  	[tilespmem:s20+$0x4250] =	vst v0;
	s22 =	sshra.s32 s26, $0x1F;
	p0 =	slt.s32 s26, $0x1;
	p1 =	sne.s32 s21, $0x0  }
0x2d: {  	[tilespmem:s20+$0x4260] =	vst v0;
	s28 =	sshrl.u32 s22, $0x1D;
	p0 =	por !p0, !p1  }
0x2e: {  	[tilespmem:s20+$0x4270] =	vst v0;
	s21 =	simm.s32 $0x1;
	s20 =	sadd.s32 s28, s26;
	p0 =	por !p0, !p0  }
0x2f: {  	s20 =	sshrl.u32 s20, $0x3;
	s21 =	simm.s32 @!p0 $0x0  }
0x30: {  	s20 =	ssub.s32 s20, s21  }
0x31: {  	s29 =	spop (v2sf);
	s20 =	sshll.u32 s20, $0x3  }
0x32: {  	s21 =	ssub.s32 s29, s20  }
0x33: {  	s21 =	sadd.s32 $0x7F, s21  }
0x34: {  	s30 =	sand.u32 $0x7F, s21  }
0x35: {  	s23 =	sshra.s32 s21, $0x1F;
	p5 =	slt.s32 s21, $0x1;
	p6 =	sne.s32 s30, $0x0  }
0x36: {  	s31 =	sshrl.u32 s23, $0x19;
	p0 =	por !p5, !p6  }
0x37: {  	s22 =	simm.s32 $0x1;
	s21 =	sadd.s32 s31, s21;
	p0 =	por !p0, !p0  }
0x38: {  	s21 =	sshra.s32 s21, $0x7;
	s22 =	simm.s32 @!p0 $0x0  }
0x39: {  	s21 =	ssub.s32 s21, s22  }
0x3a: {  	p0 =	sgt.s32 s21, $0x0  }
.Ltmp3:
0x3b: {  	_ = 	snop;
	(pc) =	sbr.rel @!p0 .LBB2_7-.Ltmp3, $2  }
0x3c: {  	_ =	sdelay $0x2  }
0x3d: {  	s23 =	simm.s32 $0x0;
	s22 =	simm.s32 $0x0  }
.LBB2_4:
0x3e: {  	s24 =	sshll.u32 s23, $0x7  }
0x3f: {  	s24 =	sadd.s32 s20, s24  }
0x40: {  	s24 =	sshrl.u32 s24, $0x3  }
0x41: {  	s25 =	sadd.s32 s4, s24  }
0x42: {  	[tilespmem:s14], [sflag:$0x2] =	stream.linear.gather [hbm4b:s25+s22], $0x80, $0x38;
	[tilespmem:$0xCA00] =	vst v63  }
0x43: {  	_ =	swait.ge [sflag:s12], $0x80  }
0x44: {  	[sflag:s12] =	ssyncset.done $0x0  }
0x45: {  	s24 =	sadd.s32 s6, s24;
	[sflag:s12] =	ssyncadd.s32 $0xFFFFFF80  }
0x46: {  	[tilespmem:s15], [sflag:$0x2] =	stream.linear.gather [hbm4b:s24+s22], $0x80, $0x38;
	[tilespmem:$0xCA00] =	vst v63  }
0x47: {  	_ =	swait.ge [sflag:s12], $0x80  }
0x48: {  	[sflag:s12] =	ssyncset.done $0x0  }
0x49: {  	[sflag:s12] =	ssyncadd.s32 $0xFFFFFF80  }
0x4a: {  	[tilespmem:s16], [sflag:$0x1] =	stream.indirect.gather [hbm4b:s3+s14], $0x80, s14, s14, $0xb8;
	[tilespmem:$0xCA00] =	vst v63  }
0x4b: {  	_ =	swait.ge [sflag:s13], $0x4000  }
0x4c: {  	[sflag:s13] =	ssyncset.done $0x0  }
0x4d: {  	s29 =	simm.s32 $0x0;
	[sflag:s13] =	ssyncadd.s32 $0xFFFFC000  }
0x4e: {  	v1 =	vld [tilespmem:s29+$0x100];
	_ =	sdelay $0x4  }
0x4f: {  	(v2sf) =	vpush v1, $0x0;
	_ =	sdelay $0xe  }
0x50: {  	s30 =	spop (v2sf)  }
0x51: {  	s31 =	ssub.s32 s30, s8  }
0x52: {  	s24 =	simm.s32 $0x240;
	s25 =	smin.u32 s31, $0x80  }
0x53: {  	v1 =	vld [tilespmem:s24+$0xFFFFFFC0];
	s26 =	sshll.u32 s25, $0x7  }
0x54: {  	v2 =	vld [tilespmem:s26+$0x4200];
	_ =	sdelay $0x4  }
0x55: {  	v1 =	vadd.f32 v1, v2;
	_ =	sdelay $0x1  }
0x56: {  	[tilespmem:s26+$0x4200] =	vst v1;
	v1 =	vld [tilespmem:s26+$0x4210]  }
0x57: {  	v2 =	vld [tilespmem:s24+$0xFFFFFFD0];
	_ =	sdelay $0x4  }
0x58: {  	v1 =	vadd.f32 v2, v1;
	_ =	sdelay $0x1  }
0x59: {  	[tilespmem:s26+$0x4210] =	vst v1;
	v1 =	vld [tilespmem:s26+$0x4220]  }
0x5a: {  	v2 =	vld [tilespmem:s24+$0xFFFFFFE0];
	_ =	sdelay $0x4  }
0x5b: {  	v1 =	vadd.f32 v2, v1;
	_ =	sdelay $0x1  }
0x5c: {  	[tilespmem:s26+$0x4220] =	vst v1;
	v1 =	vld [tilespmem:s26+$0x4230]  }
0x5d: {  	v2 =	vld [tilespmem:s24+$0xFFFFFFF0];
	_ =	sdelay $0x4  }
0x5e: {  	v1 =	vadd.f32 v2, v1;
	_ =	sdelay $0x1  }
0x5f: {  	[tilespmem:s26+$0x4230] =	vst v1;
	v1 =	vld [tilespmem:s26+$0x4240]  }
0x60: {  	v2 =	vld [tilespmem:s24+$0x0];
	_ =	sdelay $0x4  }
0x61: {  	v1 =	vadd.f32 v2, v1;
	_ =	sdelay $0x1  }
0x62: {  	[tilespmem:s26+$0x4240] =	vst v1;
	v1 =	vld [tilespmem:s26+$0x4250]  }
0x63: {  	v2 =	vld [tilespmem:s24+$0x10];
	_ =	sdelay $0x4  }
0x64: {  	v1 =	vadd.f32 v2, v1;
	_ =	sdelay $0x1  }
0x65: {  	[tilespmem:s26+$0x4250] =	vst v1;
	v1 =	vld [tilespmem:s26+$0x4260]  }
0x66: {  	v2 =	vld [tilespmem:s24+$0x20];
	_ =	sdelay $0x4  }
0x67: {  	v1 =	vadd.f32 v2, v1  }
0x68: {  	v2 =	vld [tilespmem:s26+$0x8600]  }
0x69: {  	[tilespmem:s26+$0x4260] =	vst v1;
	v1 =	vld [tilespmem:s26+$0x4270]  }
0x6a: {  	v3 =	vld [tilespmem:s24+$0x30];
	_ =	sdelay $0x3  }
0x6b: {  	v2 =	vadd.f32 $1.000000000e+00, v2  }
0x6c: {  	v1 =	vadd.f32 v3, v1  }
0x6d: {  	[tilespmem:s26+$0x8600] =	vst v2  }
0x6e: {  	s28 =	simm.s32 $0x1;
	s25 =	simm.s32 $0x8;
	[tilespmem:s26+$0x4270] =	vst v1  }
.LBB2_5:
0x6f: {  	p0 =	sne.s32 s25, $0x1FC;
	v1 =	vld [tilespmem:s28+$0x100];
	_ =	sdelay $0x4  }
0x70: {  	(v2sf) =	vpush v1, $0x0;
	_ =	sdelay $0xe  }
0x71: {  	s26 =	spop (v2sf)  }
0x72: {  	s26 =	ssub.s32 s26, s8  }
0x73: {  	s24 =	sadd.s32 $0x80, s24;
	s26 =	smin.u32 s26, $0x80  }
0x74: {  	s26 =	sshll.u32 s26, $0x7;
	v1 =	vld [tilespmem:s24+$0xFFFFFFC0]  }
0x75: {  	v2 =	vld [tilespmem:s26+$0x4200]  }
0x76: {  	v3 =	vld [tilespmem:s26+$0x8600];
	_ =	sdelay $0x3  }
0x77: {  	v1 =	vadd.f32 v1, v2  }
0x78: {  	v2 =	vadd.f32 $1.000000000e+00, v3  }
0x79: {  	[tilespmem:s26+$0x4200] =	vst v1;
	v1 =	vld [tilespmem:s26+$0x4210]  }
0x7a: {  	v3 =	vld [tilespmem:s24+$0xFFFFFFD0];
	_ =	sdelay $0x4  }
0x7b: {  	v1 =	vadd.f32 v3, v1;
	_ =	sdelay $0x1  }
0x7c: {  	[tilespmem:s26+$0x4210] =	vst v1;
	v1 =	vld [tilespmem:s26+$0x4220]  }
0x7d: {  	v3 =	vld [tilespmem:s24+$0xFFFFFFE0];
	_ =	sdelay $0x4  }
0x7e: {  	v1 =	vadd.f32 v3, v1;
	_ =	sdelay $0x1  }
0x7f: {  	[tilespmem:s26+$0x4220] =	vst v1;
	v1 =	vld [tilespmem:s26+$0x4230]  }
0x80: {  	v3 =	vld [tilespmem:s24+$0xFFFFFFF0];
	_ =	sdelay $0x4  }
0x81: {  	v1 =	vadd.f32 v3, v1;
	_ =	sdelay $0x1  }
0x82: {  	[tilespmem:s26+$0x4230] =	vst v1;
	v1 =	vld [tilespmem:s26+$0x4240]  }
0x83: {  	v3 =	vld [tilespmem:s24+$0x0];
	_ =	sdelay $0x4  }
0x84: {  	v1 =	vadd.f32 v3, v1;
	_ =	sdelay $0x1  }
0x85: {  	[tilespmem:s26+$0x4240] =	vst v1;
	v1 =	vld [tilespmem:s26+$0x4250]  }
0x86: {  	v3 =	vld [tilespmem:s24+$0x10];
	_ =	sdelay $0x4  }
0x87: {  	v1 =	vadd.f32 v3, v1;
	_ =	sdelay $0x1  }
0x88: {  	[tilespmem:s26+$0x4250] =	vst v1;
	v1 =	vld [tilespmem:s26+$0x4260]  }
0x89: {  	v3 =	vld [tilespmem:s24+$0x20];
	_ =	sdelay $0x4  }
0x8a: {  	v1 =	vadd.f32 v3, v1;
	_ =	sdelay $0x1  }
0x8b: {  	[tilespmem:s26+$0x4260] =	vst v1;
	v1 =	vld [tilespmem:s26+$0x4270]  }
0x8c: {  	v3 =	vld [tilespmem:s24+$0x30];
	[tilespmem:s26+$0x8600] =	vst v2;
	_ =	sdelay $0x2  }
.Ltmp4:
0x8d: {  	(pc) =	sbr.rel @p0 .LBB2_5-.Ltmp4, $3  }
0x8e: {  	_ = 	snop  }
0x8f: {  	v1 =	vadd.f32 v3, v1;
	_ =	sdelay $0x1  }
0x90: {  	s28 =	sshra.s32 s25, $0x2;
	s25 =	sadd.s32 $0x4, s25;
	[tilespmem:s26+$0x4270] =	vst v1  }
0x91: {  	v1 =	vld [tilespmem:s28+$0x100];
	_ =	sdelay $0x4  }
0x92: {  	(v2sf) =	vpush v1, $0x0;
	_ =	sdelay $0xe  }
0x93: {  	s25 =	spop (v2sf)  }
0x94: {  	s25 =	ssub.s32 s25, s8  }
0x95: {  	s24 =	sadd.s32 $0x80, s24;
	s25 =	smin.u32 s25, $0x80  }
0x96: {  	v1 =	vld [tilespmem:s24+$0xFFFFFFC0];
	s25 =	sshll.u32 s25, $0x7  }
0x97: {  	v2 =	vld [tilespmem:s25+$0x4200];
	_ =	sdelay $0x4  }
0x98: {  	v1 =	vadd.f32 v1, v2;
	_ =	sdelay $0x1  }
0x99: {  	[tilespmem:s25+$0x4200] =	vst v1;
	v1 =	vld [tilespmem:s25+$0x4210]  }
0x9a: {  	v2 =	vld [tilespmem:s24+$0xFFFFFFD0];
	_ =	sdelay $0x4  }
0x9b: {  	v1 =	vadd.f32 v2, v1;
	_ =	sdelay $0x1  }
0x9c: {  	[tilespmem:s25+$0x4210] =	vst v1;
	v1 =	vld [tilespmem:s25+$0x4220]  }
0x9d: {  	v2 =	vld [tilespmem:s24+$0xFFFFFFE0];
	_ =	sdelay $0x4  }
0x9e: {  	v1 =	vadd.f32 v2, v1;
	_ =	sdelay $0x1  }
0x9f: {  	[tilespmem:s25+$0x4220] =	vst v1;
	v1 =	vld [tilespmem:s25+$0x4230]  }
0xa0: {  	v2 =	vld [tilespmem:s24+$0xFFFFFFF0];
	_ =	sdelay $0x4  }
0xa1: {  	v1 =	vadd.f32 v2, v1;
	_ =	sdelay $0x1  }
0xa2: {  	[tilespmem:s25+$0x4230] =	vst v1;
	v1 =	vld [tilespmem:s25+$0x4240]  }
0xa3: {  	v2 =	vld [tilespmem:s24+$0x0];
	_ =	sdelay $0x4  }
0xa4: {  	v1 =	vadd.f32 v2, v1;
	_ =	sdelay $0x1  }
0xa5: {  	[tilespmem:s25+$0x4240] =	vst v1;
	v1 =	vld [tilespmem:s25+$0x4250]  }
0xa6: {  	v2 =	vld [tilespmem:s24+$0x10];
	_ =	sdelay $0x4  }
0xa7: {  	v1 =	vadd.f32 v2, v1;
	_ =	sdelay $0x1  }
0xa8: {  	[tilespmem:s25+$0x4250] =	vst v1;
	v1 =	vld [tilespmem:s25+$0x4260]  }
0xa9: {  	v2 =	vld [tilespmem:s24+$0x20];
	_ =	sdelay $0x4  }
0xaa: {  	v1 =	vadd.f32 v2, v1  }
0xab: {  	v2 =	vld [tilespmem:s25+$0x8600]  }
0xac: {  	[tilespmem:s25+$0x4260] =	vst v1;
	v1 =	vld [tilespmem:s25+$0x4270]  }
0xad: {  	v3 =	vld [tilespmem:s24+$0x30]  }
0xae: {  	s23 =	sadd.s32 $0x1, s23  }
0xaf: {  	p0 =	sne.s32 s23, s21  }
.Ltmp5:
0xb0: {  	_ = 	snop;
	(pc) =	sbr.rel @p0 .LBB2_4-.Ltmp5, $4  }
.Ltmp6:
0xb1: {  	v2 =	vadd.f32 $1.000000000e+00, v2;
	(pc) =	sbr.rel @!p0 .LBB2_7-.Ltmp6, $4  }
0xb2: {  	v1 =	vadd.f32 v3, v1  }
0xb3: {  	[tilespmem:s25+$0x8600] =	vst v2  }
0xb4: {  	[tilespmem:s25+$0x4270] =	vst v1  }
0xb5: {  	_ = 	snop  }
.LBB2_8:
0xb6: {  	_ =	sfence.sel $0x180000  }
0xb7: {  	[bflag:$0x0] =	sbarrier.arrive $0xFFFF  }
0xb8: {  	p0 =	sne.s32 s1, $0x0;
	_ =	strace $0x9000004D  }
0xb9: {  	s0 =	sadd.s32 @!p0 $0x100000, s0;
	[bflag:$0x2] =	sbarrier.arrive $0xFFFF  }
0xba: {  	[sflag:s0] =	ssyncadd.tile.s32 @!p0 $0x1;
	_ =	shalt  }
.Lfunc_end2:
_tile_overlayer_lowered:
.L_overlay_start_2:
0xbb: {  	(tag) =	ssettag $0x2  }
0xbc: {  	s0 =	rddreg [dreg:$0x0];
	s2 =	stileid.u32  }
0xbd: {  	s1 =	rddreg [dreg:$0x1];
	p0 =	sne.s32 s2, $0x0  }
0xbe: {  	s3 =	rddreg [dreg:$0x2];
	[bflag:$0x3] =	sbarrier.arrive $0xFFFF;
	s2 =	simm.s32 @!p0 $0x1C02  }
0xbf: {  	[timem:s3], [sflag:s2] =	dma.local @!p0 [hbm:s0], s1  }
0xc0: {  	s0 =	simm.s32 @!p0 $0x2  }
0xc1: {  	_ =	swait.ge @!p0 [sflag:s0], s1  }
0xc2: {  	s1 =	ssub.s32 @!p0 $0x0, s1;
	[sflag:s0] =	ssyncset.done @!p0 $0x0  }
0xc3: {  	[sflag:s0] =	ssyncadd.s32 @!p0 s1  }
0xc4: {  	[bflag:$0x3] =	sbarrier.arrive $0xFFFF  }
0xc5: {  	_ =	shalt  }

// kernel: kernel.8.cloned.1.call-start
scs
__scs_entry_jumppad:
0x0: {  	(pc) =	sbr.rel $0x88, $3  }
0x1: {  	(tag) =	ssettag $0x0;
	lr =	simm.s32 $0x1  }
0x2: {  	[smem:$0x3F91] =	sst lr;
	_ =	strace $0xD0000000  }
0x3: {  	_ = 	snop  }
0x4: {  	_ = 	snop  }
0x5: {  	_ = 	snop  }
0x6: {  	_ = 	snop  }
0x7: {  	_ = 	snop  }
__scs_overlays_trampoline_lowered:
0x8: {  	[smem:$0x3FA0] =	sst s0  }
0x9: {  	[smem:$0x3FA1] =	sst s1  }
0xa: {  	[smem:$0x3FA2] =	sst s2  }
0xb: {  	[smem:$0x3FA3] =	sst s3  }
0xc: {  	[smem:$0x3FA4] =	sst s4  }
0xd: {  	[smem:$0x3FA5] =	sst s5  }
0xe: {  	[smem:$0x3FA6] =	sst s6  }
0xf: {  	[smem:$0x3FA7] =	sst s7  }
0x10: {  	[smem:$0x3FA8] =	sst s8  }
0x11: {  	[smem:$0x3FA9] =	sst s9;
	s0 =	simm.s32 @!p0 $0x0  }
0x12: {  	s1 =	sld [smem:$0x3F8F];
	s0 =	simm.s32 @p0 $0x1  }
0x13: {  	[smem:$0x3FAA] =	sst s0;
	s0 =	simm.s32 @!p1 $0x0  }
0x14: {  	s2 =	sld [smem:$0x3F8E];
	s0 =	simm.s32 @p1 $0x1  }
0x15: {  	[smem:$0x3FAB] =	sst s0;
	s0 =	simm.s32 @!p2 $0x0  }
0x16: {  	s3 =	sld [smem:$0x3FDB];
	s0 =	simm.s32 @p2 $0x1  }
0x17: {  	s4 =	simm.s32 $0x1BF5;
	[smem:$0x3FAD] =	sst s0  }
0x18: {  	s0 =	sld [smem:$0x3F90];
	_ =	swait.ge [sflag:s4], $0x0  }
0x19: {  	s7 =	sld [smem:$0x3F91]  }
0x1a: {  	s8 =	sadd.s32 $0xFFFFE003, lr  }
0x1b: {  	s9 =	sadd.s32 $0xFFFFFEF7, lr;
	s5 =	simm.s32 $0xFFFFFFFF;
	p2 =	slt.u32 s8, $0xFFFFF086  }
0x1c: {  	p1 =	slt.u32 s9, $0xF7A;
	s5 =	simm.s32 @!p2 $0x0  }
0x1d: {  	s5 =	simm.s32 @p1 $0x1;
	p0 =	seq.s32 s7, s2  }
0x1e: {  	s7 =	smul.u32 @!p0 $0xF7A, s2;
	p2 =	seq.s32 @!p0 s5, $0x0  }
0x1f: {  	s9 =	smul.u32 $0xF7A, s1;
	s8 =	simm.s32 @!p0 $0x1BF5;
	p2 =	por !p2, p0  }
0x20: {  	[sflag:s8] =	ssyncset.s32 @!p0 $0xFFFFF086;
	s6 =	sadd.s32 @!p0 s3, s7;
	s7 =	simm.s32 @!p0 $0x108  }
0x21: {  	s3 =	sadd.s32 s3, s9;
	s6 =	sadd.s32 @!p0 $0x88, s6;
	s7 =	simm.s32 @p2 $0x1082  }
0x22: {  	[simem:s7], [sflag:s8] =	dma.local @!p0 [hbm:s6], $0xF7A  }
0x23: {  	s9 =	sor.u32 $0xD0000000, s2;
	s6 =	simm.s32 $0x108;
	_ =	swait.ge @!p0 [sflag:s8], $0x0  }
0x24: {  	s3 =	sadd.s32 $0x88, s3;
	s6 =	simm.s32 @!p1 $0x1082;
	[sflag:s4] =	ssyncset.s32 $0xFFFFF086  }
0x25: {  	[simem:s6], [sflag:s4] =	dma.local [hbm:s3], $0xF7A  }
0x26: {  	[smem:$0x3F91] =	sst s1;
	(tag) =	ssettag s2;
	_ =	strace s9  }
0x27: {  	s1 =	sld [smem:$0x3FA1]  }
0x28: {  	s2 =	sld [smem:$0x3FA2]  }
0x29: {  	s4 =	sld [smem:$0x3FA4]  }
0x2a: {  	p0 =	seq.s32 s5, $0x0;
	s5 =	sld [smem:$0x3FA5]  }
0x2b: {  	s6 =	sld [smem:$0x3FA6]  }
0x2c: {  	s7 =	sld [smem:$0x3FA7]  }
0x2d: {  	s3 =	simm.s32 $0x108;
	s8 =	sld [smem:$0x3FA8]  }
0x2e: {  	s3 =	simm.s32 @!p0 $0x1082;
	s9 =	sld [smem:$0x3FA9]  }
0x2f: {  	lr =	sadd.s32 s0, s3;
	s0 =	sld [smem:$0x3FA0]  }
0x30: {  	s3 =	sld [smem:$0x3FA3]  }
0x31: {  	[smem:$0x3FAC] =	sst s10  }
0x32: {  	s10 =	sld [smem:$0x3FAA];
	_ =	sdelay $0x3  }
0x33: {  	p0 =	seq.s32 s10, $0x1;
	s10 =	sld [smem:$0x3FAC];
	_ =	sdelay $0x3  }
0x34: {  	[smem:$0x3FAC] =	sst s10  }
0x35: {  	s10 =	sld [smem:$0x3FAB];
	_ =	sdelay $0x3  }
0x36: {  	p1 =	seq.s32 s10, $0x1;
	s10 =	sld [smem:$0x3FAC];
	_ =	sdelay $0x3  }
0x37: {  	[smem:$0x3FAC] =	sst s10  }
0x38: {  	s10 =	sld [smem:$0x3FAD]  }
0x39: {  	_ = 	snop;
	(pc) =	sbr.ind lr, $3  }
0x3a: {  	_ = 	snop  }
0x3b: {  	_ = 	snop  }
0x3c: {  	p2 =	seq.s32 s10, $0x1;
	s10 =	sld [smem:$0x3FAC]  }
0x3d: {  	_ =	shalt  }
0x3e: {  	_ =	shalt  }
0x3f: {  	_ =	shalt  }
0x40: {  	_ =	shalt  }
0x41: {  	_ =	shalt  }
0x42: {  	_ =	shalt  }
0x43: {  	_ =	shalt  }
0x44: {  	_ =	shalt  }
0x45: {  	_ =	shalt  }
0x46: {  	_ =	shalt  }
0x47: {  	_ =	shalt  }
0x48: {  	_ =	shalt  }
0x49: {  	_ =	shalt  }
0x4a: {  	_ =	shalt  }
0x4b: {  	_ =	shalt  }
0x4c: {  	_ =	shalt  }
0x4d: {  	_ =	shalt  }
0x4e: {  	_ =	shalt  }
0x4f: {  	_ =	shalt  }
0x50: {  	_ =	shalt  }
0x51: {  	_ =	shalt  }
0x52: {  	_ =	shalt  }
0x53: {  	_ =	shalt  }
0x54: {  	_ =	shalt  }
0x55: {  	_ =	shalt  }
0x56: {  	_ =	shalt  }
0x57: {  	_ =	shalt  }
0x58: {  	_ =	shalt  }
0x59: {  	_ =	shalt  }
0x5a: {  	_ =	shalt  }
0x5b: {  	_ =	shalt  }
0x5c: {  	_ =	shalt  }
0x5d: {  	_ =	shalt  }
0x5e: {  	_ =	shalt  }
0x5f: {  	_ =	shalt  }
0x60: {  	_ =	shalt  }
0x61: {  	_ =	shalt  }
0x62: {  	_ =	shalt  }
0x63: {  	_ =	shalt  }
0x64: {  	_ =	shalt  }
0x65: {  	_ =	shalt  }
0x66: {  	_ =	shalt  }
0x67: {  	_ =	shalt  }
0x68: {  	_ =	shalt  }
0x69: {  	_ =	shalt  }
0x6a: {  	_ =	shalt  }
0x6b: {  	_ =	shalt  }
0x6c: {  	_ =	shalt  }
0x6d: {  	_ =	shalt  }
0x6e: {  	_ =	shalt  }
0x6f: {  	_ =	shalt  }
0x70: {  	_ =	shalt  }
0x71: {  	_ =	shalt  }
0x72: {  	_ =	shalt  }
0x73: {  	_ =	shalt  }
0x74: {  	_ =	shalt  }
0x75: {  	_ =	shalt  }
0x76: {  	_ =	shalt  }
0x77: {  	_ =	shalt  }
0x78: {  	_ =	shalt  }
0x79: {  	_ =	shalt  }
0x7a: {  	_ =	shalt  }
0x7b: {  	_ =	shalt  }
0x7c: {  	_ =	shalt  }
0x7d: {  	_ =	shalt  }
0x7e: {  	_ =	shalt  }
0x7f: {  	_ =	shalt  }
0x80: {  	_ =	shalt  }
0x81: {  	_ =	shalt  }
0x82: {  	_ =	shalt  }
0x83: {  	_ =	shalt  }
0x84: {  	_ =	shalt  }
0x85: {  	_ =	shalt  }
0x86: {  	_ =	shalt  }
0x87: {  	_ =	shalt  }
.Lfunc_end0:
.L_simem_size_0:
called_computation_lowered:
.L_overlay_start_0:
0x88: {  	s2 =	sld [smem:$0x3FD9]  }
0x89: {  	s3 =	sld [smem:$0x3FFE];
	_ =	sdelay $0x1  }
0x8a: {  	s1 =	srdreg.scid  }
0x8b: {  	s0 =	sand.u32 $0x1, s1  }
0x8c: {  	s17 =	sshll.u32 s0, $0xA;
	s2 =	sadd.s32 s3, s2  }
0x8d: {  	s2 =	sadd.s32 s2, s17  }
0x8e: {  	[smem:$0x3FB8] =	sst s2  }
0x8f: {  	_ = 	snop  }
0x90: {  	s2 =	sld [smem:$0x3FC9]  }
0x91: {  	s18 =	sld [smem:$0x3FD0];
	(tm) =	ssettm $0x1  }
0x92: {  	s4 =	sld [smem:$0x3FFB];
	_ =	sdelay $0x3  }
0x93: {  	_ =	strace s4  }
0x94: {  	s4 =	sld [smem:$0x3FFC];
	_ =	sdelay $0x3  }
0x95: {  	_ =	strace s4  }
0x96: {  	s4 =	sld [smem:$0x3FFD];
	_ =	sdelay $0x3  }
0x97: {  	_ =	strace s4  }
0x98: {  	_ =	strace $0x8FFFFFFF  }
0x99: {  	s19 =	sld [smem:$0x3FDB];
	_ =	sdelay $0x1  }
0x9a: {  	s5 =	simm.s32 $_scs_section_size  }
0x9b: {  	s6 =	simm.s32 $_size__tile_overlayer_lowered;
	s7 =	simm.s32 $_tile_overlayer_lowered  }
0x9c: {  	s22 =	simm.s32 $0x1BFF;
	s21 =	sshll.u32 s7, $0x1;
	s4 =	sadd.s32 s5, s19  }
0x9d: {  	s8 =	simm.s32 $0x0;
	s20 =	sshll.u32 s6, $0x1;
	s6 =	sadd.s32 s21, s4  }
0x9e: {  	[timem:s8], [sflag:s22] =	dma.local [hbm:s6], s20  }
0x9f: {  	_ =	swait.ge [sflag:s22], s20  }
0xa0: {  	s5 =	ssub.s32 $0x0, s20;
	[sflag:s22] =	ssyncset.done $0x0  }
0xa1: {  	[sflag:s22] =	ssyncadd.s32 s5;
	_ =	sdelay $0x1  }
0xa2: {  	s23 =	simm.s32 $0x1B8B  }
0xa3: {  	_ =	swait.ge [sflag:s23], $0x1  }
0xa4: {  	[sflag:s23] =	ssyncset.done $0x0  }
0xa5: {  	s25 =	simm.s32 $0x1B8E;
	s24 =	sld [smem:$0x3FFE];
	[sflag:s23] =	ssyncadd.s32 $0xFFFFFFFF  }
0xa6: {  	s26 =	simm.s32 $execute0_lowered;
	[smem:$0x3FD2] =	sst s25  }
0xa7: {  	s6 =	sshll.u32 s26, $0x1;
	_ =	strace $0x80000046;
	[dreg:$0x1] =	wrdreg $0xFFFFFFFF  }
0xa8: {  	s28 =	simm.s32 $_size_execute0_lowered;
	s4 =	sadd.s32 s4, s6;
	[dreg:$0x0] =	wrdreg $0x0  }
0xa9: {  	s6 =	sshll.u32 s28, $0x1;
	[dreg:$0x2] =	wrdreg s4  }
0xaa: {  	[dreg:$0x3] =	wrdreg s6  }
0xab: {  	[dreg:$0x4] =	wrdreg $0xC0  }
0xac: {  	_ =	task [dreg:s8], $0x5FFFF  }
0xad: {  	[dreg:$0x1] =	wrdreg $0xFFFFFFFF  }
0xae: {  	[dreg:$0x0] =	wrdreg $0x60  }
0xaf: {  	[dreg:$0x2] =	wrdreg s2  }
0xb0: {  	[dreg:$0x3] =	wrdreg s18  }
0xb1: {  	[dreg:$0x4] =	wrdreg s24  }
0xb2: {  	[dreg:$0x5] =	wrdreg $0x9  }
0xb3: {  	_ =	task.clear_ibuf [dreg:s8], $0x6FFFF;
	_ =	strace $0x90000046  }
0xb4: {  	s29 =	simm.s32 $0x9;
	_ =	strace $0x80000048  }
0xb5: {  	_ =	swait.ge [sflag:s29], $0x1  }
0xb6: {  	[sflag:s29] =	ssyncadd.s32 $0xFFFFFFFF  }
0xb7: {  	_ =	strace $0x90000048  }
0xb8: {  	_ =	sfence  }
0xb9: {  	s30 =	sld [smem:$0x0];
	_ =	sdelay $0x2  }
0xba: {  	s31 =	sshll.u32 s1, $0xD;
	s1 =	sshrl.u32 s1, $0x2  }
0xbb: {  	s3 =	sand.u32 $0x4000, s31;
	s1 =	sadd.s32 s1, s30  }
0xbc: {  	s0 =	sor.u32 s3, s0;
	s1 =	sshll.u32 s1, $0x11  }
0xbd: {  	s0 =	sor.u32 s1, s0  }
0xbe: {  	s0 =	sadd.s32 $0x8F2B, s0  }
0xbf: {  	[sflag:s0] =	ssyncadd.remote.s32 $0x1  }
0xc0: {  	_ =	sfence.sel $0xFFFF  }
0xc1: {  	[dreg:$0x0] =	wrdreg $0xFFFFFFFF;
	(pc) =	sbr.abs _section_cstart, $3  }
0xc2: {  	[dreg:$0x1] =	wrdreg $0xFFFFFFFF  }
0xc3: {  	_ =	task.clear_ibuf [dreg:s8], $0x2FFFF;
	_ =	strace $0x9FFFFFFF  }
0xc4: {  	(tm) =	ssettm $0x7FFFFFFF  }
0xc5: {  	_ =	shalt  }
tec
execute0_lowered:
.L_overlay_start_1:
0x0: {  	(tag) =	ssettag $0x1  }
0x1: {  	s1 =	rddreg [dreg:$0x0]  }
0x2: {  	s2 =	rddreg [dreg:$0x1]  }
0x3: {  	s8 =	rddreg [dreg:$0x2]  }
0x4: {  	s0 =	rddreg [dreg:$0x3];
	s3 =	simm.s32 $0x0  }
0x5: {  	s4 =	srdreg.scid;
	s12 =	simm.s32 $0x1;
	s13 =	simm.s32 $0x100  }
0x6: {  	s14 =	simm.s32 $0x180;
	s15 =	simm.s32 $0x80;
	s16 =	simm.s32 $0x280  }
0x7: {  	s17 =	simm.s32 $0x4280;
	s18 =	simm.s32 $0x9680;
	s19 =	simm.s32 $0x0  }
0x8: {  	s25 =	simm.s32 $0x0;
	[smem:$0x7FF] =	sst s3;
	s9 =	sand.u32 $0x1, s4  }
.Ltmp0:
0x9: {  	s5 =	sadd.s32 $0x5000, s8;
	s6 =	sadd.s32 $0xEE00, s8;
	(pc) =	sbr.rel .LBB2_1-.Ltmp0, $4  }
0xa: {  	s7 =	sadd.s32 $0xF000, s8;
	s4 =	stileid.u32;
	s10 =	ssub.s32 $0x2, s9  }
0xb: {  	s31 =	sshll.u32 s4, $0x3;
	s9 =	sshll.u32 s9, $0x2;
	s11 =	sshrl.u32 s10, $0x1  }
0xc: {  	s8 =	sadd.s32 $0x5F000, s8;
	s9 =	sor.u32 s9, s31;
	s10 =	ssub.s32 s10, s11  }
0xd: {  	v0 =	vimm.f32 $0.0e+00;
	_ =	strace $0x80000047;
	s11 =	simm.s32 $0x2;
	v1 =	vmov s9;
	s10 =	smax.u32 s10, $0x1  }
.LBB2_10:
0xe: {  	s19 =	sadd.s32 $0x1, s19  }
0xf: {  	p0 =	sne.s32 s19, s10  }
.Ltmp1:
0x10: {  	_ = 	snop;
	(pc) =	sbr.rel @!p0 .LBB2_11-.Ltmp1, $1  }
0x11: {  	_ =	sdelay $0x3  }
.LBB2_1:
.Ltmp2:
0x12: {  	(pc) =	sbr.rel .LBB2_2-.Ltmp2, $4  }
0x13: {  	[tilespmem:s3], [sflag:$0x2] =	stream.linear.gather [hbm4b:s6+s3], $0x100, $0x38;
	[tilespmem:$0xEA80] =	vst v63  }
0x14: {  	_ =	swait.ge [sflag:s11], $0x100  }
0x15: {  	[sflag:s11] =	ssyncset.done $0x0  }
0x16: {  	s20 =	simm.s32 $0x0;
	[sflag:s11] =	ssyncadd.s32 $0xFFFFFF00  }
.LBB2_9:
0x17: {  	s21 =	smul.u32 $0xA00, s21;
	_ =	sdelay $0x1  }
0x18: {  	s22 =	sadd.s32 s7, s21  }
0x19: {  	[hbm4b:s22+s3] =	stream.linear.scatter [tilespmem:s17], [sflag:$0x2], $0x5000, $0x38;
	[tilespmem:$0xEA80] =	vst v63  }
0x1a: {  	s20 =	sadd.s32 $0x1, s20;
	_ =	swait.ge [sflag:s11], $0x5000  }
0x1b: {  	p0 =	sne.s32 s20, $0x4;
	[sflag:s11] =	ssyncset.done $0x0  }
.Ltmp3:
0x1c: {  	s21 =	sadd.s32 s8, s21;
	[sflag:s11] =	ssyncadd.s32 $0xFFFFB000;
	(pc) =	sbr.rel @!p0 .LBB2_10-.Ltmp3, $4  }
0x1d: {  	[hbm4b:s21+s3] =	stream.linear.scatter [tilespmem:s18], [sflag:$0x2], $0x5000, $0x38;
	[tilespmem:$0xEA80] =	vst v63  }
0x1e: {  	_ =	swait.ge [sflag:s11], $0x5000  }
0x1f: {  	[sflag:s11] =	ssyncset.done $0x0  }
0x20: {  	[sflag:s11] =	ssyncadd.s32 $0xFFFFB000  }
.LBB2_2:
0x21: {  	_ =	sdelay $0x3  }
0x22: {  	s21 =	sadd.s32 s9, s20;
	v2 =	vld.idx.msk [tilespmem:v1+s20+$0x0 ss:$0x1], $0xffff;
	s22 =	simm.s32 $0x0;
	s23 =	simm.s32 $0x200  }
.LBB2_3:
0x23: {  	p0 =	seq.s32 s23, $0x14000;
	[tilespmem:s22+$0x9680] =	vst v0  }
0x24: {  	[tilespmem:s22+$0x4280] =	vst v0  }
0x25: {  	[tilespmem:s22+$0x4290] =	vst v0  }
0x26: {  	[tilespmem:s22+$0x42A0] =	vst v0  }
.Ltmp4:
0x27: {  	[tilespmem:s22+$0x42B0] =	vst v0;
	(pc) =	sbr.rel @!p0 .LBB2_3-.Ltmp4, $4  }
0x28: {  	[tilespmem:s22+$0x42C0] =	vst v0  }
0x29: {  	[tilespmem:s22+$0x42D0] =	vst v0  }
0x2a: {  	[tilespmem:s22+$0x42E0] =	vst v0  }
0x2b: {  	[tilespmem:s22+$0x42F0] =	vst v0;
	s22 =	sshra.s32 s23, $0x2;
	s23 =	sadd.s32 $0x200, s23  }
0x2c: {  	(v2sf) =	vpush v2, $0x0;
	_ =	sdelay $0x6  }
0x2d: {  	(v2sf) =	vpush v2, $0x1;
	_ =	sdelay $0x3  }
0x2e: {  	[tilespmem:s22+$0x9680] =	vst v0  }
0x2f: {  	[tilespmem:s22+$0x4280] =	vst v0  }
0x30: {  	[tilespmem:s22+$0x4290] =	vst v0  }
0x31: {  	[tilespmem:s22+$0x42A0] =	vst v0  }
0x32: {  	[tilespmem:s22+$0x42B0] =	vst v0;
	s26 =	spop (v2sf)  }
0x33: {  	[tilespmem:s22+$0x42C0] =	vst v0;
	s23 =	sand.u32 $0x7, s26  }
0x34: {  	[tilespmem:s22+$0x42D0] =	vst v0;
	s24 =	sshra.s32 s26, $0x1F;
	p0 =	slt.s32 s26, $0x1;
	p1 =	sne.s32 s23, $0x0  }
0x35: {  	[tilespmem:s22+$0x42E0] =	vst v0;
	s28 =	sshrl.u32 s24, $0x1D;
	p0 =	por !p0, !p1  }
0x36: {  	[tilespmem:s22+$0x42F0] =	vst v0;
	s23 =	simm.s32 $0x1;
	s22 =	sadd.s32 s28, s26;
	p0 =	por !p0, !p0  }
0x37: {  	s22 =	sshrl.u32 s22, $0x3;
	s23 =	simm.s32 @!p0 $0x0  }
0x38: {  	s22 =	ssub.s32 s22, s23  }
0x39: {  	s29 =	spop (v2sf);
	s22 =	sshll.u32 s22, $0x3  }
0x3a: {  	s23 =	ssub.s32 s29, s22  }
0x3b: {  	s23 =	sadd.s32 $0x7F, s23  }
0x3c: {  	s30 =	sand.u32 $0x7F, s23  }
0x3d: {  	s31 =	sshra.s32 s23, $0x1F;
	p6 =	slt.s32 s23, $0x1;
	p5 =	sne.s32 s30, $0x0  }
0x3e: {  	s24 =	sshrl.u32 s31, $0x19;
	p0 =	por !p6, !p5  }
0x3f: {  	s23 =	sadd.s32 s24, s23;
	s24 =	simm.s32 $0x1;
	p0 =	por !p0, !p0  }
0x40: {  	s23 =	sshra.s32 s23, $0x7;
	s24 =	simm.s32 @!p0 $0x0  }
0x41: {  	s23 =	ssub.s32 s23, s24  }
0x42: {  	p0 =	sgt.s32 s23, $0x0  }
.Ltmp5:
0x43: {  	_ = 	snop;
	(pc) =	sbr.rel @!p0 .LBB2_9-.Ltmp5, $1  }
0x44: {  	_ =	sdelay $0x3  }
0x45: {  	s24 =	smul.u32 $0xFFFFFF60, s21;
	s26 =	simm.s32 $0x0  }
.LBB2_6:
0x46: {  	s28 =	sshll.u32 s26, $0x7  }
0x47: {  	s28 =	sadd.s32 s22, s28  }
0x48: {  	s28 =	sshrl.u32 s28, $0x3  }
0x49: {  	s29 =	sadd.s32 s2, s28  }
0x4a: {  	[tilespmem:s13], [sflag:$0x2] =	stream.linear.gather [hbm4b:s29+s25], $0x80, $0x38;
	[tilespmem:$0xEA80] =	vst v63  }
0x4b: {  	_ =	swait.ge [sflag:s11], $0x80  }
0x4c: {  	[sflag:s11] =	ssyncset.done $0x0  }
0x4d: {  	s28 =	sadd.s32 s5, s28;
	[sflag:s11] =	ssyncadd.s32 $0xFFFFFF80  }
0x4e: {  	[tilespmem:s14], [sflag:$0x2] =	stream.linear.gather [hbm4b:s28+s25], $0x80, $0x38;
	[tilespmem:$0xEA80] =	vst v63  }
0x4f: {  	_ =	swait.ge [sflag:s11], $0x80  }
0x50: {  	[sflag:s11] =	ssyncset.done $0x0  }
0x51: {  	[sflag:s11] =	ssyncadd.s32 $0xFFFFFF80  }
0x52: {  	[tilespmem:s16], [sflag:$0x1] =	stream.indirect.gather [hbm4b:s1+s15], $0x80, s13, s15, $0xb8;
	[tilespmem:$0xEA80] =	vst v63  }
0x53: {  	_ =	swait.ge [sflag:s12], $0x4000  }
0x54: {  	[sflag:s12] =	ssyncset.done $0x0  }
0x55: {  	s28 =	simm.s32 $0x0;
	[sflag:s12] =	ssyncadd.s32 $0xFFFFC000  }
0x56: {  	v2 =	vld [tilespmem:s28+$0x180];
	_ =	sdelay $0x4  }
0x57: {  	(v2sf) =	vpush v2, $0x0;
	_ =	sdelay $0xe  }
0x58: {  	s28 =	spop (v2sf)  }
0x59: {  	s29 =	sadd.s32 s24, s28  }
0x5a: {  	s28 =	simm.s32 $0x2C0;
	s29 =	smin.u32 s29, $0xA0  }
0x5b: {  	v2 =	vld [tilespmem:s28+$0xFFFFFFC0];
	s30 =	sshll.u32 s29, $0x7  }
0x5c: {  	v3 =	vld [tilespmem:s30+$0x4280];
	_ =	sdelay $0x4  }
0x5d: {  	v2 =	vadd.f32 v2, v3;
	_ =	sdelay $0x1  }
0x5e: {  	[tilespmem:s30+$0x4280] =	vst v2;
	v2 =	vld [tilespmem:s30+$0x4290]  }
0x5f: {  	v3 =	vld [tilespmem:s28+$0xFFFFFFD0];
	_ =	sdelay $0x4  }
0x60: {  	v2 =	vadd.f32 v3, v2;
	_ =	sdelay $0x1  }
0x61: {  	[tilespmem:s30+$0x4290] =	vst v2;
	v2 =	vld [tilespmem:s30+$0x42A0]  }
0x62: {  	v3 =	vld [tilespmem:s28+$0xFFFFFFE0];
	_ =	sdelay $0x4  }
0x63: {  	v2 =	vadd.f32 v3, v2;
	_ =	sdelay $0x1  }
0x64: {  	[tilespmem:s30+$0x42A0] =	vst v2;
	v2 =	vld [tilespmem:s30+$0x42B0]  }
0x65: {  	v3 =	vld [tilespmem:s28+$0xFFFFFFF0];
	_ =	sdelay $0x4  }
0x66: {  	v2 =	vadd.f32 v3, v2;
	_ =	sdelay $0x1  }
0x67: {  	[tilespmem:s30+$0x42B0] =	vst v2;
	v2 =	vld [tilespmem:s30+$0x42C0]  }
0x68: {  	v3 =	vld [tilespmem:s28+$0x0];
	_ =	sdelay $0x4  }
0x69: {  	v2 =	vadd.f32 v3, v2;
	_ =	sdelay $0x1  }
0x6a: {  	[tilespmem:s30+$0x42C0] =	vst v2;
	v2 =	vld [tilespmem:s30+$0x42D0]  }
0x6b: {  	v3 =	vld [tilespmem:s28+$0x10];
	_ =	sdelay $0x4  }
0x6c: {  	v2 =	vadd.f32 v3, v2;
	_ =	sdelay $0x1  }
0x6d: {  	[tilespmem:s30+$0x42D0] =	vst v2;
	v2 =	vld [tilespmem:s30+$0x42E0]  }
0x6e: {  	v3 =	vld [tilespmem:s28+$0x20];
	_ =	sdelay $0x4  }
0x6f: {  	v2 =	vadd.f32 v3, v2  }
0x70: {  	v3 =	vld [tilespmem:s30+$0x9680]  }
0x71: {  	[tilespmem:s30+$0x42E0] =	vst v2;
	v2 =	vld [tilespmem:s30+$0x42F0]  }
0x72: {  	v4 =	vld [tilespmem:s28+$0x30];
	_ =	sdelay $0x3  }
0x73: {  	v3 =	vadd.f32 $1.000000000e+00, v3  }
0x74: {  	v2 =	vadd.f32 v4, v2  }
0x75: {  	[tilespmem:s30+$0x9680] =	vst v3  }
0x76: {  	s31 =	simm.s32 $0x1;
	s29 =	simm.s32 $0x8;
	[tilespmem:s30+$0x42F0] =	vst v2  }
.LBB2_7:
0x77: {  	p0 =	sne.s32 s29, $0x1FC;
	v2 =	vld [tilespmem:s31+$0x180];
	_ =	sdelay $0x4  }
0x78: {  	(v2sf) =	vpush v2, $0x0;
	_ =	sdelay $0xe  }
0x79: {  	s30 =	spop (v2sf)  }
0x7a: {  	s30 =	sadd.s32 s24, s30  }
0x7b: {  	s28 =	sadd.s32 $0x80, s28;
	s30 =	smin.u32 s30, $0xA0  }
0x7c: {  	s30 =	sshll.u32 s30, $0x7;
	v2 =	vld [tilespmem:s28+$0xFFFFFFC0]  }
0x7d: {  	v3 =	vld [tilespmem:s30+$0x4280]  }
0x7e: {  	v4 =	vld [tilespmem:s30+$0x9680];
	_ =	sdelay $0x3  }
0x7f: {  	v2 =	vadd.f32 v2, v3  }
0x80: {  	v3 =	vadd.f32 $1.000000000e+00, v4  }
0x81: {  	[tilespmem:s30+$0x4280] =	vst v2;
	v2 =	vld [tilespmem:s30+$0x4290]  }
0x82: {  	v4 =	vld [tilespmem:s28+$0xFFFFFFD0];
	_ =	sdelay $0x4  }
0x83: {  	v2 =	vadd.f32 v4, v2;
	_ =	sdelay $0x1  }
0x84: {  	[tilespmem:s30+$0x4290] =	vst v2;
	v2 =	vld [tilespmem:s30+$0x42A0]  }
0x85: {  	v4 =	vld [tilespmem:s28+$0xFFFFFFE0];
	_ =	sdelay $0x4  }
0x86: {  	v2 =	vadd.f32 v4, v2;
	_ =	sdelay $0x1  }
0x87: {  	[tilespmem:s30+$0x42A0] =	vst v2;
	v2 =	vld [tilespmem:s30+$0x42B0]  }
0x88: {  	v4 =	vld [tilespmem:s28+$0xFFFFFFF0];
	_ =	sdelay $0x4  }
0x89: {  	v2 =	vadd.f32 v4, v2;
	_ =	sdelay $0x1  }
0x8a: {  	[tilespmem:s30+$0x42B0] =	vst v2;
	v2 =	vld [tilespmem:s30+$0x42C0]  }
0x8b: {  	v4 =	vld [tilespmem:s28+$0x0];
	_ =	sdelay $0x4  }
0x8c: {  	v2 =	vadd.f32 v4, v2;
	_ =	sdelay $0x1  }
0x8d: {  	[tilespmem:s30+$0x42C0] =	vst v2;
	v2 =	vld [tilespmem:s30+$0x42D0]  }
0x8e: {  	v4 =	vld [tilespmem:s28+$0x10];
	_ =	sdelay $0x4  }
0x8f: {  	v2 =	vadd.f32 v4, v2;
	_ =	sdelay $0x1  }
0x90: {  	[tilespmem:s30+$0x42D0] =	vst v2;
	v2 =	vld [tilespmem:s30+$0x42E0]  }
0x91: {  	v4 =	vld [tilespmem:s28+$0x20];
	_ =	sdelay $0x4  }
0x92: {  	v2 =	vadd.f32 v4, v2;
	_ =	sdelay $0x1  }
0x93: {  	[tilespmem:s30+$0x42E0] =	vst v2;
	v2 =	vld [tilespmem:s30+$0x42F0]  }
0x94: {  	v4 =	vld [tilespmem:s28+$0x30];
	[tilespmem:s30+$0x9680] =	vst v3;
	_ =	sdelay $0x2  }
.Ltmp6:
0x95: {  	(pc) =	sbr.rel @p0 .LBB2_7-.Ltmp6, $3  }
0x96: {  	_ = 	snop  }
0x97: {  	v2 =	vadd.f32 v4, v2;
	_ =	sdelay $0x1  }
0x98: {  	s31 =	sshra.s32 s29, $0x2;
	s29 =	sadd.s32 $0x4, s29;
	[tilespmem:s30+$0x42F0] =	vst v2  }
0x99: {  	v2 =	vld [tilespmem:s31+$0x180];
	_ =	sdelay $0x4  }
0x9a: {  	(v2sf) =	vpush v2, $0x0;
	_ =	sdelay $0xe  }
0x9b: {  	s29 =	spop (v2sf)  }
0x9c: {  	s29 =	sadd.s32 s24, s29  }
0x9d: {  	s28 =	sadd.s32 $0x80, s28;
	s29 =	smin.u32 s29, $0xA0  }
0x9e: {  	v2 =	vld [tilespmem:s28+$0xFFFFFFC0];
	s29 =	sshll.u32 s29, $0x7  }
0x9f: {  	v3 =	vld [tilespmem:s29+$0x4280];
	_ =	sdelay $0x4  }
0xa0: {  	v2 =	vadd.f32 v2, v3;
	_ =	sdelay $0x1  }
0xa1: {  	[tilespmem:s29+$0x4280] =	vst v2;
	v2 =	vld [tilespmem:s29+$0x4290]  }
0xa2: {  	v3 =	vld [tilespmem:s28+$0xFFFFFFD0];
	_ =	sdelay $0x4  }
0xa3: {  	v2 =	vadd.f32 v3, v2;
	_ =	sdelay $0x1  }
0xa4: {  	[tilespmem:s29+$0x4290] =	vst v2;
	v2 =	vld [tilespmem:s29+$0x42A0]  }
0xa5: {  	v3 =	vld [tilespmem:s28+$0xFFFFFFE0];
	_ =	sdelay $0x4  }
0xa6: {  	v2 =	vadd.f32 v3, v2;
	_ =	sdelay $0x1  }
0xa7: {  	[tilespmem:s29+$0x42A0] =	vst v2;
	v2 =	vld [tilespmem:s29+$0x42B0]  }
0xa8: {  	v3 =	vld [tilespmem:s28+$0xFFFFFFF0];
	_ =	sdelay $0x4  }
0xa9: {  	v2 =	vadd.f32 v3, v2;
	_ =	sdelay $0x1  }
0xaa: {  	[tilespmem:s29+$0x42B0] =	vst v2;
	v2 =	vld [tilespmem:s29+$0x42C0]  }
0xab: {  	v3 =	vld [tilespmem:s28+$0x0];
	_ =	sdelay $0x4  }
0xac: {  	v2 =	vadd.f32 v3, v2;
	_ =	sdelay $0x1  }
0xad: {  	[tilespmem:s29+$0x42C0] =	vst v2;
	v2 =	vld [tilespmem:s29+$0x42D0]  }
0xae: {  	v3 =	vld [tilespmem:s28+$0x10];
	_ =	sdelay $0x4  }
0xaf: {  	v2 =	vadd.f32 v3, v2;
	_ =	sdelay $0x1  }
0xb0: {  	[tilespmem:s29+$0x42D0] =	vst v2;
	v2 =	vld [tilespmem:s29+$0x42E0]  }
0xb1: {  	v3 =	vld [tilespmem:s28+$0x20];
	_ =	sdelay $0x4  }
0xb2: {  	v2 =	vadd.f32 v3, v2  }
0xb3: {  	v3 =	vld [tilespmem:s29+$0x9680]  }
0xb4: {  	[tilespmem:s29+$0x42E0] =	vst v2;
	v2 =	vld [tilespmem:s29+$0x42F0]  }
0xb5: {  	v4 =	vld [tilespmem:s28+$0x30]  }
0xb6: {  	s26 =	sadd.s32 $0x1, s26  }
0xb7: {  	p0 =	sne.s32 s26, s23  }
.Ltmp7:
0xb8: {  	_ = 	snop;
	(pc) =	sbr.rel @p0 .LBB2_6-.Ltmp7, $4  }
.Ltmp8:
0xb9: {  	v3 =	vadd.f32 $1.000000000e+00, v3;
	(pc) =	sbr.rel @!p0 .LBB2_9-.Ltmp8, $4  }
0xba: {  	v2 =	vadd.f32 v4, v2  }
0xbb: {  	[tilespmem:s29+$0x9680] =	vst v3  }
0xbc: {  	[tilespmem:s29+$0x42F0] =	vst v2  }
0xbd: {  	_ = 	snop  }
.LBB2_11:
0xbe: {  	_ =	sfence.sel $0x180000  }
0xbf: {  	[bflag:$0x0] =	sbarrier.arrive $0xFFFF  }
0xc0: {  	p0 =	sne.s32 s4, $0x0;
	_ =	strace $0x90000047  }
0xc1: {  	s0 =	sadd.s32 @!p0 $0x100000, s0;
	[bflag:$0x2] =	sbarrier.arrive $0xFFFF  }
0xc2: {  	[sflag:s0] =	ssyncadd.tile.s32 @!p0 $0x1;
	_ =	shalt  }
.Lfunc_end2:
_tile_overlayer_lowered:
.L_overlay_start_2:
0xc3: {  	(tag) =	ssettag $0x2  }
0xc4: {  	s0 =	rddreg [dreg:$0x0];
	s2 =	stileid.u32  }
0xc5: {  	s1 =	rddreg [dreg:$0x1];
	p0 =	sne.s32 s2, $0x0  }
0xc6: {  	s3 =	rddreg [dreg:$0x2];
	[bflag:$0x3] =	sbarrier.arrive $0xFFFF;
	s2 =	simm.s32 @!p0 $0x1C02  }
0xc7: {  	[timem:s3], [sflag:s2] =	dma.local @!p0 [hbm:s0], s1  }
0xc8: {  	s0 =	simm.s32 @!p0 $0x2  }
0xc9: {  	_ =	swait.ge @!p0 [sflag:s0], s1  }
0xca: {  	s1 =	ssub.s32 @!p0 $0x0, s1;
	[sflag:s0] =	ssyncset.done @!p0 $0x0  }
0xcb: {  	[sflag:s0] =	ssyncadd.s32 @!p0 s1  }
0xcc: {  	[bflag:$0x3] =	sbarrier.arrive $0xFFFF  }
0xcd: {  	_ =	shalt  }

</sc_bundles>
